<compile_context>
chip_gen: v7x
topology: tpu7x:2x2x1
jax: 0.10.2.dev20260603
libtpu: 0.0.44.dev20260713+nightly
codegen_flags: <defaults>
</compile_context>

<pallas_src>
import functools

import jax
import jax.numpy as jnp
from jax import lax
from jax.experimental import pallas as pl
from jax.experimental.pallas import tpu as pltpu
from jax.experimental.pallas import tpu_sc as plsc

HIDDEN = 768
INTER = 1536
E = 8
CAP = 256
T = 2048
EPS = 1e-06

NC = 2
NS = 16
L = 16
NW = NC * NS
TPW = T // NW


def _sc_mesh():
    return plsc.VectorSubcoreMesh(
        core_axis_name="c", subcore_axis_name="s", num_cores=NC, num_subcores=NS
    )


_SC_PARAMS = pltpu.CompilerParams(needs_layout_passes=False)


def _wid():
    return lax.axis_index("s") * NC + lax.axis_index("c")



def _router(x_flat, gate_norm_w, gate_w):
    var = jnp.mean(jnp.square(x_flat), axis=-1, keepdims=True)
    x_norm = x_flat * lax.rsqrt(var + EPS) * gate_norm_w
    v2 = jnp.mean(jnp.square(x_norm), axis=-1, keepdims=True)
    xr = x_norm * lax.rsqrt(v2 + 1e-08)
    s = 127.0 / jnp.clip(jnp.max(jnp.abs(xr), axis=-1, keepdims=True), 1e-05, None)
    xq = jnp.clip(jnp.round(xr * s), -128, 127) / s
    xq = xr + lax.stop_gradient(xq - xr)
    ws = 1.0 / jnp.clip(jnp.mean(jnp.abs(gate_w)), 1e-05, None)
    wq = jnp.clip(jnp.round(gate_w * ws), -1, 1) / ws
    wq = gate_w + lax.stop_gradient(wq - gate_w)
    logits = xq @ wq.T
    probs = jax.nn.softmax(logits, axis=-1)
    top_w, top_i = jax.lax.top_k(probs, 2)
    return top_w, top_i



def _build_compact_gather(interpret=False):
    @functools.partial(
        pl.kernel,
        out_type=(
            jax.ShapeDtypeStruct((E * CAP, HIDDEN), jnp.float32),
            jax.ShapeDtypeStruct((E, T), jnp.int32),
        ),
        mesh=_sc_mesh(),
        scratch_types=[
            pltpu.VMEM((2 * T,), jnp.int32),
            pltpu.VMEM((CAP,), jnp.int32),
            pltpu.VMEM((T,), jnp.int32),
            pltpu.VMEM((TPW, HIDDEN), jnp.float32),
            pltpu.SemaphoreType.DMA,
        ],
        compiler_params=_SC_PARAMS,
        interpret=interpret,
    )
    def compact_gather(ti_hbm, x_hbm, disp_out, pos_out,
                       ti_v, tok_v, pos_v, rows_v, sem):
        wid = _wid()
        e = wid // (NW // E)
        sub = wid % (NW // E)
        pltpu.sync_copy(ti_hbm, ti_v)

        def zero_body(i, carry):
            tok_v[pl.ds(i * L, L)] = jnp.zeros((L,), jnp.int32)
            return carry

        lax.fori_loop(0, CAP // L, zero_body, 0)

        def chunk(i, running):
            base = i * L
            tid = base + lax.iota(jnp.int32, L)
            i0 = plsc.load_gather(ti_v, [2 * tid])
            i1 = plsc.load_gather(ti_v, [2 * tid + 1])
            sel = (i0 == e) | (i1 == e)
            inc = sel.astype(jnp.int32)
            pos = running + plsc.cumsum(inc) - 1
            keep = sel & (pos < CAP)
            pos_v[pl.ds(base, L)] = jnp.where(keep, pos, -1)
            plsc.store_scatter(tok_v, [jnp.where(keep, pos, 0)], tid, mask=keep)
            return running + jnp.sum(inc)

        lax.fori_loop(0, T // L, chunk, 0)

        @pl.when(sub == 0)
        def _():
            pltpu.sync_copy(pos_v, pos_out.at[e])

        pltpu.async_copy(
            x_hbm.at[tok_v.at[pl.ds(sub * TPW, TPW)]], rows_v, sem
        ).wait()
        pltpu.sync_copy(rows_v, disp_out.at[pl.ds(wid * TPW, TPW)])

    return compact_gather



def _quant_act(x):
    v = jnp.mean(jnp.square(x), axis=-1, keepdims=True)
    xr = x * lax.rsqrt(v + 1e-08)
    s = 127.0 / jnp.clip(jnp.max(jnp.abs(xr), axis=-1, keepdims=True), 1e-05, None)
    return jnp.clip(jnp.round(xr * s), -128, 127) / s


def _quant_w(w):
    n = w.shape[0] * w.shape[1]
    aw = jnp.sum(jnp.abs(w), axis=0)
    s = 1.0 / jnp.clip(jnp.sum(aw) / n, 1e-05, None)
    c = 1.0 / s
    t = jnp.clip(jnp.round(w * s), -1, 1)
    return t, c.astype(jnp.bfloat16).astype(jnp.float32)


def _bf16_dot_t(x, w):
    return lax.dot_general(
        x.astype(jnp.bfloat16),
        w.astype(jnp.bfloat16),
        (((1,), (1,)), ((), ())),
        preferred_element_type=jnp.float32,
    )


def _mlp_body(xg_ref, w1_ref, w2_ref, out_ref):
    xg = xg_ref[...]
    t1, c1 = _quant_w(w1_ref[0])
    y = _bf16_dot_t(_quant_act(xg), t1) * c1
    g = y[:, :INTER]
    h = y[:, INTER:]
    a = g * lax.logistic(g) * h
    t2, c2 = _quant_w(w2_ref[0])
    out_ref[...] = _bf16_dot_t(_quant_act(a), t2) * c2


def _expert_mlps(dispatch, gate_proj_w, down_proj_w, interpret=False):
    return pl.pallas_call(
        _mlp_body,
        grid=(E,),
        in_specs=[
            pl.BlockSpec((CAP, HIDDEN), lambda e: (e, 0)),
            pl.BlockSpec((1, 2 * INTER, HIDDEN), lambda e: (e, 0, 0)),
            pl.BlockSpec((1, HIDDEN, INTER), lambda e: (e, 0, 0)),
        ],
        out_specs=pl.BlockSpec((CAP, HIDDEN), lambda e: (e, 0)),
        out_shape=jax.ShapeDtypeStruct((E * CAP, HIDDEN), jnp.float32),
        interpret=interpret,
    )(dispatch, gate_proj_w, down_proj_w)



def _build_combine(interpret=False):
    @functools.partial(
        pl.kernel,
        out_type=jax.ShapeDtypeStruct((T, HIDDEN), jnp.float32),
        mesh=_sc_mesh(),
        scratch_types=[
            pltpu.VMEM((E * T,), jnp.int32),
            pltpu.VMEM((2 * TPW,), jnp.int32),
            pltpu.VMEM((2 * TPW,), jnp.float32),
            pltpu.VMEM((TPW,), jnp.int32),
            pltpu.VMEM((TPW,), jnp.int32),
            pltpu.VMEM((TPW,), jnp.float32),
            pltpu.VMEM((TPW,), jnp.float32),
            pltpu.VMEM((TPW, HIDDEN), jnp.float32),
            pltpu.VMEM((TPW, HIDDEN), jnp.float32),
            pltpu.SemaphoreType.DMA,
        ],
        compiler_params=_SC_PARAMS,
        interpret=interpret,
    )
    def combine(eo_hbm, pos_hbm, ti_hbm, tw_hbm, out_hbm,
                pos_v, ti_v, tw_v, s0_v, s1_v, w0_v, w1_v, r0_v, r1_v, sem):
        base = _wid() * TPW
        pltpu.sync_copy(pos_hbm, pos_v)
        pltpu.sync_copy(ti_hbm.at[pl.ds(2 * base, 2 * TPW)], ti_v)
        pltpu.sync_copy(tw_hbm.at[pl.ds(2 * base, 2 * TPW)], tw_v)

        for ch in range(TPW // L):
            tl = ch * L + lax.iota(jnp.int32, L)
            e0 = plsc.load_gather(ti_v, [2 * tl])
            e1 = plsc.load_gather(ti_v, [2 * tl + 1])
            w0 = plsc.load_gather(tw_v, [2 * tl])
            w1 = plsc.load_gather(tw_v, [2 * tl + 1])
            p0 = plsc.load_gather(pos_v, [e0 * T + base + tl])
            p1 = plsc.load_gather(pos_v, [e1 * T + base + tl])
            s0_v[pl.ds(ch * L, L)] = e0 * CAP + jnp.maximum(p0, 0)
            s1_v[pl.ds(ch * L, L)] = e1 * CAP + jnp.maximum(p1, 0)
            w0_v[pl.ds(ch * L, L)] = jnp.where(p0 >= 0, w0, 0.0)
            w1_v[pl.ds(ch * L, L)] = jnp.where(p1 >= 0, w1, 0.0)

        pltpu.async_copy(eo_hbm.at[s0_v], r0_v, sem).wait()
        pltpu.async_copy(eo_hbm.at[s1_v], r1_v, sem).wait()

        def per_tok(t, carry):
            ws0 = plsc.load_gather(w0_v, [jnp.full((L,), 0, jnp.int32) + t])
            ws1 = plsc.load_gather(w1_v, [jnp.full((L,), 0, jnp.int32) + t])
            for j in range(HIDDEN // L):
                sl = pl.ds(j * L, L)
                r0_v[t, sl] = r0_v[t, sl] * ws0 + r1_v[t, sl] * ws1
            return carry

        lax.fori_loop(0, TPW, per_tok, 0)
        pltpu.sync_copy(r0_v, out_hbm.at[pl.ds(base, TPW)])

    return combine



def _moe(x, gate_norm_w, gate_w, gate_proj_w, down_proj_w, interpret=False):
    B, S, H = x.shape
    x_flat = x.reshape(-1, H)

    top_w, top_i = _router(x_flat, gate_norm_w, gate_w)
    ti_flat = top_i.reshape(-1).astype(jnp.int32)
    tw_flat = top_w.reshape(-1)

    dispatch, pos = _build_compact_gather(interpret)(ti_flat, x_flat)
    eo = _expert_mlps(dispatch, gate_proj_w, down_proj_w, interpret)
    out = _build_combine(interpret)(eo, pos.reshape(-1), ti_flat, tw_flat)
    return out.reshape(B, S, H)


def kernel(x, gate_norm_w, gate_w, gate_proj_w, down_proj_w):
    return _moe(x, gate_norm_w, gate_w, gate_proj_w, down_proj_w)

# --- scband reference (transcript-rebuilt; emitter-appended) ---
"""Pipeline reference for scband-hgrnbit-mo-e-67267777790428 (READ-ONLY COPY).

The authoritative reference and input builder live on the scoring server;
editing this copy changes nothing except your own understanding.
"""

import jax, jax.numpy as jnp
import numpy as np

HIDDEN = 768
INTER = 1536
NUM_EXPERTS = 8
TOP_K = 2
EPS = 1e-06
EXPERT_CAP = int(INTER * 1.5)


def setup_inputs(seed: int = 0):
    key = jax.random.key(seed)
    ks = jax.random.split(key, 4)
    x = jax.random.normal(ks[0], (1, 2048, HIDDEN), dtype=jnp.float32)
    gate_norm_w = jnp.ones((HIDDEN,), dtype=jnp.float32)
    gate_w = jax.random.normal(ks[1], (NUM_EXPERTS, HIDDEN), dtype=jnp.float32) * 0.02
    gate_proj_w = jax.random.normal(ks[2], (NUM_EXPERTS, 2 * INTER, HIDDEN), dtype=jnp.float32) * 0.02
    down_proj_w = jax.random.normal(ks[3], (NUM_EXPERTS, HIDDEN, INTER), dtype=jnp.float32) * 0.02
    return {"x": x, "gate_norm_w": gate_norm_w, "gate_w": gate_w,
            "gate_proj_w": gate_proj_w, "down_proj_w": down_proj_w}


def _rms_norm(x, eps):
    var = jnp.mean(jnp.square(x), axis=-1, keepdims=True)
    return x * jax.lax.rsqrt(var + eps)


def _activation_quant(x):
    scale = 127.0 / jnp.clip(jnp.max(jnp.abs(x), axis=-1, keepdims=True), 1e-05, None)
    return jnp.clip(jnp.round(x * scale), -128, 127) / scale


def _weight_quant(w):
    scale = 1.0 / jnp.clip(jnp.mean(jnp.abs(w)), 1e-05, None)
    return jnp.clip(jnp.round(w * scale), -1, 1) / scale


def _bit_linear(x, w):
    # BitNet b1.58 linear: parameter-free RMS norm + STE activation/weight quantization
    x_norm = _rms_norm(x, 1e-08)
    x_q = x_norm + jax.lax.stop_gradient(_activation_quant(x_norm) - x_norm)
    w_q = w + jax.lax.stop_gradient(_weight_quant(w) - w)
    return x_q @ w_q.T


def _expert_mlp(x, gate_proj_w, down_proj_w):
    y = _bit_linear(x, gate_proj_w)
    gate, h = jnp.split(y, 2, axis=-1)
    return _bit_linear(jax.nn.silu(gate) * h, down_proj_w)


def reference(x, gate_norm_w, gate_w, gate_proj_w, down_proj_w):
    B, S, H = x.shape
    x_flat = x.reshape(-1, H)
    T = x_flat.shape[0]
    # gate_norm (learnable RMSNorm) then BitLinear router
    x_norm = _rms_norm(x_flat, EPS) * gate_norm_w
    gate_logits = _bit_linear(x_norm, gate_w)
    probs = jax.nn.softmax(gate_logits, axis=-1)
    top_w, top_i = jax.lax.top_k(probs, TOP_K)
    capacity = min(EXPERT_CAP, T // NUM_EXPERTS)
    # scatter top-k weights into a dense [T, E] mask (torch scatter_)
    expert_mask = jnp.zeros((T, NUM_EXPERTS), dtype=probs.dtype)
    expert_mask = expert_mask.at[jnp.arange(T)[:, None], top_i].set(top_w)
    sel = expert_mask > 0
    # capacity truncation: keep the first `capacity` selected tokens per expert
    pos = jnp.cumsum(sel.astype(jnp.int32), axis=0) - 1
    keep = sel & (pos < capacity)
    comb = expert_mask * keep.astype(expert_mask.dtype)
    outputs = jnp.zeros_like(x_flat)
    for e in range(NUM_EXPERTS):
        y = _expert_mlp(x_flat, gate_proj_w[e], down_proj_w[e])
        outputs = outputs + comb[:, e:e + 1] * y
    return outputs.reshape(B, S, H)

if __name__ == "__main__":
    import jax
    _d = setup_inputs()
    print(jax.jit(kernel)(*tuple(_d.values())))

</pallas_src>

<mosaic_0001>
#map = affine_map<(d0, d1) -> (0, 0)>
#map1 = affine_map<(d0, d1) -> (0)>
module attributes {stable_mosaic.version = 14 : i64} {
  func.func @combine(%arg0: i32, %arg1: i32, %arg2: memref<2048x768xf32, #tpu.memory_space<hbm>>, %arg3: memref<16384xi32, #tpu.memory_space<hbm>>, %arg4: memref<4096xi32, #tpu.memory_space<hbm>>, %arg5: memref<4096xf32, #tpu.memory_space<hbm>>, %arg6: memref<2048x768xf32, #tpu.memory_space<hbm>>, %arg7: memref<16384xi32, #tpu.memory_space<vmem>>, %arg8: memref<128xi32, #tpu.memory_space<vmem>>, %arg9: memref<128xf32, #tpu.memory_space<vmem>>, %arg10: memref<64xi32, #tpu.memory_space<vmem>>, %arg11: memref<64xi32, #tpu.memory_space<vmem>>, %arg12: memref<64xf32, #tpu.memory_space<vmem>>, %arg13: memref<64xf32, #tpu.memory_space<vmem>>, %arg14: memref<64x768xf32, #tpu.memory_space<vmem>>, %arg15: memref<64x768xf32, #tpu.memory_space<vmem>>, %arg16: memref<!tpu.dma_semaphore, #tpu.memory_space<semaphore_mem>>) attributes {dimension_semantics = [#tpu.dimension_semantics<core_parallel>, #tpu.dimension_semantics<subcore_parallel>], iteration_bounds = array<i64: 2, 16>, scalar_prefetch = 0 : i64, scratch_operands = 10 : i64, tpu.core_type = #tpu.core_type<sc_vector_subcore>, window_params = [{transform_indices = #map}, {transform_indices = #map1}, {transform_indices = #map1}, {transform_indices = #map1}, {transform_indices = #map}]} {
    %mul3A = arith.constant 2 : i32
    %mul3A_0 = arith.muli %arg1, %mul3A : i32
    %add3A = arith.addi %mul3A_0, %arg0 : i32
    %mul3A_1 = arith.constant 64 : i32
    %mul3A_2 = arith.muli %add3A, %mul3A_1 : i32
    "tpu.region"() ({
      %run_scoped3A = tpu.sem_alloc : memref<!tpu.dma_semaphore, #tpu.memory_space<semaphore_mem>>
      tpu.enqueue_dma source(%arg3 : memref<16384xi32, #tpu.memory_space<hbm>>) target(%arg7 : memref<16384xi32, #tpu.memory_space<vmem>>) target_semaphore(%run_scoped3A : memref<!tpu.dma_semaphore, #tpu.memory_space<semaphore_mem>>)
      tpu.wait_dma2 semaphore(%run_scoped3A : memref<!tpu.dma_semaphore, #tpu.memory_space<semaphore_mem>>) src(%arg3 : memref<16384xi32, #tpu.memory_space<hbm>>) dst(%arg7 : memref<16384xi32, #tpu.memory_space<vmem>>)
      tpu.yield
    }) : () -> ()
    %mul3A_3 = arith.constant 2 : i32
    %mul3A_4 = arith.muli %mul3A_3, %mul3A_2 : i32
    "tpu.region"() ({
      %run_scoped3A = tpu.sem_alloc : memref<!tpu.dma_semaphore, #tpu.memory_space<semaphore_mem>>
      %dma_start3A_310 = tpu.memref_slice %arg4[%mul3A_4] : memref<4096xi32, #tpu.memory_space<hbm>> -> memref<128xi32, #tpu.memory_space<hbm>>
      %dma_start3A_311 = tpu.memref_slice %arg4[%mul3A_4] : memref<4096xi32, #tpu.memory_space<hbm>> -> memref<128xi32, #tpu.memory_space<hbm>>
      tpu.enqueue_dma source(%dma_start3A_311 : memref<128xi32, #tpu.memory_space<hbm>>) target(%arg8 : memref<128xi32, #tpu.memory_space<vmem>>) target_semaphore(%run_scoped3A : memref<!tpu.dma_semaphore, #tpu.memory_space<semaphore_mem>>)
      %dma_wait3A_312 = tpu.memref_slice %arg4[%mul3A_4] : memref<4096xi32, #tpu.memory_space<hbm>> -> memref<128xi32, #tpu.memory_space<hbm>>
      %dma_wait3A_313 = tpu.memref_slice %arg4[%mul3A_4] : memref<4096xi32, #tpu.memory_space<hbm>> -> memref<128xi32, #tpu.memory_space<hbm>>
      tpu.wait_dma2 semaphore(%run_scoped3A : memref<!tpu.dma_semaphore, #tpu.memory_space<semaphore_mem>>) src(%dma_wait3A_313 : memref<128xi32, #tpu.memory_space<hbm>>) dst(%arg8 : memref<128xi32, #tpu.memory_space<vmem>>)
      tpu.yield
    }) : () -> ()
    %mul3A_5 = arith.constant 2 : i32
    %mul3A_6 = arith.muli %mul3A_5, %mul3A_2 : i32
    "tpu.region"() ({
      %run_scoped3A = tpu.sem_alloc : memref<!tpu.dma_semaphore, #tpu.memory_space<semaphore_mem>>
      %dma_start3A_310 = tpu.memref_slice %arg5[%mul3A_6] : memref<4096xf32, #tpu.memory_space<hbm>> -> memref<128xf32, #tpu.memory_space<hbm>>
      %dma_start3A_311 = tpu.memref_slice %arg5[%mul3A_6] : memref<4096xf32, #tpu.memory_space<hbm>> -> memref<128xf32, #tpu.memory_space<hbm>>
      tpu.enqueue_dma source(%dma_start3A_311 : memref<128xf32, #tpu.memory_space<hbm>>) target(%arg9 : memref<128xf32, #tpu.memory_space<vmem>>) target_semaphore(%run_scoped3A : memref<!tpu.dma_semaphore, #tpu.memory_space<semaphore_mem>>)
      %dma_wait3A_312 = tpu.memref_slice %arg5[%mul3A_6] : memref<4096xf32, #tpu.memory_space<hbm>> -> memref<128xf32, #tpu.memory_space<hbm>>
      %dma_wait3A_313 = tpu.memref_slice %arg5[%mul3A_6] : memref<4096xf32, #tpu.memory_space<hbm>> -> memref<128xf32, #tpu.memory_space<hbm>>
      tpu.wait_dma2 semaphore(%run_scoped3A : memref<!tpu.dma_semaphore, #tpu.memory_space<semaphore_mem>>) src(%dma_wait3A_313 : memref<128xf32, #tpu.memory_space<hbm>>) dst(%arg9 : memref<128xf32, #tpu.memory_space<vmem>>)
      tpu.yield
    }) : () -> ()
    %iota3A = tpu.iota {dimensions = array<i32: 0>} : vector<16xi32>
    %add3A_7 = arith.constant 0 : i32
    %add3A_8 = vector.broadcast %add3A_7 : i32 to vector<16xi32>
    %add3A_9 = arith.addi %add3A_8, %iota3A : vector<16xi32>
    %mul3A_10 = arith.constant 2 : i32
    %mul3A_11 = vector.broadcast %mul3A_10 : i32 to vector<16xi32>
    %mul3A_12 = arith.muli %mul3A_11, %add3A_9 : vector<16xi32>
    %gather3A = tpu.vector_load_idx %arg8[%mul3A_12] : memref<128xi32, #tpu.memory_space<vmem>>[vector<16xi32>], vector<16xi32>,
    %mul3A_13 = arith.constant 2 : i32
    %mul3A_14 = vector.broadcast %mul3A_13 : i32 to vector<16xi32>
    %mul3A_15 = arith.muli %mul3A_14, %add3A_9 : vector<16xi32>
    %add3A_16 = arith.constant 1 : i32
    %add3A_17 = vector.broadcast %add3A_16 : i32 to vector<16xi32>
    %add3A_18 = arith.addi %mul3A_15, %add3A_17 : vector<16xi32>
    %gather3A_19 = tpu.vector_load_idx %arg8[%add3A_18] : memref<128xi32, #tpu.memory_space<vmem>>[vector<16xi32>], vector<16xi32>,
    %mul3A_20 = arith.constant 2 : i32
    %mul3A_21 = vector.broadcast %mul3A_20 : i32 to vector<16xi32>
    %mul3A_22 = arith.muli %mul3A_21, %add3A_9 : vector<16xi32>
    %gather3A_23 = tpu.vector_load_idx %arg9[%mul3A_22] : memref<128xf32, #tpu.memory_space<vmem>>[vector<16xi32>], vector<16xf32>,
    %mul3A_24 = arith.constant 2 : i32
    %mul3A_25 = vector.broadcast %mul3A_24 : i32 to vector<16xi32>
    %mul3A_26 = arith.muli %mul3A_25, %add3A_9 : vector<16xi32>
    %add3A_27 = arith.constant 1 : i32
    %add3A_28 = vector.broadcast %add3A_27 : i32 to vector<16xi32>
    %add3A_29 = arith.addi %mul3A_26, %add3A_28 : vector<16xi32>
    %gather3A_30 = tpu.vector_load_idx %arg9[%add3A_29] : memref<128xf32, #tpu.memory_space<vmem>>[vector<16xi32>], vector<16xf32>,
    %mul3A_31 = arith.constant 2048 : i32
    %mul3A_32 = vector.broadcast %mul3A_31 : i32 to vector<16xi32>
    %mul3A_33 = arith.muli %gather3A, %mul3A_32 : vector<16xi32>
    %add3A_34 = vector.broadcast %mul3A_2 : i32 to vector<16xi32>
    %add3A_35 = arith.addi %mul3A_33, %add3A_34 : vector<16xi32>
    %add3A_36 = arith.addi %add3A_35, %add3A_9 : vector<16xi32>
    %gather3A_37 = tpu.vector_load_idx %arg7[%add3A_36] : memref<16384xi32, #tpu.memory_space<vmem>>[vector<16xi32>], vector<16xi32>,
    %mul3A_38 = arith.constant 2048 : i32
    %mul3A_39 = vector.broadcast %mul3A_38 : i32 to vector<16xi32>
    %mul3A_40 = arith.muli %gather3A_19, %mul3A_39 : vector<16xi32>
    %add3A_41 = vector.broadcast %mul3A_2 : i32 to vector<16xi32>
    %add3A_42 = arith.addi %mul3A_40, %add3A_41 : vector<16xi32>
    %add3A_43 = arith.addi %add3A_42, %add3A_9 : vector<16xi32>
    %gather3A_44 = tpu.vector_load_idx %arg7[%add3A_43] : memref<16384xi32, #tpu.memory_space<vmem>>[vector<16xi32>], vector<16xi32>,
    %mul3A_45 = arith.constant 256 : i32
    %mul3A_46 = vector.broadcast %mul3A_45 : i32 to vector<16xi32>
    %mul3A_47 = arith.muli %gather3A, %mul3A_46 : vector<16xi32>
    %max3A = arith.constant 0 : i32
    %max3A_48 = vector.broadcast %max3A : i32 to vector<16xi32>
    %max3A_49 = arith.maxsi %gather3A_37, %max3A_48 : vector<16xi32>
    %add3A_50 = arith.addi %mul3A_47, %max3A_49 : vector<16xi32>
    %swap3A = arith.constant 0 : index
    %swap3A_51 = tpu.vector_load %arg10[%swap3A] {strides = array<i32>} : memref<64xi32, #tpu.memory_space<vmem>>, vector<16xi32>,
    tpu.vector_store %arg10[%swap3A], %add3A_50 {strides = array<i32>} : memref<64xi32, #tpu.memory_space<vmem>>, vector<16xi32>,
    %mul3A_52 = arith.constant 256 : i32
    %mul3A_53 = vector.broadcast %mul3A_52 : i32 to vector<16xi32>
    %mul3A_54 = arith.muli %gather3A_19, %mul3A_53 : vector<16xi32>
    %max3A_55 = arith.constant 0 : i32
    %max3A_56 = vector.broadcast %max3A_55 : i32 to vector<16xi32>
    %max3A_57 = arith.maxsi %gather3A_44, %max3A_56 : vector<16xi32>
    %add3A_58 = arith.addi %mul3A_54, %max3A_57 : vector<16xi32>
    %swap3A_59 = arith.constant 0 : index
    %swap3A_60 = tpu.vector_load %arg11[%swap3A_59] {strides = array<i32>} : memref<64xi32, #tpu.memory_space<vmem>>, vector<16xi32>,
    tpu.vector_store %arg11[%swap3A_59], %add3A_58 {strides = array<i32>} : memref<64xi32, #tpu.memory_space<vmem>>, vector<16xi32>,
    %ge3A = arith.constant 0 : i32
    %ge3A_61 = vector.broadcast %ge3A : i32 to vector<16xi32>
    %ge3A_62 = arith.cmpi sge, %gather3A_37, %ge3A_61 : vector<16xi32>
    %jit3A = arith.constant 0.000000e+00 : f32
    %broadcast_in_dim3A = vector.broadcast %jit3A : f32 to vector<16xf32>
    %select_n3A = arith.select %ge3A_62, %gather3A_23, %broadcast_in_dim3A : vector<16xi1>, vector<16xf32>
    %swap3A_63 = arith.constant 0 : index
    %swap3A_64 = tpu.vector_load %arg12[%swap3A_63] {strides = array<i32>} : memref<64xf32, #tpu.memory_space<vmem>>, vector<16xf32>,
    tpu.vector_store %arg12[%swap3A_63], %select_n3A {strides = array<i32>} : memref<64xf32, #tpu.memory_space<vmem>>, vector<16xf32>,
    %ge3A_65 = arith.constant 0 : i32
    %ge3A_66 = vector.broadcast %ge3A_65 : i32 to vector<16xi32>
    %ge3A_67 = arith.cmpi sge, %gather3A_44, %ge3A_66 : vector<16xi32>
    %jit3A_68 = arith.constant 0.000000e+00 : f32
    %broadcast_in_dim3A_69 = vector.broadcast %jit3A_68 : f32 to vector<16xf32>
    %select_n3A_70 = arith.select %ge3A_67, %gather3A_30, %broadcast_in_dim3A_69 : vector<16xi1>, vector<16xf32>
    %swap3A_71 = arith.constant 0 : index
    %swap3A_72 = tpu.vector_load %arg13[%swap3A_71] {strides = array<i32>} : memref<64xf32, #tpu.memory_space<vmem>>, vector<16xf32>,
    tpu.vector_store %arg13[%swap3A_71], %select_n3A_70 {strides = array<i32>} : memref<64xf32, #tpu.memory_space<vmem>>, vector<16xf32>,
    %iota3A_73 = tpu.iota {dimensions = array<i32: 0>} : vector<16xi32>
    %add3A_74 = arith.constant 16 : i32
    %add3A_75 = vector.broadcast %add3A_74 : i32 to vector<16xi32>
    %add3A_76 = arith.addi %add3A_75, %iota3A_73 : vector<16xi32>
    %mul3A_77 = arith.constant 2 : i32
    %mul3A_78 = vector.broadcast %mul3A_77 : i32 to vector<16xi32>
    %mul3A_79 = arith.muli %mul3A_78, %add3A_76 : vector<16xi32>
    %gather3A_80 = tpu.vector_load_idx %arg8[%mul3A_79] : memref<128xi32, #tpu.memory_space<vmem>>[vector<16xi32>], vector<16xi32>,
    %mul3A_81 = arith.constant 2 : i32
    %mul3A_82 = vector.broadcast %mul3A_81 : i32 to vector<16xi32>
    %mul3A_83 = arith.muli %mul3A_82, %add3A_76 : vector<16xi32>
    %add3A_84 = arith.constant 1 : i32
    %add3A_85 = vector.broadcast %add3A_84 : i32 to vector<16xi32>
    %add3A_86 = arith.addi %mul3A_83, %add3A_85 : vector<16xi32>
    %gather3A_87 = tpu.vector_load_idx %arg8[%add3A_86] : memref<128xi32, #tpu.memory_space<vmem>>[vector<16xi32>], vector<16xi32>,
    %mul3A_88 = arith.constant 2 : i32
    %mul3A_89 = vector.broadcast %mul3A_88 : i32 to vector<16xi32>
    %mul3A_90 = arith.muli %mul3A_89, %add3A_76 : vector<16xi32>
    %gather3A_91 = tpu.vector_load_idx %arg9[%mul3A_90] : memref<128xf32, #tpu.memory_space<vmem>>[vector<16xi32>], vector<16xf32>,
    %mul3A_92 = arith.constant 2 : i32
    %mul3A_93 = vector.broadcast %mul3A_92 : i32 to vector<16xi32>
    %mul3A_94 = arith.muli %mul3A_93, %add3A_76 : vector<16xi32>
    %add3A_95 = arith.constant 1 : i32
    %add3A_96 = vector.broadcast %add3A_95 : i32 to vector<16xi32>
    %add3A_97 = arith.addi %mul3A_94, %add3A_96 : vector<16xi32>
    %gather3A_98 = tpu.vector_load_idx %arg9[%add3A_97] : memref<128xf32, #tpu.memory_space<vmem>>[vector<16xi32>], vector<16xf32>,
    %mul3A_99 = arith.constant 2048 : i32
    %mul3A_100 = vector.broadcast %mul3A_99 : i32 to vector<16xi32>
    %mul3A_101 = arith.muli %gather3A_80, %mul3A_100 : vector<16xi32>
    %add3A_102 = vector.broadcast %mul3A_2 : i32 to vector<16xi32>
    %add3A_103 = arith.addi %mul3A_101, %add3A_102 : vector<16xi32>
    %add3A_104 = arith.addi %add3A_103, %add3A_76 : vector<16xi32>
    %gather3A_105 = tpu.vector_load_idx %arg7[%add3A_104] : memref<16384xi32, #tpu.memory_space<vmem>>[vector<16xi32>], vector<16xi32>,
    %mul3A_106 = arith.constant 2048 : i32
    %mul3A_107 = vector.broadcast %mul3A_106 : i32 to vector<16xi32>
    %mul3A_108 = arith.muli %gather3A_87, %mul3A_107 : vector<16xi32>
    %add3A_109 = vector.broadcast %mul3A_2 : i32 to vector<16xi32>
    %add3A_110 = arith.addi %mul3A_108, %add3A_109 : vector<16xi32>
    %add3A_111 = arith.addi %add3A_110, %add3A_76 : vector<16xi32>
    %gather3A_112 = tpu.vector_load_idx %arg7[%add3A_111] : memref<16384xi32, #tpu.memory_space<vmem>>[vector<16xi32>], vector<16xi32>,
    %mul3A_113 = arith.constant 256 : i32
    %mul3A_114 = vector.broadcast %mul3A_113 : i32 to vector<16xi32>
    %mul3A_115 = arith.muli %gather3A_80, %mul3A_114 : vector<16xi32>
    %max3A_116 = arith.constant 0 : i32
    %max3A_117 = vector.broadcast %max3A_116 : i32 to vector<16xi32>
    %max3A_118 = arith.maxsi %gather3A_105, %max3A_117 : vector<16xi32>
    %add3A_119 = arith.addi %mul3A_115, %max3A_118 : vector<16xi32>
    %swap3A_120 = arith.constant 16 : index
    %swap3A_121 = tpu.vector_load %arg10[%swap3A_120] {strides = array<i32>} : memref<64xi32, #tpu.memory_space<vmem>>, vector<16xi32>,
    tpu.vector_store %arg10[%swap3A_120], %add3A_119 {strides = array<i32>} : memref<64xi32, #tpu.memory_space<vmem>>, vector<16xi32>,
    %mul3A_122 = arith.constant 256 : i32
    %mul3A_123 = vector.broadcast %mul3A_122 : i32 to vector<16xi32>
    %mul3A_124 = arith.muli %gather3A_87, %mul3A_123 : vector<16xi32>
    %max3A_125 = arith.constant 0 : i32
    %max3A_126 = vector.broadcast %max3A_125 : i32 to vector<16xi32>
    %max3A_127 = arith.maxsi %gather3A_112, %max3A_126 : vector<16xi32>
    %add3A_128 = arith.addi %mul3A_124, %max3A_127 : vector<16xi32>
    %swap3A_129 = arith.constant 16 : index
    %swap3A_130 = tpu.vector_load %arg11[%swap3A_129] {strides = array<i32>} : memref<64xi32, #tpu.memory_space<vmem>>, vector<16xi32>,
    tpu.vector_store %arg11[%swap3A_129], %add3A_128 {strides = array<i32>} : memref<64xi32, #tpu.memory_space<vmem>>, vector<16xi32>,
    %ge3A_131 = arith.constant 0 : i32
    %ge3A_132 = vector.broadcast %ge3A_131 : i32 to vector<16xi32>
    %ge3A_133 = arith.cmpi sge, %gather3A_105, %ge3A_132 : vector<16xi32>
    %jit3A_134 = arith.constant 0.000000e+00 : f32
    %broadcast_in_dim3A_135 = vector.broadcast %jit3A_134 : f32 to vector<16xf32>
    %select_n3A_136 = arith.select %ge3A_133, %gather3A_91, %broadcast_in_dim3A_135 : vector<16xi1>, vector<16xf32>
    %swap3A_137 = arith.constant 16 : index
    %swap3A_138 = tpu.vector_load %arg12[%swap3A_137] {strides = array<i32>} : memref<64xf32, #tpu.memory_space<vmem>>, vector<16xf32>,
    tpu.vector_store %arg12[%swap3A_137], %select_n3A_136 {strides = array<i32>} : memref<64xf32, #tpu.memory_space<vmem>>, vector<16xf32>,
    %ge3A_139 = arith.constant 0 : i32
    %ge3A_140 = vector.broadcast %ge3A_139 : i32 to vector<16xi32>
    %ge3A_141 = arith.cmpi sge, %gather3A_112, %ge3A_140 : vector<16xi32>
    %jit3A_142 = arith.constant 0.000000e+00 : f32
    %broadcast_in_dim3A_143 = vector.broadcast %jit3A_142 : f32 to vector<16xf32>
    %select_n3A_144 = arith.select %ge3A_141, %gather3A_98, %broadcast_in_dim3A_143 : vector<16xi1>, vector<16xf32>
    %swap3A_145 = arith.constant 16 : index
    %swap3A_146 = tpu.vector_load %arg13[%swap3A_145] {strides = array<i32>} : memref<64xf32, #tpu.memory_space<vmem>>, vector<16xf32>,
    tpu.vector_store %arg13[%swap3A_145], %select_n3A_144 {strides = array<i32>} : memref<64xf32, #tpu.memory_space<vmem>>, vector<16xf32>,
    %iota3A_147 = tpu.iota {dimensions = array<i32: 0>} : vector<16xi32>
    %add3A_148 = arith.constant 32 : i32
    %add3A_149 = vector.broadcast %add3A_148 : i32 to vector<16xi32>
    %add3A_150 = arith.addi %add3A_149, %iota3A_147 : vector<16xi32>
    %mul3A_151 = arith.constant 2 : i32
    %mul3A_152 = vector.broadcast %mul3A_151 : i32 to vector<16xi32>
    %mul3A_153 = arith.muli %mul3A_152, %add3A_150 : vector<16xi32>
    %gather3A_154 = tpu.vector_load_idx %arg8[%mul3A_153] : memref<128xi32, #tpu.memory_space<vmem>>[vector<16xi32>], vector<16xi32>,
    %mul3A_155 = arith.constant 2 : i32
    %mul3A_156 = vector.broadcast %mul3A_155 : i32 to vector<16xi32>
    %mul3A_157 = arith.muli %mul3A_156, %add3A_150 : vector<16xi32>
    %add3A_158 = arith.constant 1 : i32
    %add3A_159 = vector.broadcast %add3A_158 : i32 to vector<16xi32>
    %add3A_160 = arith.addi %mul3A_157, %add3A_159 : vector<16xi32>
    %gather3A_161 = tpu.vector_load_idx %arg8[%add3A_160] : memref<128xi32, #tpu.memory_space<vmem>>[vector<16xi32>], vector<16xi32>,
    %mul3A_162 = arith.constant 2 : i32
    %mul3A_163 = vector.broadcast %mul3A_162 : i32 to vector<16xi32>
    %mul3A_164 = arith.muli %mul3A_163, %add3A_150 : vector<16xi32>
    %gather3A_165 = tpu.vector_load_idx %arg9[%mul3A_164] : memref<128xf32, #tpu.memory_space<vmem>>[vector<16xi32>], vector<16xf32>,
    %mul3A_166 = arith.constant 2 : i32
    %mul3A_167 = vector.broadcast %mul3A_166 : i32 to vector<16xi32>
    %mul3A_168 = arith.muli %mul3A_167, %add3A_150 : vector<16xi32>
    %add3A_169 = arith.constant 1 : i32
    %add3A_170 = vector.broadcast %add3A_169 : i32 to vector<16xi32>
    %add3A_171 = arith.addi %mul3A_168, %add3A_170 : vector<16xi32>
    %gather3A_172 = tpu.vector_load_idx %arg9[%add3A_171] : memref<128xf32, #tpu.memory_space<vmem>>[vector<16xi32>], vector<16xf32>,
    %mul3A_173 = arith.constant 2048 : i32
    %mul3A_174 = vector.broadcast %mul3A_173 : i32 to vector<16xi32>
    %mul3A_175 = arith.muli %gather3A_154, %mul3A_174 : vector<16xi32>
    %add3A_176 = vector.broadcast %mul3A_2 : i32 to vector<16xi32>
    %add3A_177 = arith.addi %mul3A_175, %add3A_176 : vector<16xi32>
    %add3A_178 = arith.addi %add3A_177, %add3A_150 : vector<16xi32>
    %gather3A_179 = tpu.vector_load_idx %arg7[%add3A_178] : memref<16384xi32, #tpu.memory_space<vmem>>[vector<16xi32>], vector<16xi32>,
    %mul3A_180 = arith.constant 2048 : i32
    %mul3A_181 = vector.broadcast %mul3A_180 : i32 to vector<16xi32>
    %mul3A_182 = arith.muli %gather3A_161, %mul3A_181 : vector<16xi32>
    %add3A_183 = vector.broadcast %mul3A_2 : i32 to vector<16xi32>
    %add3A_184 = arith.addi %mul3A_182, %add3A_183 : vector<16xi32>
    %add3A_185 = arith.addi %add3A_184, %add3A_150 : vector<16xi32>
    %gather3A_186 = tpu.vector_load_idx %arg7[%add3A_185] : memref<16384xi32, #tpu.memory_space<vmem>>[vector<16xi32>], vector<16xi32>,
    %mul3A_187 = arith.constant 256 : i32
    %mul3A_188 = vector.broadcast %mul3A_187 : i32 to vector<16xi32>
    %mul3A_189 = arith.muli %gather3A_154, %mul3A_188 : vector<16xi32>
    %max3A_190 = arith.constant 0 : i32
    %max3A_191 = vector.broadcast %max3A_190 : i32 to vector<16xi32>
    %max3A_192 = arith.maxsi %gather3A_179, %max3A_191 : vector<16xi32>
    %add3A_193 = arith.addi %mul3A_189, %max3A_192 : vector<16xi32>
    %swap3A_194 = arith.constant 32 : index
    %swap3A_195 = tpu.vector_load %arg10[%swap3A_194] {strides = array<i32>} : memref<64xi32, #tpu.memory_space<vmem>>, vector<16xi32>,
    tpu.vector_store %arg10[%swap3A_194], %add3A_193 {strides = array<i32>} : memref<64xi32, #tpu.memory_space<vmem>>, vector<16xi32>,
    %mul3A_196 = arith.constant 256 : i32
    %mul3A_197 = vector.broadcast %mul3A_196 : i32 to vector<16xi32>
    %mul3A_198 = arith.muli %gather3A_161, %mul3A_197 : vector<16xi32>
    %max3A_199 = arith.constant 0 : i32
    %max3A_200 = vector.broadcast %max3A_199 : i32 to vector<16xi32>
    %max3A_201 = arith.maxsi %gather3A_186, %max3A_200 : vector<16xi32>
    %add3A_202 = arith.addi %mul3A_198, %max3A_201 : vector<16xi32>
    %swap3A_203 = arith.constant 32 : index
    %swap3A_204 = tpu.vector_load %arg11[%swap3A_203] {strides = array<i32>} : memref<64xi32, #tpu.memory_space<vmem>>, vector<16xi32>,
    tpu.vector_store %arg11[%swap3A_203], %add3A_202 {strides = array<i32>} : memref<64xi32, #tpu.memory_space<vmem>>, vector<16xi32>,
    %ge3A_205 = arith.constant 0 : i32
    %ge3A_206 = vector.broadcast %ge3A_205 : i32 to vector<16xi32>
    %ge3A_207 = arith.cmpi sge, %gather3A_179, %ge3A_206 : vector<16xi32>
    %jit3A_208 = arith.constant 0.000000e+00 : f32
    %broadcast_in_dim3A_209 = vector.broadcast %jit3A_208 : f32 to vector<16xf32>
    %select_n3A_210 = arith.select %ge3A_207, %gather3A_165, %broadcast_in_dim3A_209 : vector<16xi1>, vector<16xf32>
    %swap3A_211 = arith.constant 32 : index
    %swap3A_212 = tpu.vector_load %arg12[%swap3A_211] {strides = array<i32>} : memref<64xf32, #tpu.memory_space<vmem>>, vector<16xf32>,
    tpu.vector_store %arg12[%swap3A_211], %select_n3A_210 {strides = array<i32>} : memref<64xf32, #tpu.memory_space<vmem>>, vector<16xf32>,
    %ge3A_213 = arith.constant 0 : i32
    %ge3A_214 = vector.broadcast %ge3A_213 : i32 to vector<16xi32>
    %ge3A_215 = arith.cmpi sge, %gather3A_186, %ge3A_214 : vector<16xi32>
    %jit3A_216 = arith.constant 0.000000e+00 : f32
    %broadcast_in_dim3A_217 = vector.broadcast %jit3A_216 : f32 to vector<16xf32>
    %select_n3A_218 = arith.select %ge3A_215, %gather3A_172, %broadcast_in_dim3A_217 : vector<16xi1>, vector<16xf32>
    %swap3A_219 = arith.constant 32 : index
    %swap3A_220 = tpu.vector_load %arg13[%swap3A_219] {strides = array<i32>} : memref<64xf32, #tpu.memory_space<vmem>>, vector<16xf32>,
    tpu.vector_store %arg13[%swap3A_219], %select_n3A_218 {strides = array<i32>} : memref<64xf32, #tpu.memory_space<vmem>>, vector<16xf32>,
    %iota3A_221 = tpu.iota {dimensions = array<i32: 0>} : vector<16xi32>
    %add3A_222 = arith.constant 48 : i32
    %add3A_223 = vector.broadcast %add3A_222 : i32 to vector<16xi32>
    %add3A_224 = arith.addi %add3A_223, %iota3A_221 : vector<16xi32>
    %mul3A_225 = arith.constant 2 : i32
    %mul3A_226 = vector.broadcast %mul3A_225 : i32 to vector<16xi32>
    %mul3A_227 = arith.muli %mul3A_226, %add3A_224 : vector<16xi32>
    %gather3A_228 = tpu.vector_load_idx %arg8[%mul3A_227] : memref<128xi32, #tpu.memory_space<vmem>>[vector<16xi32>], vector<16xi32>,
    %mul3A_229 = arith.constant 2 : i32
    %mul3A_230 = vector.broadcast %mul3A_229 : i32 to vector<16xi32>
    %mul3A_231 = arith.muli %mul3A_230, %add3A_224 : vector<16xi32>
    %add3A_232 = arith.constant 1 : i32
    %add3A_233 = vector.broadcast %add3A_232 : i32 to vector<16xi32>
    %add3A_234 = arith.addi %mul3A_231, %add3A_233 : vector<16xi32>
    %gather3A_235 = tpu.vector_load_idx %arg8[%add3A_234] : memref<128xi32, #tpu.memory_space<vmem>>[vector<16xi32>], vector<16xi32>,
    %mul3A_236 = arith.constant 2 : i32
    %mul3A_237 = vector.broadcast %mul3A_236 : i32 to vector<16xi32>
    %mul3A_238 = arith.muli %mul3A_237, %add3A_224 : vector<16xi32>
    %gather3A_239 = tpu.vector_load_idx %arg9[%mul3A_238] : memref<128xf32, #tpu.memory_space<vmem>>[vector<16xi32>], vector<16xf32>,
    %mul3A_240 = arith.constant 2 : i32
    %mul3A_241 = vector.broadcast %mul3A_240 : i32 to vector<16xi32>
    %mul3A_242 = arith.muli %mul3A_241, %add3A_224 : vector<16xi32>
    %add3A_243 = arith.constant 1 : i32
    %add3A_244 = vector.broadcast %add3A_243 : i32 to vector<16xi32>
    %add3A_245 = arith.addi %mul3A_242, %add3A_244 : vector<16xi32>
    %gather3A_246 = tpu.vector_load_idx %arg9[%add3A_245] : memref<128xf32, #tpu.memory_space<vmem>>[vector<16xi32>], vector<16xf32>,
    %mul3A_247 = arith.constant 2048 : i32
    %mul3A_248 = vector.broadcast %mul3A_247 : i32 to vector<16xi32>
    %mul3A_249 = arith.muli %gather3A_228, %mul3A_248 : vector<16xi32>
    %add3A_250 = vector.broadcast %mul3A_2 : i32 to vector<16xi32>
    %add3A_251 = arith.addi %mul3A_249, %add3A_250 : vector<16xi32>
    %add3A_252 = arith.addi %add3A_251, %add3A_224 : vector<16xi32>
    %gather3A_253 = tpu.vector_load_idx %arg7[%add3A_252] : memref<16384xi32, #tpu.memory_space<vmem>>[vector<16xi32>], vector<16xi32>,
    %mul3A_254 = arith.constant 2048 : i32
    %mul3A_255 = vector.broadcast %mul3A_254 : i32 to vector<16xi32>
    %mul3A_256 = arith.muli %gather3A_235, %mul3A_255 : vector<16xi32>
    %add3A_257 = vector.broadcast %mul3A_2 : i32 to vector<16xi32>
    %add3A_258 = arith.addi %mul3A_256, %add3A_257 : vector<16xi32>
    %add3A_259 = arith.addi %add3A_258, %add3A_224 : vector<16xi32>
    %gather3A_260 = tpu.vector_load_idx %arg7[%add3A_259] : memref<16384xi32, #tpu.memory_space<vmem>>[vector<16xi32>], vector<16xi32>,
    %mul3A_261 = arith.constant 256 : i32
    %mul3A_262 = vector.broadcast %mul3A_261 : i32 to vector<16xi32>
    %mul3A_263 = arith.muli %gather3A_228, %mul3A_262 : vector<16xi32>
    %max3A_264 = arith.constant 0 : i32
    %max3A_265 = vector.broadcast %max3A_264 : i32 to vector<16xi32>
    %max3A_266 = arith.maxsi %gather3A_253, %max3A_265 : vector<16xi32>
    %add3A_267 = arith.addi %mul3A_263, %max3A_266 : vector<16xi32>
    %swap3A_268 = arith.constant 48 : index
    %swap3A_269 = tpu.vector_load %arg10[%swap3A_268] {strides = array<i32>} : memref<64xi32, #tpu.memory_space<vmem>>, vector<16xi32>,
    tpu.vector_store %arg10[%swap3A_268], %add3A_267 {strides = array<i32>} : memref<64xi32, #tpu.memory_space<vmem>>, vector<16xi32>,
    %mul3A_270 = arith.constant 256 : i32
    %mul3A_271 = vector.broadcast %mul3A_270 : i32 to vector<16xi32>
    %mul3A_272 = arith.muli %gather3A_235, %mul3A_271 : vector<16xi32>
    %max3A_273 = arith.constant 0 : i32
    %max3A_274 = vector.broadcast %max3A_273 : i32 to vector<16xi32>
    %max3A_275 = arith.maxsi %gather3A_260, %max3A_274 : vector<16xi32>
    %add3A_276 = arith.addi %mul3A_272, %max3A_275 : vector<16xi32>
    %swap3A_277 = arith.constant 48 : index
    %swap3A_278 = tpu.vector_load %arg11[%swap3A_277] {strides = array<i32>} : memref<64xi32, #tpu.memory_space<vmem>>, vector<16xi32>,
    tpu.vector_store %arg11[%swap3A_277], %add3A_276 {strides = array<i32>} : memref<64xi32, #tpu.memory_space<vmem>>, vector<16xi32>,
    %ge3A_279 = arith.constant 0 : i32
    %ge3A_280 = vector.broadcast %ge3A_279 : i32 to vector<16xi32>
    %ge3A_281 = arith.cmpi sge, %gather3A_253, %ge3A_280 : vector<16xi32>
    %jit3A_282 = arith.constant 0.000000e+00 : f32
    %broadcast_in_dim3A_283 = vector.broadcast %jit3A_282 : f32 to vector<16xf32>
    %select_n3A_284 = arith.select %ge3A_281, %gather3A_239, %broadcast_in_dim3A_283 : vector<16xi1>, vector<16xf32>
    %swap3A_285 = arith.constant 48 : index
    %swap3A_286 = tpu.vector_load %arg12[%swap3A_285] {strides = array<i32>} : memref<64xf32, #tpu.memory_space<vmem>>, vector<16xf32>,
    tpu.vector_store %arg12[%swap3A_285], %select_n3A_284 {strides = array<i32>} : memref<64xf32, #tpu.memory_space<vmem>>, vector<16xf32>,
    %ge3A_287 = arith.constant 0 : i32
    %ge3A_288 = vector.broadcast %ge3A_287 : i32 to vector<16xi32>
    %ge3A_289 = arith.cmpi sge, %gather3A_260, %ge3A_288 : vector<16xi32>
    %jit3A_290 = arith.constant 0.000000e+00 : f32
    %broadcast_in_dim3A_291 = vector.broadcast %jit3A_290 : f32 to vector<16xf32>
    %select_n3A_292 = arith.select %ge3A_289, %gather3A_246, %broadcast_in_dim3A_291 : vector<16xi1>, vector<16xf32>
    %swap3A_293 = arith.constant 48 : index
    %swap3A_294 = tpu.vector_load %arg13[%swap3A_293] {strides = array<i32>} : memref<64xf32, #tpu.memory_space<vmem>>, vector<16xf32>,
    tpu.vector_store %arg13[%swap3A_293], %select_n3A_292 {strides = array<i32>} : memref<64xf32, #tpu.memory_space<vmem>>, vector<16xf32>,
    %dma_start3A = arith.constant 0 : i32
    %dma_start3A_295 = arith.constant 0 : i32
    %dma_start3A_296 = tpu.memref_slice %arg2[%dma_start3A, %dma_start3A_295] : memref<2048x768xf32, #tpu.memory_space<hbm>> -> memref<2048x768xf32, #tpu.memory_space<hbm>>
    tpu.enqueue_indirect_dma source(%dma_start3A_296 : memref<2048x768xf32, #tpu.memory_space<hbm>>) target(%arg14 : memref<64x768xf32, #tpu.memory_space<vmem>>) offsets(%arg10 : memref<64xi32, #tpu.memory_space<vmem>>) semaphore(%arg16 : memref<!tpu.dma_semaphore, #tpu.memory_space<semaphore_mem>>)
    %dma_wait3A = arith.constant 0 : i32
    %dma_wait3A_297 = arith.constant 0 : i32
    %dma_wait3A_298 = tpu.memref_slice %arg2[%dma_wait3A, %dma_wait3A_297] : memref<2048x768xf32, #tpu.memory_space<hbm>> -> memref<2048x768xf32, #tpu.memory_space<hbm>>
    tpu.wait_indirect_dma semaphore(%arg16 : memref<!tpu.dma_semaphore, #tpu.memory_space<semaphore_mem>>) src(%dma_wait3A_298 : memref<2048x768xf32, #tpu.memory_space<hbm>>) dst(%arg14 : memref<64x768xf32, #tpu.memory_space<vmem>>)
    %dma_start3A_299 = arith.constant 0 : i32
    %dma_start3A_300 = arith.constant 0 : i32
    %dma_start3A_301 = tpu.memref_slice %arg2[%dma_start3A_299, %dma_start3A_300] : memref<2048x768xf32, #tpu.memory_space<hbm>> -> memref<2048x768xf32, #tpu.memory_space<hbm>>
    tpu.enqueue_indirect_dma source(%dma_start3A_301 : memref<2048x768xf32, #tpu.memory_space<hbm>>) target(%arg15 : memref<64x768xf32, #tpu.memory_space<vmem>>) offsets(%arg11 : memref<64xi32, #tpu.memory_space<vmem>>) semaphore(%arg16 : memref<!tpu.dma_semaphore, #tpu.memory_space<semaphore_mem>>)
    %dma_wait3A_302 = arith.constant 0 : i32
    %dma_wait3A_303 = arith.constant 0 : i32
    %dma_wait3A_304 = tpu.memref_slice %arg2[%dma_wait3A_302, %dma_wait3A_303] : memref<2048x768xf32, #tpu.memory_space<hbm>> -> memref<2048x768xf32, #tpu.memory_space<hbm>>
    tpu.wait_indirect_dma semaphore(%arg16 : memref<!tpu.dma_semaphore, #tpu.memory_space<semaphore_mem>>) src(%dma_wait3A_304 : memref<2048x768xf32, #tpu.memory_space<hbm>>) dst(%arg15 : memref<64x768xf32, #tpu.memory_space<vmem>>)
    %scan3A = arith.constant 0 : i32
    %scan3A_305 = arith.constant 0 : i32
    %scan3A_306 = arith.constant 64 : i32
    %scan3A_307 = arith.addi %scan3A_305, %scan3A_306 : i32
    %scan3A_308 = arith.constant 1 : i32
    scf.for %scan3A_310 = %scan3A_305 to %scan3A_307 step %scan3A_308  : i32 {
      %broadcast_in_dim3A_311 = arith.constant 0 : i32
      %broadcast_in_dim3A_312 = vector.broadcast %broadcast_in_dim3A_311 : i32 to vector<16xi32>
      %add3A_313 = vector.broadcast %scan3A_310 : i32 to vector<16xi32>
      %add3A_314 = arith.addi %broadcast_in_dim3A_312, %add3A_313 : vector<16xi32>
      %gather3A_315 = tpu.vector_load_idx %arg12[%add3A_314] : memref<64xf32, #tpu.memory_space<vmem>>[vector<16xi32>], vector<16xf32>,
      %broadcast_in_dim3A_316 = arith.constant 0 : i32
      %broadcast_in_dim3A_317 = vector.broadcast %broadcast_in_dim3A_316 : i32 to vector<16xi32>
      %add3A_318 = vector.broadcast %scan3A_310 : i32 to vector<16xi32>
      %add3A_319 = arith.addi %broadcast_in_dim3A_317, %add3A_318 : vector<16xi32>
      %gather3A_320 = tpu.vector_load_idx %arg13[%add3A_319] : memref<64xf32, #tpu.memory_space<vmem>>[vector<16xi32>], vector<16xf32>,
      %get3A = arith.index_cast %scan3A_310 : i32 to index
      %get3A_321 = arith.constant 0 : index
      %get3A_322 = tpu.vector_load %arg14[%get3A, %get3A_321] {strides = array<i32>} : memref<64x768xf32, #tpu.memory_space<vmem>>, vector<16xf32>,
      %mul3A_323 = arith.mulf %get3A_322, %gather3A_315 : vector<16xf32>
      %get3A_324 = arith.index_cast %scan3A_310 : i32 to index
      %get3A_325 = arith.constant 0 : index
      %get3A_326 = tpu.vector_load %arg15[%get3A_324, %get3A_325] {strides = array<i32>} : memref<64x768xf32, #tpu.memory_space<vmem>>, vector<16xf32>,
      %mul3A_327 = arith.mulf %get3A_326, %gather3A_320 : vector<16xf32>
      %add3A_328 = arith.addf %mul3A_323, %mul3A_327 : vector<16xf32>
      %swap3A_329 = arith.index_cast %scan3A_310 : i32 to index
      %swap3A_330 = arith.constant 0 : index
      %swap3A_331 = tpu.vector_load %arg14[%swap3A_329, %swap3A_330] {strides = array<i32>} : memref<64x768xf32, #tpu.memory_space<vmem>>, vector<16xf32>,
      tpu.vector_store %arg14[%swap3A_329, %swap3A_330], %add3A_328 {strides = array<i32>} : memref<64x768xf32, #tpu.memory_space<vmem>>, vector<16xf32>,
      %get3A_332 = arith.index_cast %scan3A_310 : i32 to index
      %get3A_333 = arith.constant 16 : index
      %get3A_334 = tpu.vector_load %arg14[%get3A_332, %get3A_333] {strides = array<i32>} : memref<64x768xf32, #tpu.memory_space<vmem>>, vector<16xf32>,
      %mul3A_335 = arith.mulf %get3A_334, %gather3A_315 : vector<16xf32>
      %get3A_336 = arith.index_cast %scan3A_310 : i32 to index
      %get3A_337 = arith.constant 16 : index
      %get3A_338 = tpu.vector_load %arg15[%get3A_336, %get3A_337] {strides = array<i32>} : memref<64x768xf32, #tpu.memory_space<vmem>>, vector<16xf32>,
      %mul3A_339 = arith.mulf %get3A_338, %gather3A_320 : vector<16xf32>
      %add3A_340 = arith.addf %mul3A_335, %mul3A_339 : vector<16xf32>
      %swap3A_341 = arith.index_cast %scan3A_310 : i32 to index
      %swap3A_342 = arith.constant 16 : index
      %swap3A_343 = tpu.vector_load %arg14[%swap3A_341, %swap3A_342] {strides = array<i32>} : memref<64x768xf32, #tpu.memory_space<vmem>>, vector<16xf32>,
      tpu.vector_store %arg14[%swap3A_341, %swap3A_342], %add3A_340 {strides = array<i32>} : memref<64x768xf32, #tpu.memory_space<vmem>>, vector<16xf32>,
      %get3A_344 = arith.index_cast %scan3A_310 : i32 to index
      %get3A_345 = arith.constant 32 : index
      %get3A_346 = tpu.vector_load %arg14[%get3A_344, %get3A_345] {strides = array<i32>} : memref<64x768xf32, #tpu.memory_space<vmem>>, vector<16xf32>,
      %mul3A_347 = arith.mulf %get3A_346, %gather3A_315 : vector<16xf32>
      %get3A_348 = arith.index_cast %scan3A_310 : i32 to index
      %get3A_349 = arith.constant 32 : index
      %get3A_350 = tpu.vector_load %arg15[%get3A_348, %get3A_349] {strides = array<i32>} : memref<64x768xf32, #tpu.memory_space<vmem>>, vector<16xf32>,
      %mul3A_351 = arith.mulf %get3A_350, %gather3A_320 : vector<16xf32>
      %add3A_352 = arith.addf %mul3A_347, %mul3A_351 : vector<16xf32>
      %swap3A_353 = arith.index_cast %scan3A_310 : i32 to index
      %swap3A_354 = arith.constant 32 : index
      %swap3A_355 = tpu.vector_load %arg14[%swap3A_353, %swap3A_354] {strides = array<i32>} : memref<64x768xf32, #tpu.memory_space<vmem>>, vector<16xf32>,
      tpu.vector_store %arg14[%swap3A_353, %swap3A_354], %add3A_352 {strides = array<i32>} : memref<64x768xf32, #tpu.memory_space<vmem>>, vector<16xf32>,
      %get3A_356 = arith.index_cast %scan3A_310 : i32 to index
      %get3A_357 = arith.constant 48 : index
      %get3A_358 = tpu.vector_load %arg14[%get3A_356, %get3A_357] {strides = array<i32>} : memref<64x768xf32, #tpu.memory_space<vmem>>, vector<16xf32>,
      %mul3A_359 = arith.mulf %get3A_358, %gather3A_315 : vector<16xf32>
      %get3A_360 = arith.index_cast %scan3A_310 : i32 to index
      %get3A_361 = arith.constant 48 : index
      %get3A_362 = tpu.vector_load %arg15[%get3A_360, %get3A_361] {strides = array<i32>} : memref<64x768xf32, #tpu.memory_space<vmem>>, vector<16xf32>,
      %mul3A_363 = arith.mulf %get3A_362, %gather3A_320 : vector<16xf32>
      %add3A_364 = arith.addf %mul3A_359, %mul3A_363 : vector<16xf32>
      %swap3A_365 = arith.index_cast %scan3A_310 : i32 to index
      %swap3A_366 = arith.constant 48 : index
      %swap3A_367 = tpu.vector_load %arg14[%swap3A_365, %swap3A_366] {strides = array<i32>} : memref<64x768xf32, #tpu.memory_space<vmem>>, vector<16xf32>,
      tpu.vector_store %arg14[%swap3A_365, %swap3A_366], %add3A_364 {strides = array<i32>} : memref<64x768xf32, #tpu.memory_space<vmem>>, vector<16xf32>,
      %get3A_368 = arith.index_cast %scan3A_310 : i32 to index
      %get3A_369 = arith.constant 64 : index
      %get3A_370 = tpu.vector_load %arg14[%get3A_368, %get3A_369] {strides = array<i32>} : memref<64x768xf32, #tpu.memory_space<vmem>>, vector<16xf32>,
      %mul3A_371 = arith.mulf %get3A_370, %gather3A_315 : vector<16xf32>
      %get3A_372 = arith.index_cast %scan3A_310 : i32 to index
      %get3A_373 = arith.constant 64 : index
      %get3A_374 = tpu.vector_load %arg15[%get3A_372, %get3A_373] {strides = array<i32>} : memref<64x768xf32, #tpu.memory_space<vmem>>, vector<16xf32>,
      %mul3A_375 = arith.mulf %get3A_374, %gather3A_320 : vector<16xf32>
      %add3A_376 = arith.addf %mul3A_371, %mul3A_375 : vector<16xf32>
      %swap3A_377 = arith.index_cast %scan3A_310 : i32 to index
      %swap3A_378 = arith.constant 64 : index
      %swap3A_379 = tpu.vector_load %arg14[%swap3A_377, %swap3A_378] {strides = array<i32>} : memref<64x768xf32, #tpu.memory_space<vmem>>, vector<16xf32>,
      tpu.vector_store %arg14[%swap3A_377, %swap3A_378], %add3A_376 {strides = array<i32>} : memref<64x768xf32, #tpu.memory_space<vmem>>, vector<16xf32>,
      %get3A_380 = arith.index_cast %scan3A_310 : i32 to index
      %get3A_381 = arith.constant 80 : index
      %get3A_382 = tpu.vector_load %arg14[%get3A_380, %get3A_381] {strides = array<i32>} : memref<64x768xf32, #tpu.memory_space<vmem>>, vector<16xf32>,
      %mul3A_383 = arith.mulf %get3A_382, %gather3A_315 : vector<16xf32>
      %get3A_384 = arith.index_cast %scan3A_310 : i32 to index
      %get3A_385 = arith.constant 80 : index
      %get3A_386 = tpu.vector_load %arg15[%get3A_384, %get3A_385] {strides = array<i32>} : memref<64x768xf32, #tpu.memory_space<vmem>>, vector<16xf32>,
      %mul3A_387 = arith.mulf %get3A_386, %gather3A_320 : vector<16xf32>
      %add3A_388 = arith.addf %mul3A_383, %mul3A_387 : vector<16xf32>
      %swap3A_389 = arith.index_cast %scan3A_310 : i32 to index
      %swap3A_390 = arith.constant 80 : index
      %swap3A_391 = tpu.vector_load %arg14[%swap3A_389, %swap3A_390] {strides = array<i32>} : memref<64x768xf32, #tpu.memory_space<vmem>>, vector<16xf32>,
      tpu.vector_store %arg14[%swap3A_389, %swap3A_390], %add3A_388 {strides = array<i32>} : memref<64x768xf32, #tpu.memory_space<vmem>>, vector<16xf32>,
      %get3A_392 = arith.index_cast %scan3A_310 : i32 to index
      %get3A_393 = arith.constant 96 : index
      %get3A_394 = tpu.vector_load %arg14[%get3A_392, %get3A_393] {strides = array<i32>} : memref<64x768xf32, #tpu.memory_space<vmem>>, vector<16xf32>,
      %mul3A_395 = arith.mulf %get3A_394, %gather3A_315 : vector<16xf32>
      %get3A_396 = arith.index_cast %scan3A_310 : i32 to index
      %get3A_397 = arith.constant 96 : index
      %get3A_398 = tpu.vector_load %arg15[%get3A_396, %get3A_397] {strides = array<i32>} : memref<64x768xf32, #tpu.memory_space<vmem>>, vector<16xf32>,
      %mul3A_399 = arith.mulf %get3A_398, %gather3A_320 : vector<16xf32>
      %add3A_400 = arith.addf %mul3A_395, %mul3A_399 : vector<16xf32>
      %swap3A_401 = arith.index_cast %scan3A_310 : i32 to index
      %swap3A_402 = arith.constant 96 : index
      %swap3A_403 = tpu.vector_load %arg14[%swap3A_401, %swap3A_402] {strides = array<i32>} : memref<64x768xf32, #tpu.memory_space<vmem>>, vector<16xf32>,
      tpu.vector_store %arg14[%swap3A_401, %swap3A_402], %add3A_400 {strides = array<i32>} : memref<64x768xf32, #tpu.memory_space<vmem>>, vector<16xf32>,
      %get3A_404 = arith.index_cast %scan3A_310 : i32 to index
      %get3A_405 = arith.constant 112 : index
      %get3A_406 = tpu.vector_load %arg14[%get3A_404, %get3A_405] {strides = array<i32>} : memref<64x768xf32, #tpu.memory_space<vmem>>, vector<16xf32>,
      %mul3A_407 = arith.mulf %get3A_406, %gather3A_315 : vector<16xf32>
      %get3A_408 = arith.index_cast %scan3A_310 : i32 to index
      %get3A_409 = arith.constant 112 : index
      %get3A_410 = tpu.vector_load %arg15[%get3A_408, %get3A_409] {strides = array<i32>} : memref<64x768xf32, #tpu.memory_space<vmem>>, vector<16xf32>,
      %mul3A_411 = arith.mulf %get3A_410, %gather3A_320 : vector<16xf32>
      %add3A_412 = arith.addf %mul3A_407, %mul3A_411 : vector<16xf32>
      %swap3A_413 = arith.index_cast %scan3A_310 : i32 to index
      %swap3A_414 = arith.constant 112 : index
      %swap3A_415 = tpu.vector_load %arg14[%swap3A_413, %swap3A_414] {strides = array<i32>} : memref<64x768xf32, #tpu.memory_space<vmem>>, vector<16xf32>,
      tpu.vector_store %arg14[%swap3A_413, %swap3A_414], %add3A_412 {strides = array<i32>} : memref<64x768xf32, #tpu.memory_space<vmem>>, vector<16xf32>,
      %get3A_416 = arith.index_cast %scan3A_310 : i32 to index
      %get3A_417 = arith.constant 128 : index
      %get3A_418 = tpu.vector_load %arg14[%get3A_416, %get3A_417] {strides = array<i32>} : memref<64x768xf32, #tpu.memory_space<vmem>>, vector<16xf32>,
      %mul3A_419 = arith.mulf %get3A_418, %gather3A_315 : vector<16xf32>
      %get3A_420 = arith.index_cast %scan3A_310 : i32 to index
      %get3A_421 = arith.constant 128 : index
      %get3A_422 = tpu.vector_load %arg15[%get3A_420, %get3A_421] {strides = array<i32>} : memref<64x768xf32, #tpu.memory_space<vmem>>, vector<16xf32>,
      %mul3A_423 = arith.mulf %get3A_422, %gather3A_320 : vector<16xf32>
      %add3A_424 = arith.addf %mul3A_419, %mul3A_423 : vector<16xf32>
      %swap3A_425 = arith.index_cast %scan3A_310 : i32 to index
      %swap3A_426 = arith.constant 128 : index
      %swap3A_427 = tpu.vector_load %arg14[%swap3A_425, %swap3A_426] {strides = array<i32>} : memref<64x768xf32, #tpu.memory_space<vmem>>, vector<16xf32>,
      tpu.vector_store %arg14[%swap3A_425, %swap3A_426], %add3A_424 {strides = array<i32>} : memref<64x768xf32, #tpu.memory_space<vmem>>, vector<16xf32>,
      %get3A_428 = arith.index_cast %scan3A_310 : i32 to index
      %get3A_429 = arith.constant 144 : index
      %get3A_430 = tpu.vector_load %arg14[%get3A_428, %get3A_429] {strides = array<i32>} : memref<64x768xf32, #tpu.memory_space<vmem>>, vector<16xf32>,
      %mul3A_431 = arith.mulf %get3A_430, %gather3A_315 : vector<16xf32>
      %get3A_432 = arith.index_cast %scan3A_310 : i32 to index
      %get3A_433 = arith.constant 144 : index
      %get3A_434 = tpu.vector_load %arg15[%get3A_432, %get3A_433] {strides = array<i32>} : memref<64x768xf32, #tpu.memory_space<vmem>>, vector<16xf32>,
      %mul3A_435 = arith.mulf %get3A_434, %gather3A_320 : vector<16xf32>
      %add3A_436 = arith.addf %mul3A_431, %mul3A_435 : vector<16xf32>
      %swap3A_437 = arith.index_cast %scan3A_310 : i32 to index
      %swap3A_438 = arith.constant 144 : index
      %swap3A_439 = tpu.vector_load %arg14[%swap3A_437, %swap3A_438] {strides = array<i32>} : memref<64x768xf32, #tpu.memory_space<vmem>>, vector<16xf32>,
      tpu.vector_store %arg14[%swap3A_437, %swap3A_438], %add3A_436 {strides = array<i32>} : memref<64x768xf32, #tpu.memory_space<vmem>>, vector<16xf32>,
      %get3A_440 = arith.index_cast %scan3A_310 : i32 to index
      %get3A_441 = arith.constant 160 : index
      %get3A_442 = tpu.vector_load %arg14[%get3A_440, %get3A_441] {strides = array<i32>} : memref<64x768xf32, #tpu.memory_space<vmem>>, vector<16xf32>,
      %mul3A_443 = arith.mulf %get3A_442, %gather3A_315 : vector<16xf32>
      %get3A_444 = arith.index_cast %scan3A_310 : i32 to index
      %get3A_445 = arith.constant 160 : index
      %get3A_446 = tpu.vector_load %arg15[%get3A_444, %get3A_445] {strides = array<i32>} : memref<64x768xf32, #tpu.memory_space<vmem>>, vector<16xf32>,
      %mul3A_447 = arith.mulf %get3A_446, %gather3A_320 : vector<16xf32>
      %add3A_448 = arith.addf %mul3A_443, %mul3A_447 : vector<16xf32>
      %swap3A_449 = arith.index_cast %scan3A_310 : i32 to index
      %swap3A_450 = arith.constant 160 : index
      %swap3A_451 = tpu.vector_load %arg14[%swap3A_449, %swap3A_450] {strides = array<i32>} : memref<64x768xf32, #tpu.memory_space<vmem>>, vector<16xf32>,
      tpu.vector_store %arg14[%swap3A_449, %swap3A_450], %add3A_448 {strides = array<i32>} : memref<64x768xf32, #tpu.memory_space<vmem>>, vector<16xf32>,
      %get3A_452 = arith.index_cast %scan3A_310 : i32 to index
      %get3A_453 = arith.constant 176 : index
      %get3A_454 = tpu.vector_load %arg14[%get3A_452, %get3A_453] {strides = array<i32>} : memref<64x768xf32, #tpu.memory_space<vmem>>, vector<16xf32>,
      %mul3A_455 = arith.mulf %get3A_454, %gather3A_315 : vector<16xf32>
      %get3A_456 = arith.index_cast %scan3A_310 : i32 to index
      %get3A_457 = arith.constant 176 : index
      %get3A_458 = tpu.vector_load %arg15[%get3A_456, %get3A_457] {strides = array<i32>} : memref<64x768xf32, #tpu.memory_space<vmem>>, vector<16xf32>,
      %mul3A_459 = arith.mulf %get3A_458, %gather3A_320 : vector<16xf32>
      %add3A_460 = arith.addf %mul3A_455, %mul3A_459 : vector<16xf32>
      %swap3A_461 = arith.index_cast %scan3A_310 : i32 to index
      %swap3A_462 = arith.constant 176 : index
      %swap3A_463 = tpu.vector_load %arg14[%swap3A_461, %swap3A_462] {strides = array<i32>} : memref<64x768xf32, #tpu.memory_space<vmem>>, vector<16xf32>,
      tpu.vector_store %arg14[%swap3A_461, %swap3A_462], %add3A_460 {strides = array<i32>} : memref<64x768xf32, #tpu.memory_space<vmem>>, vector<16xf32>,
      %get3A_464 = arith.index_cast %scan3A_310 : i32 to index
      %get3A_465 = arith.constant 192 : index
      %get3A_466 = tpu.vector_load %arg14[%get3A_464, %get3A_465] {strides = array<i32>} : memref<64x768xf32, #tpu.memory_space<vmem>>, vector<16xf32>,
      %mul3A_467 = arith.mulf %get3A_466, %gather3A_315 : vector<16xf32>
      %get3A_468 = arith.index_cast %scan3A_310 : i32 to index
      %get3A_469 = arith.constant 192 : index
      %get3A_470 = tpu.vector_load %arg15[%get3A_468, %get3A_469] {strides = array<i32>} : memref<64x768xf32, #tpu.memory_space<vmem>>, vector<16xf32>,
      %mul3A_471 = arith.mulf %get3A_470, %gather3A_320 : vector<16xf32>
      %add3A_472 = arith.addf %mul3A_467, %mul3A_471 : vector<16xf32>
      %swap3A_473 = arith.index_cast %scan3A_310 : i32 to index
      %swap3A_474 = arith.constant 192 : index
      %swap3A_475 = tpu.vector_load %arg14[%swap3A_473, %swap3A_474] {strides = array<i32>} : memref<64x768xf32, #tpu.memory_space<vmem>>, vector<16xf32>,
      tpu.vector_store %arg14[%swap3A_473, %swap3A_474], %add3A_472 {strides = array<i32>} : memref<64x768xf32, #tpu.memory_space<vmem>>, vector<16xf32>,
      %get3A_476 = arith.index_cast %scan3A_310 : i32 to index
      %get3A_477 = arith.constant 208 : index
      %get3A_478 = tpu.vector_load %arg14[%get3A_476, %get3A_477] {strides = array<i32>} : memref<64x768xf32, #tpu.memory_space<vmem>>, vector<16xf32>,
      %mul3A_479 = arith.mulf %get3A_478, %gather3A_315 : vector<16xf32>
      %get3A_480 = arith.index_cast %scan3A_310 : i32 to index
      %get3A_481 = arith.constant 208 : index
      %get3A_482 = tpu.vector_load %arg15[%get3A_480, %get3A_481] {strides = array<i32>} : memref<64x768xf32, #tpu.memory_space<vmem>>, vector<16xf32>,
      %mul3A_483 = arith.mulf %get3A_482, %gather3A_320 : vector<16xf32>
      %add3A_484 = arith.addf %mul3A_479, %mul3A_483 : vector<16xf32>
      %swap3A_485 = arith.index_cast %scan3A_310 : i32 to index
      %swap3A_486 = arith.constant 208 : index
      %swap3A_487 = tpu.vector_load %arg14[%swap3A_485, %swap3A_486] {strides = array<i32>} : memref<64x768xf32, #tpu.memory_space<vmem>>, vector<16xf32>,
      tpu.vector_store %arg14[%swap3A_485, %swap3A_486], %add3A_484 {strides = array<i32>} : memref<64x768xf32, #tpu.memory_space<vmem>>, vector<16xf32>,
      %get3A_488 = arith.index_cast %scan3A_310 : i32 to index
      %get3A_489 = arith.constant 224 : index
      %get3A_490 = tpu.vector_load %arg14[%get3A_488, %get3A_489] {strides = array<i32>} : memref<64x768xf32, #tpu.memory_space<vmem>>, vector<16xf32>,
      %mul3A_491 = arith.mulf %get3A_490, %gather3A_315 : vector<16xf32>
      %get3A_492 = arith.index_cast %scan3A_310 : i32 to index
      %get3A_493 = arith.constant 224 : index
      %get3A_494 = tpu.vector_load %arg15[%get3A_492, %get3A_493] {strides = array<i32>} : memref<64x768xf32, #tpu.memory_space<vmem>>, vector<16xf32>,
      %mul3A_495 = arith.mulf %get3A_494, %gather3A_320 : vector<16xf32>
      %add3A_496 = arith.addf %mul3A_491, %mul3A_495 : vector<16xf32>
      %swap3A_497 = arith.index_cast %scan3A_310 : i32 to index
      %swap3A_498 = arith.constant 224 : index
      %swap3A_499 = tpu.vector_load %arg14[%swap3A_497, %swap3A_498] {strides = array<i32>} : memref<64x768xf32, #tpu.memory_space<vmem>>, vector<16xf32>,
      tpu.vector_store %arg14[%swap3A_497, %swap3A_498], %add3A_496 {strides = array<i32>} : memref<64x768xf32, #tpu.memory_space<vmem>>, vector<16xf32>,
      %get3A_500 = arith.index_cast %scan3A_310 : i32 to index
      %get3A_501 = arith.constant 240 : index
      %get3A_502 = tpu.vector_load %arg14[%get3A_500, %get3A_501] {strides = array<i32>} : memref<64x768xf32, #tpu.memory_space<vmem>>, vector<16xf32>,
      %mul3A_503 = arith.mulf %get3A_502, %gather3A_315 : vector<16xf32>
      %get3A_504 = arith.index_cast %scan3A_310 : i32 to index
      %get3A_505 = arith.constant 240 : index
      %get3A_506 = tpu.vector_load %arg15[%get3A_504, %get3A_505] {strides = array<i32>} : memref<64x768xf32, #tpu.memory_space<vmem>>, vector<16xf32>,
      %mul3A_507 = arith.mulf %get3A_506, %gather3A_320 : vector<16xf32>
      %add3A_508 = arith.addf %mul3A_503, %mul3A_507 : vector<16xf32>
      %swap3A_509 = arith.index_cast %scan3A_310 : i32 to index
      %swap3A_510 = arith.constant 240 : index
      %swap3A_511 = tpu.vector_load %arg14[%swap3A_509, %swap3A_510] {strides = array<i32>} : memref<64x768xf32, #tpu.memory_space<vmem>>, vector<16xf32>,
      tpu.vector_store %arg14[%swap3A_509, %swap3A_510], %add3A_508 {strides = array<i32>} : memref<64x768xf32, #tpu.memory_space<vmem>>, vector<16xf32>,
      %get3A_512 = arith.index_cast %scan3A_310 : i32 to index
      %get3A_513 = arith.constant 256 : index
      %get3A_514 = tpu.vector_load %arg14[%get3A_512, %get3A_513] {strides = array<i32>} : memref<64x768xf32, #tpu.memory_space<vmem>>, vector<16xf32>,
      %mul3A_515 = arith.mulf %get3A_514, %gather3A_315 : vector<16xf32>
      %get3A_516 = arith.index_cast %scan3A_310 : i32 to index
      %get3A_517 = arith.constant 256 : index
      %get3A_518 = tpu.vector_load %arg15[%get3A_516, %get3A_517] {strides = array<i32>} : memref<64x768xf32, #tpu.memory_space<vmem>>, vector<16xf32>,
      %mul3A_519 = arith.mulf %get3A_518, %gather3A_320 : vector<16xf32>
      %add3A_520 = arith.addf %mul3A_515, %mul3A_519 : vector<16xf32>
      %swap3A_521 = arith.index_cast %scan3A_310 : i32 to index
      %swap3A_522 = arith.constant 256 : index
      %swap3A_523 = tpu.vector_load %arg14[%swap3A_521, %swap3A_522] {strides = array<i32>} : memref<64x768xf32, #tpu.memory_space<vmem>>, vector<16xf32>,
      tpu.vector_store %arg14[%swap3A_521, %swap3A_522], %add3A_520 {strides = array<i32>} : memref<64x768xf32, #tpu.memory_space<vmem>>, vector<16xf32>,
      %get3A_524 = arith.index_cast %scan3A_310 : i32 to index
      %get3A_525 = arith.constant 272 : index
      %get3A_526 = tpu.vector_load %arg14[%get3A_524, %get3A_525] {strides = array<i32>} : memref<64x768xf32, #tpu.memory_space<vmem>>, vector<16xf32>,
      %mul3A_527 = arith.mulf %get3A_526, %gather3A_315 : vector<16xf32>
      %get3A_528 = arith.index_cast %scan3A_310 : i32 to index
      %get3A_529 = arith.constant 272 : index
      %get3A_530 = tpu.vector_load %arg15[%get3A_528, %get3A_529] {strides = array<i32>} : memref<64x768xf32, #tpu.memory_space<vmem>>, vector<16xf32>,
      %mul3A_531 = arith.mulf %get3A_530, %gather3A_320 : vector<16xf32>
      %add3A_532 = arith.addf %mul3A_527, %mul3A_531 : vector<16xf32>
      %swap3A_533 = arith.index_cast %scan3A_310 : i32 to index
      %swap3A_534 = arith.constant 272 : index
      %swap3A_535 = tpu.vector_load %arg14[%swap3A_533, %swap3A_534] {strides = array<i32>} : memref<64x768xf32, #tpu.memory_space<vmem>>, vector<16xf32>,
      tpu.vector_store %arg14[%swap3A_533, %swap3A_534], %add3A_532 {strides = array<i32>} : memref<64x768xf32, #tpu.memory_space<vmem>>, vector<16xf32>,
      %get3A_536 = arith.index_cast %scan3A_310 : i32 to index
      %get3A_537 = arith.constant 288 : index
      %get3A_538 = tpu.vector_load %arg14[%get3A_536, %get3A_537] {strides = array<i32>} : memref<64x768xf32, #tpu.memory_space<vmem>>, vector<16xf32>,
      %mul3A_539 = arith.mulf %get3A_538, %gather3A_315 : vector<16xf32>
      %get3A_540 = arith.index_cast %scan3A_310 : i32 to index
      %get3A_541 = arith.constant 288 : index
      %get3A_542 = tpu.vector_load %arg15[%get3A_540, %get3A_541] {strides = array<i32>} : memref<64x768xf32, #tpu.memory_space<vmem>>, vector<16xf32>,
      %mul3A_543 = arith.mulf %get3A_542, %gather3A_320 : vector<16xf32>
      %add3A_544 = arith.addf %mul3A_539, %mul3A_543 : vector<16xf32>
      %swap3A_545 = arith.index_cast %scan3A_310 : i32 to index
      %swap3A_546 = arith.constant 288 : index
      %swap3A_547 = tpu.vector_load %arg14[%swap3A_545, %swap3A_546] {strides = array<i32>} : memref<64x768xf32, #tpu.memory_space<vmem>>, vector<16xf32>,
      tpu.vector_store %arg14[%swap3A_545, %swap3A_546], %add3A_544 {strides = array<i32>} : memref<64x768xf32, #tpu.memory_space<vmem>>, vector<16xf32>,
      %get3A_548 = arith.index_cast %scan3A_310 : i32 to index
      %get3A_549 = arith.constant 304 : index
      %get3A_550 = tpu.vector_load %arg14[%get3A_548, %get3A_549] {strides = array<i32>} : memref<64x768xf32, #tpu.memory_space<vmem>>, vector<16xf32>,
      %mul3A_551 = arith.mulf %get3A_550, %gather3A_315 : vector<16xf32>
      %get3A_552 = arith.index_cast %scan3A_310 : i32 to index
      %get3A_553 = arith.constant 304 : index
      %get3A_554 = tpu.vector_load %arg15[%get3A_552, %get3A_553] {strides = array<i32>} : memref<64x768xf32, #tpu.memory_space<vmem>>, vector<16xf32>,
      %mul3A_555 = arith.mulf %get3A_554, %gather3A_320 : vector<16xf32>
      %add3A_556 = arith.addf %mul3A_551, %mul3A_555 : vector<16xf32>
      %swap3A_557 = arith.index_cast %scan3A_310 : i32 to index
      %swap3A_558 = arith.constant 304 : index
      %swap3A_559 = tpu.vector_load %arg14[%swap3A_557, %swap3A_558] {strides = array<i32>} : memref<64x768xf32, #tpu.memory_space<vmem>>, vector<16xf32>,
      tpu.vector_store %arg14[%swap3A_557, %swap3A_558], %add3A_556 {strides = array<i32>} : memref<64x768xf32, #tpu.memory_space<vmem>>, vector<16xf32>,
      %get3A_560 = arith.index_cast %scan3A_310 : i32 to index
      %get3A_561 = arith.constant 320 : index
      %get3A_562 = tpu.vector_load %arg14[%get3A_560, %get3A_561] {strides = array<i32>} : memref<64x768xf32, #tpu.memory_space<vmem>>, vector<16xf32>,
      %mul3A_563 = arith.mulf %get3A_562, %gather3A_315 : vector<16xf32>
      %get3A_564 = arith.index_cast %scan3A_310 : i32 to index
      %get3A_565 = arith.constant 320 : index
      %get3A_566 = tpu.vector_load %arg15[%get3A_564, %get3A_565] {strides = array<i32>} : memref<64x768xf32, #tpu.memory_space<vmem>>, vector<16xf32>,
      %mul3A_567 = arith.mulf %get3A_566, %gather3A_320 : vector<16xf32>
      %add3A_568 = arith.addf %mul3A_563, %mul3A_567 : vector<16xf32>
      %swap3A_569 = arith.index_cast %scan3A_310 : i32 to index
      %swap3A_570 = arith.constant 320 : index
      %swap3A_571 = tpu.vector_load %arg14[%swap3A_569, %swap3A_570] {strides = array<i32>} : memref<64x768xf32, #tpu.memory_space<vmem>>, vector<16xf32>,
      tpu.vector_store %arg14[%swap3A_569, %swap3A_570], %add3A_568 {strides = array<i32>} : memref<64x768xf32, #tpu.memory_space<vmem>>, vector<16xf32>,
      %get3A_572 = arith.index_cast %scan3A_310 : i32 to index
      %get3A_573 = arith.constant 336 : index
      %get3A_574 = tpu.vector_load %arg14[%get3A_572, %get3A_573] {strides = array<i32>} : memref<64x768xf32, #tpu.memory_space<vmem>>, vector<16xf32>,
      %mul3A_575 = arith.mulf %get3A_574, %gather3A_315 : vector<16xf32>
      %get3A_576 = arith.index_cast %scan3A_310 : i32 to index
      %get3A_577 = arith.constant 336 : index
      %get3A_578 = tpu.vector_load %arg15[%get3A_576, %get3A_577] {strides = array<i32>} : memref<64x768xf32, #tpu.memory_space<vmem>>, vector<16xf32>,
      %mul3A_579 = arith.mulf %get3A_578, %gather3A_320 : vector<16xf32>
      %add3A_580 = arith.addf %mul3A_575, %mul3A_579 : vector<16xf32>
      %swap3A_581 = arith.index_cast %scan3A_310 : i32 to index
      %swap3A_582 = arith.constant 336 : index
      %swap3A_583 = tpu.vector_load %arg14[%swap3A_581, %swap3A_582] {strides = array<i32>} : memref<64x768xf32, #tpu.memory_space<vmem>>, vector<16xf32>,
      tpu.vector_store %arg14[%swap3A_581, %swap3A_582], %add3A_580 {strides = array<i32>} : memref<64x768xf32, #tpu.memory_space<vmem>>, vector<16xf32>,
      %get3A_584 = arith.index_cast %scan3A_310 : i32 to index
      %get3A_585 = arith.constant 352 : index
      %get3A_586 = tpu.vector_load %arg14[%get3A_584, %get3A_585] {strides = array<i32>} : memref<64x768xf32, #tpu.memory_space<vmem>>, vector<16xf32>,
      %mul3A_587 = arith.mulf %get3A_586, %gather3A_315 : vector<16xf32>
      %get3A_588 = arith.index_cast %scan3A_310 : i32 to index
      %get3A_589 = arith.constant 352 : index
      %get3A_590 = tpu.vector_load %arg15[%get3A_588, %get3A_589] {strides = array<i32>} : memref<64x768xf32, #tpu.memory_space<vmem>>, vector<16xf32>,
      %mul3A_591 = arith.mulf %get3A_590, %gather3A_320 : vector<16xf32>
      %add3A_592 = arith.addf %mul3A_587, %mul3A_591 : vector<16xf32>
      %swap3A_593 = arith.index_cast %scan3A_310 : i32 to index
      %swap3A_594 = arith.constant 352 : index
      %swap3A_595 = tpu.vector_load %arg14[%swap3A_593, %swap3A_594] {strides = array<i32>} : memref<64x768xf32, #tpu.memory_space<vmem>>, vector<16xf32>,
      tpu.vector_store %arg14[%swap3A_593, %swap3A_594], %add3A_592 {strides = array<i32>} : memref<64x768xf32, #tpu.memory_space<vmem>>, vector<16xf32>,
      %get3A_596 = arith.index_cast %scan3A_310 : i32 to index
      %get3A_597 = arith.constant 368 : index
      %get3A_598 = tpu.vector_load %arg14[%get3A_596, %get3A_597] {strides = array<i32>} : memref<64x768xf32, #tpu.memory_space<vmem>>, vector<16xf32>,
      %mul3A_599 = arith.mulf %get3A_598, %gather3A_315 : vector<16xf32>
      %get3A_600 = arith.index_cast %scan3A_310 : i32 to index
      %get3A_601 = arith.constant 368 : index
      %get3A_602 = tpu.vector_load %arg15[%get3A_600, %get3A_601] {strides = array<i32>} : memref<64x768xf32, #tpu.memory_space<vmem>>, vector<16xf32>,
      %mul3A_603 = arith.mulf %get3A_602, %gather3A_320 : vector<16xf32>
      %add3A_604 = arith.addf %mul3A_599, %mul3A_603 : vector<16xf32>
      %swap3A_605 = arith.index_cast %scan3A_310 : i32 to index
      %swap3A_606 = arith.constant 368 : index
      %swap3A_607 = tpu.vector_load %arg14[%swap3A_605, %swap3A_606] {strides = array<i32>} : memref<64x768xf32, #tpu.memory_space<vmem>>, vector<16xf32>,
      tpu.vector_store %arg14[%swap3A_605, %swap3A_606], %add3A_604 {strides = array<i32>} : memref<64x768xf32, #tpu.memory_space<vmem>>, vector<16xf32>,
      %get3A_608 = arith.index_cast %scan3A_310 : i32 to index
      %get3A_609 = arith.constant 384 : index
      %get3A_610 = tpu.vector_load %arg14[%get3A_608, %get3A_609] {strides = array<i32>} : memref<64x768xf32, #tpu.memory_space<vmem>>, vector<16xf32>,
      %mul3A_611 = arith.mulf %get3A_610, %gather3A_315 : vector<16xf32>
      %get3A_612 = arith.index_cast %scan3A_310 : i32 to index
      %get3A_613 = arith.constant 384 : index
      %get3A_614 = tpu.vector_load %arg15[%get3A_612, %get3A_613] {strides = array<i32>} : memref<64x768xf32, #tpu.memory_space<vmem>>, vector<16xf32>,
      %mul3A_615 = arith.mulf %get3A_614, %gather3A_320 : vector<16xf32>
      %add3A_616 = arith.addf %mul3A_611, %mul3A_615 : vector<16xf32>
      %swap3A_617 = arith.index_cast %scan3A_310 : i32 to index
      %swap3A_618 = arith.constant 384 : index
      %swap3A_619 = tpu.vector_load %arg14[%swap3A_617, %swap3A_618] {strides = array<i32>} : memref<64x768xf32, #tpu.memory_space<vmem>>, vector<16xf32>,
      tpu.vector_store %arg14[%swap3A_617, %swap3A_618], %add3A_616 {strides = array<i32>} : memref<64x768xf32, #tpu.memory_space<vmem>>, vector<16xf32>,
      %get3A_620 = arith.index_cast %scan3A_310 : i32 to index
      %get3A_621 = arith.constant 400 : index
      %get3A_622 = tpu.vector_load %arg14[%get3A_620, %get3A_621] {strides = array<i32>} : memref<64x768xf32, #tpu.memory_space<vmem>>, vector<16xf32>,
      %mul3A_623 = arith.mulf %get3A_622, %gather3A_315 : vector<16xf32>
      %get3A_624 = arith.index_cast %scan3A_310 : i32 to index
      %get3A_625 = arith.constant 400 : index
      %get3A_626 = tpu.vector_load %arg15[%get3A_624, %get3A_625] {strides = array<i32>} : memref<64x768xf32, #tpu.memory_space<vmem>>, vector<16xf32>,
      %mul3A_627 = arith.mulf %get3A_626, %gather3A_320 : vector<16xf32>
      %add3A_628 = arith.addf %mul3A_623, %mul3A_627 : vector<16xf32>
      %swap3A_629 = arith.index_cast %scan3A_310 : i32 to index
      %swap3A_630 = arith.constant 400 : index
      %swap3A_631 = tpu.vector_load %arg14[%swap3A_629, %swap3A_630] {strides = array<i32>} : memref<64x768xf32, #tpu.memory_space<vmem>>, vector<16xf32>,
      tpu.vector_store %arg14[%swap3A_629, %swap3A_630], %add3A_628 {strides = array<i32>} : memref<64x768xf32, #tpu.memory_space<vmem>>, vector<16xf32>,
      %get3A_632 = arith.index_cast %scan3A_310 : i32 to index
      %get3A_633 = arith.constant 416 : index
      %get3A_634 = tpu.vector_load %arg14[%get3A_632, %get3A_633] {strides = array<i32>} : memref<64x768xf32, #tpu.memory_space<vmem>>, vector<16xf32>,
      %mul3A_635 = arith.mulf %get3A_634, %gather3A_315 : vector<16xf32>
      %get3A_636 = arith.index_cast %scan3A_310 : i32 to index
      %get3A_637 = arith.constant 416 : index
      %get3A_638 = tpu.vector_load %arg15[%get3A_636, %get3A_637] {strides = array<i32>} : memref<64x768xf32, #tpu.memory_space<vmem>>, vector<16xf32>,
      %mul3A_639 = arith.mulf %get3A_638, %gather3A_320 : vector<16xf32>
      %add3A_640 = arith.addf %mul3A_635, %mul3A_639 : vector<16xf32>
      %swap3A_641 = arith.index_cast %scan3A_310 : i32 to index
      %swap3A_642 = arith.constant 416 : index
      %swap3A_643 = tpu.vector_load %arg14[%swap3A_641, %swap3A_642] {strides = array<i32>} : memref<64x768xf32, #tpu.memory_space<vmem>>, vector<16xf32>,
      tpu.vector_store %arg14[%swap3A_641, %swap3A_642], %add3A_640 {strides = array<i32>} : memref<64x768xf32, #tpu.memory_space<vmem>>, vector<16xf32>,
      %get3A_644 = arith.index_cast %scan3A_310 : i32 to index
      %get3A_645 = arith.constant 432 : index
      %get3A_646 = tpu.vector_load %arg14[%get3A_644, %get3A_645] {strides = array<i32>} : memref<64x768xf32, #tpu.memory_space<vmem>>, vector<16xf32>,
      %mul3A_647 = arith.mulf %get3A_646, %gather3A_315 : vector<16xf32>
      %get3A_648 = arith.index_cast %scan3A_310 : i32 to index
      %get3A_649 = arith.constant 432 : index
      %get3A_650 = tpu.vector_load %arg15[%get3A_648, %get3A_649] {strides = array<i32>} : memref<64x768xf32, #tpu.memory_space<vmem>>, vector<16xf32>,
      %mul3A_651 = arith.mulf %get3A_650, %gather3A_320 : vector<16xf32>
      %add3A_652 = arith.addf %mul3A_647, %mul3A_651 : vector<16xf32>
      %swap3A_653 = arith.index_cast %scan3A_310 : i32 to index
      %swap3A_654 = arith.constant 432 : index
      %swap3A_655 = tpu.vector_load %arg14[%swap3A_653, %swap3A_654] {strides = array<i32>} : memref<64x768xf32, #tpu.memory_space<vmem>>, vector<16xf32>,
      tpu.vector_store %arg14[%swap3A_653, %swap3A_654], %add3A_652 {strides = array<i32>} : memref<64x768xf32, #tpu.memory_space<vmem>>, vector<16xf32>,
      %get3A_656 = arith.index_cast %scan3A_310 : i32 to index
      %get3A_657 = arith.constant 448 : index
      %get3A_658 = tpu.vector_load %arg14[%get3A_656, %get3A_657] {strides = array<i32>} : memref<64x768xf32, #tpu.memory_space<vmem>>, vector<16xf32>,
      %mul3A_659 = arith.mulf %get3A_658, %gather3A_315 : vector<16xf32>
      %get3A_660 = arith.index_cast %scan3A_310 : i32 to index
      %get3A_661 = arith.constant 448 : index
      %get3A_662 = tpu.vector_load %arg15[%get3A_660, %get3A_661] {strides = array<i32>} : memref<64x768xf32, #tpu.memory_space<vmem>>, vector<16xf32>,
      %mul3A_663 = arith.mulf %get3A_662, %gather3A_320 : vector<16xf32>
      %add3A_664 = arith.addf %mul3A_659, %mul3A_663 : vector<16xf32>
      %swap3A_665 = arith.index_cast %scan3A_310 : i32 to index
      %swap3A_666 = arith.constant 448 : index
      %swap3A_667 = tpu.vector_load %arg14[%swap3A_665, %swap3A_666] {strides = array<i32>} : memref<64x768xf32, #tpu.memory_space<vmem>>, vector<16xf32>,
      tpu.vector_store %arg14[%swap3A_665, %swap3A_666], %add3A_664 {strides = array<i32>} : memref<64x768xf32, #tpu.memory_space<vmem>>, vector<16xf32>,
      %get3A_668 = arith.index_cast %scan3A_310 : i32 to index
      %get3A_669 = arith.constant 464 : index
      %get3A_670 = tpu.vector_load %arg14[%get3A_668, %get3A_669] {strides = array<i32>} : memref<64x768xf32, #tpu.memory_space<vmem>>, vector<16xf32>,
      %mul3A_671 = arith.mulf %get3A_670, %gather3A_315 : vector<16xf32>
      %get3A_672 = arith.index_cast %scan3A_310 : i32 to index
      %get3A_673 = arith.constant 464 : index
      %get3A_674 = tpu.vector_load %arg15[%get3A_672, %get3A_673] {strides = array<i32>} : memref<64x768xf32, #tpu.memory_space<vmem>>, vector<16xf32>,
      %mul3A_675 = arith.mulf %get3A_674, %gather3A_320 : vector<16xf32>
      %add3A_676 = arith.addf %mul3A_671, %mul3A_675 : vector<16xf32>
      %swap3A_677 = arith.index_cast %scan3A_310 : i32 to index
      %swap3A_678 = arith.constant 464 : index
      %swap3A_679 = tpu.vector_load %arg14[%swap3A_677, %swap3A_678] {strides = array<i32>} : memref<64x768xf32, #tpu.memory_space<vmem>>, vector<16xf32>,
      tpu.vector_store %arg14[%swap3A_677, %swap3A_678], %add3A_676 {strides = array<i32>} : memref<64x768xf32, #tpu.memory_space<vmem>>, vector<16xf32>,
      %get3A_680 = arith.index_cast %scan3A_310 : i32 to index
      %get3A_681 = arith.constant 480 : index
      %get3A_682 = tpu.vector_load %arg14[%get3A_680, %get3A_681] {strides = array<i32>} : memref<64x768xf32, #tpu.memory_space<vmem>>, vector<16xf32>,
      %mul3A_683 = arith.mulf %get3A_682, %gather3A_315 : vector<16xf32>
      %get3A_684 = arith.index_cast %scan3A_310 : i32 to index
      %get3A_685 = arith.constant 480 : index
      %get3A_686 = tpu.vector_load %arg15[%get3A_684, %get3A_685] {strides = array<i32>} : memref<64x768xf32, #tpu.memory_space<vmem>>, vector<16xf32>,
      %mul3A_687 = arith.mulf %get3A_686, %gather3A_320 : vector<16xf32>
      %add3A_688 = arith.addf %mul3A_683, %mul3A_687 : vector<16xf32>
      %swap3A_689 = arith.index_cast %scan3A_310 : i32 to index
      %swap3A_690 = arith.constant 480 : index
      %swap3A_691 = tpu.vector_load %arg14[%swap3A_689, %swap3A_690] {strides = array<i32>} : memref<64x768xf32, #tpu.memory_space<vmem>>, vector<16xf32>,
      tpu.vector_store %arg14[%swap3A_689, %swap3A_690], %add3A_688 {strides = array<i32>} : memref<64x768xf32, #tpu.memory_space<vmem>>, vector<16xf32>,
      %get3A_692 = arith.index_cast %scan3A_310 : i32 to index
      %get3A_693 = arith.constant 496 : index
      %get3A_694 = tpu.vector_load %arg14[%get3A_692, %get3A_693] {strides = array<i32>} : memref<64x768xf32, #tpu.memory_space<vmem>>, vector<16xf32>,
      %mul3A_695 = arith.mulf %get3A_694, %gather3A_315 : vector<16xf32>
      %get3A_696 = arith.index_cast %scan3A_310 : i32 to index
      %get3A_697 = arith.constant 496 : index
      %get3A_698 = tpu.vector_load %arg15[%get3A_696, %get3A_697] {strides = array<i32>} : memref<64x768xf32, #tpu.memory_space<vmem>>, vector<16xf32>,
      %mul3A_699 = arith.mulf %get3A_698, %gather3A_320 : vector<16xf32>
      %add3A_700 = arith.addf %mul3A_695, %mul3A_699 : vector<16xf32>
      %swap3A_701 = arith.index_cast %scan3A_310 : i32 to index
      %swap3A_702 = arith.constant 496 : index
      %swap3A_703 = tpu.vector_load %arg14[%swap3A_701, %swap3A_702] {strides = array<i32>} : memref<64x768xf32, #tpu.memory_space<vmem>>, vector<16xf32>,
      tpu.vector_store %arg14[%swap3A_701, %swap3A_702], %add3A_700 {strides = array<i32>} : memref<64x768xf32, #tpu.memory_space<vmem>>, vector<16xf32>,
      %get3A_704 = arith.index_cast %scan3A_310 : i32 to index
      %get3A_705 = arith.constant 512 : index
      %get3A_706 = tpu.vector_load %arg14[%get3A_704, %get3A_705] {strides = array<i32>} : memref<64x768xf32, #tpu.memory_space<vmem>>, vector<16xf32>,
      %mul3A_707 = arith.mulf %get3A_706, %gather3A_315 : vector<16xf32>
      %get3A_708 = arith.index_cast %scan3A_310 : i32 to index
      %get3A_709 = arith.constant 512 : index
      %get3A_710 = tpu.vector_load %arg15[%get3A_708, %get3A_709] {strides = array<i32>} : memref<64x768xf32, #tpu.memory_space<vmem>>, vector<16xf32>,
      %mul3A_711 = arith.mulf %get3A_710, %gather3A_320 : vector<16xf32>
      %add3A_712 = arith.addf %mul3A_707, %mul3A_711 : vector<16xf32>
      %swap3A_713 = arith.index_cast %scan3A_310 : i32 to index
      %swap3A_714 = arith.constant 512 : index
      %swap3A_715 = tpu.vector_load %arg14[%swap3A_713, %swap3A_714] {strides = array<i32>} : memref<64x768xf32, #tpu.memory_space<vmem>>, vector<16xf32>,
      tpu.vector_store %arg14[%swap3A_713, %swap3A_714], %add3A_712 {strides = array<i32>} : memref<64x768xf32, #tpu.memory_space<vmem>>, vector<16xf32>,
      %get3A_716 = arith.index_cast %scan3A_310 : i32 to index
      %get3A_717 = arith.constant 528 : index
      %get3A_718 = tpu.vector_load %arg14[%get3A_716, %get3A_717] {strides = array<i32>} : memref<64x768xf32, #tpu.memory_space<vmem>>, vector<16xf32>,
      %mul3A_719 = arith.mulf %get3A_718, %gather3A_315 : vector<16xf32>
      %get3A_720 = arith.index_cast %scan3A_310 : i32 to index
      %get3A_721 = arith.constant 528 : index
      %get3A_722 = tpu.vector_load %arg15[%get3A_720, %get3A_721] {strides = array<i32>} : memref<64x768xf32, #tpu.memory_space<vmem>>, vector<16xf32>,
      %mul3A_723 = arith.mulf %get3A_722, %gather3A_320 : vector<16xf32>
      %add3A_724 = arith.addf %mul3A_719, %mul3A_723 : vector<16xf32>
      %swap3A_725 = arith.index_cast %scan3A_310 : i32 to index
      %swap3A_726 = arith.constant 528 : index
      %swap3A_727 = tpu.vector_load %arg14[%swap3A_725, %swap3A_726] {strides = array<i32>} : memref<64x768xf32, #tpu.memory_space<vmem>>, vector<16xf32>,
      tpu.vector_store %arg14[%swap3A_725, %swap3A_726], %add3A_724 {strides = array<i32>} : memref<64x768xf32, #tpu.memory_space<vmem>>, vector<16xf32>,
      %get3A_728 = arith.index_cast %scan3A_310 : i32 to index
      %get3A_729 = arith.constant 544 : index
      %get3A_730 = tpu.vector_load %arg14[%get3A_728, %get3A_729] {strides = array<i32>} : memref<64x768xf32, #tpu.memory_space<vmem>>, vector<16xf32>,
      %mul3A_731 = arith.mulf %get3A_730, %gather3A_315 : vector<16xf32>
      %get3A_732 = arith.index_cast %scan3A_310 : i32 to index
      %get3A_733 = arith.constant 544 : index
      %get3A_734 = tpu.vector_load %arg15[%get3A_732, %get3A_733] {strides = array<i32>} : memref<64x768xf32, #tpu.memory_space<vmem>>, vector<16xf32>,
      %mul3A_735 = arith.mulf %get3A_734, %gather3A_320 : vector<16xf32>
      %add3A_736 = arith.addf %mul3A_731, %mul3A_735 : vector<16xf32>
      %swap3A_737 = arith.index_cast %scan3A_310 : i32 to index
      %swap3A_738 = arith.constant 544 : index
      %swap3A_739 = tpu.vector_load %arg14[%swap3A_737, %swap3A_738] {strides = array<i32>} : memref<64x768xf32, #tpu.memory_space<vmem>>, vector<16xf32>,
      tpu.vector_store %arg14[%swap3A_737, %swap3A_738], %add3A_736 {strides = array<i32>} : memref<64x768xf32, #tpu.memory_space<vmem>>, vector<16xf32>,
      %get3A_740 = arith.index_cast %scan3A_310 : i32 to index
      %get3A_741 = arith.constant 560 : index
      %get3A_742 = tpu.vector_load %arg14[%get3A_740, %get3A_741] {strides = array<i32>} : memref<64x768xf32, #tpu.memory_space<vmem>>, vector<16xf32>,
      %mul3A_743 = arith.mulf %get3A_742, %gather3A_315 : vector<16xf32>
      %get3A_744 = arith.index_cast %scan3A_310 : i32 to index
      %get3A_745 = arith.constant 560 : index
      %get3A_746 = tpu.vector_load %arg15[%get3A_744, %get3A_745] {strides = array<i32>} : memref<64x768xf32, #tpu.memory_space<vmem>>, vector<16xf32>,
      %mul3A_747 = arith.mulf %get3A_746, %gather3A_320 : vector<16xf32>
      %add3A_748 = arith.addf %mul3A_743, %mul3A_747 : vector<16xf32>
      %swap3A_749 = arith.index_cast %scan3A_310 : i32 to index
      %swap3A_750 = arith.constant 560 : index
      %swap3A_751 = tpu.vector_load %arg14[%swap3A_749, %swap3A_750] {strides = array<i32>} : memref<64x768xf32, #tpu.memory_space<vmem>>, vector<16xf32>,
      tpu.vector_store %arg14[%swap3A_749, %swap3A_750], %add3A_748 {strides = array<i32>} : memref<64x768xf32, #tpu.memory_space<vmem>>, vector<16xf32>,
      %get3A_752 = arith.index_cast %scan3A_310 : i32 to index
      %get3A_753 = arith.constant 576 : index
      %get3A_754 = tpu.vector_load %arg14[%get3A_752, %get3A_753] {strides = array<i32>} : memref<64x768xf32, #tpu.memory_space<vmem>>, vector<16xf32>,
      %mul3A_755 = arith.mulf %get3A_754, %gather3A_315 : vector<16xf32>
      %get3A_756 = arith.index_cast %scan3A_310 : i32 to index
      %get3A_757 = arith.constant 576 : index
      %get3A_758 = tpu.vector_load %arg15[%get3A_756, %get3A_757] {strides = array<i32>} : memref<64x768xf32, #tpu.memory_space<vmem>>, vector<16xf32>,
      %mul3A_759 = arith.mulf %get3A_758, %gather3A_320 : vector<16xf32>
      %add3A_760 = arith.addf %mul3A_755, %mul3A_759 : vector<16xf32>
      %swap3A_761 = arith.index_cast %scan3A_310 : i32 to index
      %swap3A_762 = arith.constant 576 : index
      %swap3A_763 = tpu.vector_load %arg14[%swap3A_761, %swap3A_762] {strides = array<i32>} : memref<64x768xf32, #tpu.memory_space<vmem>>, vector<16xf32>,
      tpu.vector_store %arg14[%swap3A_761, %swap3A_762], %add3A_760 {strides = array<i32>} : memref<64x768xf32, #tpu.memory_space<vmem>>, vector<16xf32>,
      %get3A_764 = arith.index_cast %scan3A_310 : i32 to index
      %get3A_765 = arith.constant 592 : index
      %get3A_766 = tpu.vector_load %arg14[%get3A_764, %get3A_765] {strides = array<i32>} : memref<64x768xf32, #tpu.memory_space<vmem>>, vector<16xf32>,
      %mul3A_767 = arith.mulf %get3A_766, %gather3A_315 : vector<16xf32>
      %get3A_768 = arith.index_cast %scan3A_310 : i32 to index
      %get3A_769 = arith.constant 592 : index
      %get3A_770 = tpu.vector_load %arg15[%get3A_768, %get3A_769] {strides = array<i32>} : memref<64x768xf32, #tpu.memory_space<vmem>>, vector<16xf32>,
      %mul3A_771 = arith.mulf %get3A_770, %gather3A_320 : vector<16xf32>
      %add3A_772 = arith.addf %mul3A_767, %mul3A_771 : vector<16xf32>
      %swap3A_773 = arith.index_cast %scan3A_310 : i32 to index
      %swap3A_774 = arith.constant 592 : index
      %swap3A_775 = tpu.vector_load %arg14[%swap3A_773, %swap3A_774] {strides = array<i32>} : memref<64x768xf32, #tpu.memory_space<vmem>>, vector<16xf32>,
      tpu.vector_store %arg14[%swap3A_773, %swap3A_774], %add3A_772 {strides = array<i32>} : memref<64x768xf32, #tpu.memory_space<vmem>>, vector<16xf32>,
      %get3A_776 = arith.index_cast %scan3A_310 : i32 to index
      %get3A_777 = arith.constant 608 : index
      %get3A_778 = tpu.vector_load %arg14[%get3A_776, %get3A_777] {strides = array<i32>} : memref<64x768xf32, #tpu.memory_space<vmem>>, vector<16xf32>,
      %mul3A_779 = arith.mulf %get3A_778, %gather3A_315 : vector<16xf32>
      %get3A_780 = arith.index_cast %scan3A_310 : i32 to index
      %get3A_781 = arith.constant 608 : index
      %get3A_782 = tpu.vector_load %arg15[%get3A_780, %get3A_781] {strides = array<i32>} : memref<64x768xf32, #tpu.memory_space<vmem>>, vector<16xf32>,
      %mul3A_783 = arith.mulf %get3A_782, %gather3A_320 : vector<16xf32>
      %add3A_784 = arith.addf %mul3A_779, %mul3A_783 : vector<16xf32>
      %swap3A_785 = arith.index_cast %scan3A_310 : i32 to index
      %swap3A_786 = arith.constant 608 : index
      %swap3A_787 = tpu.vector_load %arg14[%swap3A_785, %swap3A_786] {strides = array<i32>} : memref<64x768xf32, #tpu.memory_space<vmem>>, vector<16xf32>,
      tpu.vector_store %arg14[%swap3A_785, %swap3A_786], %add3A_784 {strides = array<i32>} : memref<64x768xf32, #tpu.memory_space<vmem>>, vector<16xf32>,
      %get3A_788 = arith.index_cast %scan3A_310 : i32 to index
      %get3A_789 = arith.constant 624 : index
      %get3A_790 = tpu.vector_load %arg14[%get3A_788, %get3A_789] {strides = array<i32>} : memref<64x768xf32, #tpu.memory_space<vmem>>, vector<16xf32>,
      %mul3A_791 = arith.mulf %get3A_790, %gather3A_315 : vector<16xf32>
      %get3A_792 = arith.index_cast %scan3A_310 : i32 to index
      %get3A_793 = arith.constant 624 : index
      %get3A_794 = tpu.vector_load %arg15[%get3A_792, %get3A_793] {strides = array<i32>} : memref<64x768xf32, #tpu.memory_space<vmem>>, vector<16xf32>,
      %mul3A_795 = arith.mulf %get3A_794, %gather3A_320 : vector<16xf32>
      %add3A_796 = arith.addf %mul3A_791, %mul3A_795 : vector<16xf32>
      %swap3A_797 = arith.index_cast %scan3A_310 : i32 to index
      %swap3A_798 = arith.constant 624 : index
      %swap3A_799 = tpu.vector_load %arg14[%swap3A_797, %swap3A_798] {strides = array<i32>} : memref<64x768xf32, #tpu.memory_space<vmem>>, vector<16xf32>,
      tpu.vector_store %arg14[%swap3A_797, %swap3A_798], %add3A_796 {strides = array<i32>} : memref<64x768xf32, #tpu.memory_space<vmem>>, vector<16xf32>,
      %get3A_800 = arith.index_cast %scan3A_310 : i32 to index
      %get3A_801 = arith.constant 640 : index
      %get3A_802 = tpu.vector_load %arg14[%get3A_800, %get3A_801] {strides = array<i32>} : memref<64x768xf32, #tpu.memory_space<vmem>>, vector<16xf32>,
      %mul3A_803 = arith.mulf %get3A_802, %gather3A_315 : vector<16xf32>
      %get3A_804 = arith.index_cast %scan3A_310 : i32 to index
      %get3A_805 = arith.constant 640 : index
      %get3A_806 = tpu.vector_load %arg15[%get3A_804, %get3A_805] {strides = array<i32>} : memref<64x768xf32, #tpu.memory_space<vmem>>, vector<16xf32>,
      %mul3A_807 = arith.mulf %get3A_806, %gather3A_320 : vector<16xf32>
      %add3A_808 = arith.addf %mul3A_803, %mul3A_807 : vector<16xf32>
      %swap3A_809 = arith.index_cast %scan3A_310 : i32 to index
      %swap3A_810 = arith.constant 640 : index
      %swap3A_811 = tpu.vector_load %arg14[%swap3A_809, %swap3A_810] {strides = array<i32>} : memref<64x768xf32, #tpu.memory_space<vmem>>, vector<16xf32>,
      tpu.vector_store %arg14[%swap3A_809, %swap3A_810], %add3A_808 {strides = array<i32>} : memref<64x768xf32, #tpu.memory_space<vmem>>, vector<16xf32>,
      %get3A_812 = arith.index_cast %scan3A_310 : i32 to index
      %get3A_813 = arith.constant 656 : index
      %get3A_814 = tpu.vector_load %arg14[%get3A_812, %get3A_813] {strides = array<i32>} : memref<64x768xf32, #tpu.memory_space<vmem>>, vector<16xf32>,
      %mul3A_815 = arith.mulf %get3A_814, %gather3A_315 : vector<16xf32>
      %get3A_816 = arith.index_cast %scan3A_310 : i32 to index
      %get3A_817 = arith.constant 656 : index
      %get3A_818 = tpu.vector_load %arg15[%get3A_816, %get3A_817] {strides = array<i32>} : memref<64x768xf32, #tpu.memory_space<vmem>>, vector<16xf32>,
      %mul3A_819 = arith.mulf %get3A_818, %gather3A_320 : vector<16xf32>
      %add3A_820 = arith.addf %mul3A_815, %mul3A_819 : vector<16xf32>
      %swap3A_821 = arith.index_cast %scan3A_310 : i32 to index
      %swap3A_822 = arith.constant 656 : index
      %swap3A_823 = tpu.vector_load %arg14[%swap3A_821, %swap3A_822] {strides = array<i32>} : memref<64x768xf32, #tpu.memory_space<vmem>>, vector<16xf32>,
      tpu.vector_store %arg14[%swap3A_821, %swap3A_822], %add3A_820 {strides = array<i32>} : memref<64x768xf32, #tpu.memory_space<vmem>>, vector<16xf32>,
      %get3A_824 = arith.index_cast %scan3A_310 : i32 to index
      %get3A_825 = arith.constant 672 : index
      %get3A_826 = tpu.vector_load %arg14[%get3A_824, %get3A_825] {strides = array<i32>} : memref<64x768xf32, #tpu.memory_space<vmem>>, vector<16xf32>,
      %mul3A_827 = arith.mulf %get3A_826, %gather3A_315 : vector<16xf32>
      %get3A_828 = arith.index_cast %scan3A_310 : i32 to index
      %get3A_829 = arith.constant 672 : index
      %get3A_830 = tpu.vector_load %arg15[%get3A_828, %get3A_829] {strides = array<i32>} : memref<64x768xf32, #tpu.memory_space<vmem>>, vector<16xf32>,
      %mul3A_831 = arith.mulf %get3A_830, %gather3A_320 : vector<16xf32>
      %add3A_832 = arith.addf %mul3A_827, %mul3A_831 : vector<16xf32>
      %swap3A_833 = arith.index_cast %scan3A_310 : i32 to index
      %swap3A_834 = arith.constant 672 : index
      %swap3A_835 = tpu.vector_load %arg14[%swap3A_833, %swap3A_834] {strides = array<i32>} : memref<64x768xf32, #tpu.memory_space<vmem>>, vector<16xf32>,
      tpu.vector_store %arg14[%swap3A_833, %swap3A_834], %add3A_832 {strides = array<i32>} : memref<64x768xf32, #tpu.memory_space<vmem>>, vector<16xf32>,
      %get3A_836 = arith.index_cast %scan3A_310 : i32 to index
      %get3A_837 = arith.constant 688 : index
      %get3A_838 = tpu.vector_load %arg14[%get3A_836, %get3A_837] {strides = array<i32>} : memref<64x768xf32, #tpu.memory_space<vmem>>, vector<16xf32>,
      %mul3A_839 = arith.mulf %get3A_838, %gather3A_315 : vector<16xf32>
      %get3A_840 = arith.index_cast %scan3A_310 : i32 to index
      %get3A_841 = arith.constant 688 : index
      %get3A_842 = tpu.vector_load %arg15[%get3A_840, %get3A_841] {strides = array<i32>} : memref<64x768xf32, #tpu.memory_space<vmem>>, vector<16xf32>,
      %mul3A_843 = arith.mulf %get3A_842, %gather3A_320 : vector<16xf32>
      %add3A_844 = arith.addf %mul3A_839, %mul3A_843 : vector<16xf32>
      %swap3A_845 = arith.index_cast %scan3A_310 : i32 to index
      %swap3A_846 = arith.constant 688 : index
      %swap3A_847 = tpu.vector_load %arg14[%swap3A_845, %swap3A_846] {strides = array<i32>} : memref<64x768xf32, #tpu.memory_space<vmem>>, vector<16xf32>,
      tpu.vector_store %arg14[%swap3A_845, %swap3A_846], %add3A_844 {strides = array<i32>} : memref<64x768xf32, #tpu.memory_space<vmem>>, vector<16xf32>,
      %get3A_848 = arith.index_cast %scan3A_310 : i32 to index
      %get3A_849 = arith.constant 704 : index
      %get3A_850 = tpu.vector_load %arg14[%get3A_848, %get3A_849] {strides = array<i32>} : memref<64x768xf32, #tpu.memory_space<vmem>>, vector<16xf32>,
      %mul3A_851 = arith.mulf %get3A_850, %gather3A_315 : vector<16xf32>
      %get3A_852 = arith.index_cast %scan3A_310 : i32 to index
      %get3A_853 = arith.constant 704 : index
      %get3A_854 = tpu.vector_load %arg15[%get3A_852, %get3A_853] {strides = array<i32>} : memref<64x768xf32, #tpu.memory_space<vmem>>, vector<16xf32>,
      %mul3A_855 = arith.mulf %get3A_854, %gather3A_320 : vector<16xf32>
      %add3A_856 = arith.addf %mul3A_851, %mul3A_855 : vector<16xf32>
      %swap3A_857 = arith.index_cast %scan3A_310 : i32 to index
      %swap3A_858 = arith.constant 704 : index
      %swap3A_859 = tpu.vector_load %arg14[%swap3A_857, %swap3A_858] {strides = array<i32>} : memref<64x768xf32, #tpu.memory_space<vmem>>, vector<16xf32>,
      tpu.vector_store %arg14[%swap3A_857, %swap3A_858], %add3A_856 {strides = array<i32>} : memref<64x768xf32, #tpu.memory_space<vmem>>, vector<16xf32>,
      %get3A_860 = arith.index_cast %scan3A_310 : i32 to index
      %get3A_861 = arith.constant 720 : index
      %get3A_862 = tpu.vector_load %arg14[%get3A_860, %get3A_861] {strides = array<i32>} : memref<64x768xf32, #tpu.memory_space<vmem>>, vector<16xf32>,
      %mul3A_863 = arith.mulf %get3A_862, %gather3A_315 : vector<16xf32>
      %get3A_864 = arith.index_cast %scan3A_310 : i32 to index
      %get3A_865 = arith.constant 720 : index
      %get3A_866 = tpu.vector_load %arg15[%get3A_864, %get3A_865] {strides = array<i32>} : memref<64x768xf32, #tpu.memory_space<vmem>>, vector<16xf32>,
      %mul3A_867 = arith.mulf %get3A_866, %gather3A_320 : vector<16xf32>
      %add3A_868 = arith.addf %mul3A_863, %mul3A_867 : vector<16xf32>
      %swap3A_869 = arith.index_cast %scan3A_310 : i32 to index
      %swap3A_870 = arith.constant 720 : index
      %swap3A_871 = tpu.vector_load %arg14[%swap3A_869, %swap3A_870] {strides = array<i32>} : memref<64x768xf32, #tpu.memory_space<vmem>>, vector<16xf32>,
      tpu.vector_store %arg14[%swap3A_869, %swap3A_870], %add3A_868 {strides = array<i32>} : memref<64x768xf32, #tpu.memory_space<vmem>>, vector<16xf32>,
      %get3A_872 = arith.index_cast %scan3A_310 : i32 to index
      %get3A_873 = arith.constant 736 : index
      %get3A_874 = tpu.vector_load %arg14[%get3A_872, %get3A_873] {strides = array<i32>} : memref<64x768xf32, #tpu.memory_space<vmem>>, vector<16xf32>,
      %mul3A_875 = arith.mulf %get3A_874, %gather3A_315 : vector<16xf32>
      %get3A_876 = arith.index_cast %scan3A_310 : i32 to index
      %get3A_877 = arith.constant 736 : index
      %get3A_878 = tpu.vector_load %arg15[%get3A_876, %get3A_877] {strides = array<i32>} : memref<64x768xf32, #tpu.memory_space<vmem>>, vector<16xf32>,
      %mul3A_879 = arith.mulf %get3A_878, %gather3A_320 : vector<16xf32>
      %add3A_880 = arith.addf %mul3A_875, %mul3A_879 : vector<16xf32>
      %swap3A_881 = arith.index_cast %scan3A_310 : i32 to index
      %swap3A_882 = arith.constant 736 : index
      %swap3A_883 = tpu.vector_load %arg14[%swap3A_881, %swap3A_882] {strides = array<i32>} : memref<64x768xf32, #tpu.memory_space<vmem>>, vector<16xf32>,
      tpu.vector_store %arg14[%swap3A_881, %swap3A_882], %add3A_880 {strides = array<i32>} : memref<64x768xf32, #tpu.memory_space<vmem>>, vector<16xf32>,
      %get3A_884 = arith.index_cast %scan3A_310 : i32 to index
      %get3A_885 = arith.constant 752 : index
      %get3A_886 = tpu.vector_load %arg14[%get3A_884, %get3A_885] {strides = array<i32>} : memref<64x768xf32, #tpu.memory_space<vmem>>, vector<16xf32>,
      %mul3A_887 = arith.mulf %get3A_886, %gather3A_315 : vector<16xf32>
      %get3A_888 = arith.index_cast %scan3A_310 : i32 to index
      %get3A_889 = arith.constant 752 : index
      %get3A_890 = tpu.vector_load %arg15[%get3A_888, %get3A_889] {strides = array<i32>} : memref<64x768xf32, #tpu.memory_space<vmem>>, vector<16xf32>,
      %mul3A_891 = arith.mulf %get3A_890, %gather3A_320 : vector<16xf32>
      %add3A_892 = arith.addf %mul3A_887, %mul3A_891 : vector<16xf32>
      %swap3A_893 = arith.index_cast %scan3A_310 : i32 to index
      %swap3A_894 = arith.constant 752 : index
      %swap3A_895 = tpu.vector_load %arg14[%swap3A_893, %swap3A_894] {strides = array<i32>} : memref<64x768xf32, #tpu.memory_space<vmem>>, vector<16xf32>,
      tpu.vector_store %arg14[%swap3A_893, %swap3A_894], %add3A_892 {strides = array<i32>} : memref<64x768xf32, #tpu.memory_space<vmem>>, vector<16xf32>,
    }
    %scan3A_309 = arith.constant 64 : i32
    "tpu.region"() ({
      %run_scoped3A = tpu.sem_alloc : memref<!tpu.dma_semaphore, #tpu.memory_space<semaphore_mem>>
      %dma_start3A_310 = arith.constant 0 : i32
      %dma_start3A_311 = tpu.memref_slice %arg6[%mul3A_2, %dma_start3A_310] : memref<2048x768xf32, #tpu.memory_space<hbm>> -> memref<64x768xf32, #tpu.memory_space<hbm>>
      %dma_start3A_312 = arith.constant 0 : i32
      %dma_start3A_313 = tpu.memref_slice %arg6[%mul3A_2, %dma_start3A_312] : memref<2048x768xf32, #tpu.memory_space<hbm>> -> memref<64x768xf32, #tpu.memory_space<hbm>>
      tpu.enqueue_dma source(%arg14 : memref<64x768xf32, #tpu.memory_space<vmem>>) target(%dma_start3A_313 : memref<64x768xf32, #tpu.memory_space<hbm>>) target_semaphore(%run_scoped3A : memref<!tpu.dma_semaphore, #tpu.memory_space<semaphore_mem>>)
      %dma_wait3A_314 = arith.constant 0 : i32
      %dma_wait3A_315 = tpu.memref_slice %arg6[%mul3A_2, %dma_wait3A_314] : memref<2048x768xf32, #tpu.memory_space<hbm>> -> memref<64x768xf32, #tpu.memory_space<hbm>>
      %dma_wait3A_316 = arith.constant 0 : i32
      %dma_wait3A_317 = tpu.memref_slice %arg6[%mul3A_2, %dma_wait3A_316] : memref<2048x768xf32, #tpu.memory_space<hbm>> -> memref<64x768xf32, #tpu.memory_space<hbm>>
      tpu.wait_dma2 semaphore(%run_scoped3A : memref<!tpu.dma_semaphore, #tpu.memory_space<semaphore_mem>>) src(%arg14 : memref<64x768xf32, #tpu.memory_space<vmem>>) dst(%dma_wait3A_317 : memref<64x768xf32, #tpu.memory_space<hbm>>)
      tpu.yield
    }) : () -> ()
    return
  }
}

#map = affine_map<(d0, d1) -> (0)>
#map1 = affine_map<(d0, d1) -> (0, 0)>
module attributes {stable_mosaic.version = 14 : i64} {
  func.func @compact_gather(%arg0: i32, %arg1: i32, %arg2: memref<4096xi32, #tpu.memory_space<hbm>>, %arg3: memref<2048x768xf32, #tpu.memory_space<hbm>>, %arg4: memref<2048x768xf32, #tpu.memory_space<hbm>>, %arg5: memref<8x2048xi32, #tpu.memory_space<hbm>>, %arg6: memref<4096xi32, #tpu.memory_space<vmem>>, %arg7: memref<256xi32, #tpu.memory_space<vmem>>, %arg8: memref<2048xi32, #tpu.memory_space<vmem>>, %arg9: memref<64x768xf32, #tpu.memory_space<vmem>>, %arg10: memref<!tpu.dma_semaphore, #tpu.memory_space<semaphore_mem>>) attributes {dimension_semantics = [#tpu.dimension_semantics<core_parallel>, #tpu.dimension_semantics<subcore_parallel>], iteration_bounds = array<i64: 2, 16>, scalar_prefetch = 0 : i64, scratch_operands = 5 : i64, tpu.core_type = #tpu.core_type<sc_vector_subcore>, window_params = [{transform_indices = #map}, {transform_indices = #map1}, {transform_indices = #map1}, {transform_indices = #map1}]} {
    %mul3A = arith.constant 2 : i32
    %mul3A_0 = arith.muli %arg1, %mul3A : i32
    %add3A = arith.addi %mul3A_0, %arg0 : i32
    %jit3A = arith.constant 4 : i32
    %div3A = arith.divsi %add3A, %jit3A : i32
    %sign3A = arith.constant 0 : i32
    %sign3A_1 = arith.cmpi sgt, %add3A, %sign3A : i32
    %sign3A_2 = arith.extui %sign3A_1 : i1 to i32
    %sign3A_3 = arith.constant 0 : i32
    %sign3A_4 = arith.cmpi slt, %add3A, %sign3A_3 : i32
    %sign3A_5 = arith.extui %sign3A_4 : i1 to i32
    %sign3A_6 = arith.subi %sign3A_2, %sign3A_5 : i32
    %sign3A_7 = arith.constant 0 : i32
    %sign3A_8 = arith.cmpi sgt, %jit3A, %sign3A_7 : i32
    %sign3A_9 = arith.extui %sign3A_8 : i1 to i32
    %sign3A_10 = arith.constant 0 : i32
    %sign3A_11 = arith.cmpi slt, %jit3A, %sign3A_10 : i32
    %sign3A_12 = arith.extui %sign3A_11 : i1 to i32
    %sign3A_13 = arith.subi %sign3A_9, %sign3A_12 : i32
    %ne3A = arith.cmpi ne, %sign3A_6, %sign3A_13 : i32
    %rem3A = arith.remsi %add3A, %jit3A : i32
    %ne3A_14 = arith.constant 0 : i32
    %ne3A_15 = arith.cmpi ne, %rem3A, %ne3A_14 : i32
    %and3A = arith.andi %ne3A, %ne3A_15 : i1
    %sub3A = arith.constant 1 : i32
    %sub3A_16 = arith.subi %div3A, %sub3A : i32
    %select_n3A = arith.select %and3A, %sub3A_16, %div3A : i32
    %jit3A_17 = arith.constant 4 : i32
    %eq3A = arith.constant 0 : i32
    %eq3A_18 = arith.cmpi eq, %jit3A_17, %eq3A : i32
    %jit3A_19 = arith.constant 1 : i32
    %select_n3A_20 = arith.select %eq3A_18, %jit3A_19, %jit3A_17 : i32
    %rem3A_21 = arith.remsi %add3A, %select_n3A_20 : i32
    %ne3A_22 = arith.constant 0 : i32
    %ne3A_23 = arith.cmpi ne, %rem3A_21, %ne3A_22 : i32
    %lt3A = arith.constant 0 : i32
    %lt3A_24 = arith.cmpi slt, %rem3A_21, %lt3A : i32
    %lt3A_25 = arith.constant 0 : i32
    %lt3A_26 = arith.cmpi slt, %select_n3A_20, %lt3A_25 : i32
    %ne3A_27 = arith.xori %lt3A_24, %lt3A_26 : i1
    %and3A_28 = arith.andi %ne3A_27, %ne3A_23 : i1
    %add3A_29 = arith.addi %rem3A_21, %select_n3A_20 : i32
    %select_n3A_30 = arith.select %and3A_28, %add3A_29, %rem3A_21 : i32
    "tpu.region"() ({
      %run_scoped3A = tpu.sem_alloc : memref<!tpu.dma_semaphore, #tpu.memory_space<semaphore_mem>>
      tpu.enqueue_dma source(%arg2 : memref<4096xi32, #tpu.memory_space<hbm>>) target(%arg6 : memref<4096xi32, #tpu.memory_space<vmem>>) target_semaphore(%run_scoped3A : memref<!tpu.dma_semaphore, #tpu.memory_space<semaphore_mem>>)
      tpu.wait_dma2 semaphore(%run_scoped3A : memref<!tpu.dma_semaphore, #tpu.memory_space<semaphore_mem>>) src(%arg2 : memref<4096xi32, #tpu.memory_space<hbm>>) dst(%arg6 : memref<4096xi32, #tpu.memory_space<vmem>>)
      tpu.yield
    }) : () -> ()
    %scan3A = arith.constant 0 : i32
    %scan3A_31 = arith.constant 0 : i32
    %scan3A_32 = arith.constant 16 : i32
    %scan3A_33 = arith.addi %scan3A_31, %scan3A_32 : i32
    %scan3A_34 = arith.constant 1 : i32
    scf.for %scan3A_56 = %scan3A_31 to %scan3A_33 step %scan3A_34  : i32 {
      %broadcast_in_dim3A = arith.constant 0 : i32
      %broadcast_in_dim3A_57 = vector.broadcast %broadcast_in_dim3A : i32 to vector<16xi32>
      %mul3A_58 = arith.constant 16 : i32
      %mul3A_59 = arith.muli %scan3A_56, %mul3A_58 : i32
      %swap3A = arith.index_cast %mul3A_59 : i32 to index
      %swap3A_60 = tpu.vector_load %arg7[%swap3A] {strides = array<i32>} : memref<256xi32, #tpu.memory_space<vmem>>, vector<16xi32>,
      tpu.vector_store %arg7[%swap3A], %broadcast_in_dim3A_57 {strides = array<i32>} : memref<256xi32, #tpu.memory_space<vmem>>, vector<16xi32>,
    }
    %scan3A_35 = arith.constant 16 : i32
    %scan3A_36 = arith.constant 0 : i32
    %scan3A_37 = arith.constant 0 : i32
    %scan3A_38 = arith.constant 128 : i32
    %scan3A_39 = arith.addi %scan3A_37, %scan3A_38 : i32
    %scan3A_40 = arith.constant 1 : i32
    %scan3A_41 = scf.for %scan3A_56 = %scan3A_37 to %scan3A_39 step %scan3A_40 iter_args(%scan3A_57 = %scan3A_36) -> (i32)  : i32 {
      %mul3A_58 = arith.constant 16 : i32
      %mul3A_59 = arith.muli %scan3A_56, %mul3A_58 : i32
      %iota3A = tpu.iota {dimensions = array<i32: 0>} : vector<16xi32>
      %add3A_60 = vector.broadcast %mul3A_59 : i32 to vector<16xi32>
      %add3A_61 = arith.addi %add3A_60, %iota3A : vector<16xi32>
      %mul3A_62 = arith.constant 2 : i32
      %mul3A_63 = vector.broadcast %mul3A_62 : i32 to vector<16xi32>
      %mul3A_64 = arith.muli %mul3A_63, %add3A_61 : vector<16xi32>
      %gather3A = tpu.vector_load_idx %arg6[%mul3A_64] : memref<4096xi32, #tpu.memory_space<vmem>>[vector<16xi32>], vector<16xi32>,
      %mul3A_65 = arith.constant 2 : i32
      %mul3A_66 = vector.broadcast %mul3A_65 : i32 to vector<16xi32>
      %mul3A_67 = arith.muli %mul3A_66, %add3A_61 : vector<16xi32>
      %add3A_68 = arith.constant 1 : i32
      %add3A_69 = vector.broadcast %add3A_68 : i32 to vector<16xi32>
      %add3A_70 = arith.addi %mul3A_67, %add3A_69 : vector<16xi32>
      %gather3A_71 = tpu.vector_load_idx %arg6[%add3A_70] : memref<4096xi32, #tpu.memory_space<vmem>>[vector<16xi32>], vector<16xi32>,
      %eq3A_72 = vector.broadcast %select_n3A : i32 to vector<16xi32>
      %eq3A_73 = arith.cmpi eq, %gather3A, %eq3A_72 : vector<16xi32>
      %eq3A_74 = vector.broadcast %select_n3A : i32 to vector<16xi32>
      %eq3A_75 = arith.cmpi eq, %gather3A_71, %eq3A_74 : vector<16xi32>
      %or3A = arith.ori %eq3A_73, %eq3A_75 : vector<16xi1>
      %convert_element_type3A_76 = arith.extui %or3A : vector<16xi1> to vector<16xi32>
      %broadcast_in_dim3A = arith.constant true
      %broadcast_in_dim3A_77 = vector.broadcast %broadcast_in_dim3A : i1 to vector<16xi1>
      %masked_cumsum3A = tpu.scan <sum>, %convert_element_type3A_76 masked %broadcast_in_dim3A_77 : vector<16xi32>, vector<16xi1> -> vector<16xi32>
      %add3A_78 = vector.broadcast %scan3A_57 : i32 to vector<16xi32>
      %add3A_79 = arith.addi %add3A_78, %masked_cumsum3A : vector<16xi32>
      %sub3A_80 = arith.constant 1 : i32
      %sub3A_81 = vector.broadcast %sub3A_80 : i32 to vector<16xi32>
      %sub3A_82 = arith.subi %add3A_79, %sub3A_81 : vector<16xi32>
      %lt3A_83 = arith.constant 256 : i32
      %lt3A_84 = vector.broadcast %lt3A_83 : i32 to vector<16xi32>
      %lt3A_85 = arith.cmpi slt, %sub3A_82, %lt3A_84 : vector<16xi32>
      %and3A_86 = arith.andi %or3A, %lt3A_85 : vector<16xi1>
      %jit3A_87 = arith.constant -1 : i32
      %broadcast_in_dim3A_88 = vector.broadcast %jit3A_87 : i32 to vector<16xi32>
      %select_n3A_89 = arith.select %and3A_86, %sub3A_82, %broadcast_in_dim3A_88 : vector<16xi1>, vector<16xi32>
      %swap3A = arith.index_cast %mul3A_59 : i32 to index
      %swap3A_90 = tpu.vector_load %arg8[%swap3A] {strides = array<i32>} : memref<2048xi32, #tpu.memory_space<vmem>>, vector<16xi32>,
      tpu.vector_store %arg8[%swap3A], %select_n3A_89 {strides = array<i32>} : memref<2048xi32, #tpu.memory_space<vmem>>, vector<16xi32>,
      %jit3A_91 = arith.constant 0 : i32
      %broadcast_in_dim3A_92 = vector.broadcast %jit3A_91 : i32 to vector<16xi32>
      %select_n3A_93 = arith.select %and3A_86, %sub3A_82, %broadcast_in_dim3A_92 : vector<16xi1>, vector<16xi32>
      tpu.vector_store_idx %arg7[%select_n3A_93], %add3A_61 masked %and3A_86 : memref<256xi32, #tpu.memory_space<vmem>>[vector<16xi32>], vector<16xi32>, vector<16xi1>
      %reduce_sum3A = arith.constant true
      %reduce_sum3A_94 = vector.broadcast %reduce_sum3A : i1 to vector<16xi1>
      %reduce_sum3A_95 = tpu.scan <sum>, %convert_element_type3A_76 masked %reduce_sum3A_94 : vector<16xi32>, vector<16xi1> -> vector<16xi32>
      %reduce_sum3A_96 = vector.extract %reduce_sum3A_95[15] : i32 from vector<16xi32>
      %add3A_97 = arith.addi %scan3A_57, %reduce_sum3A_96 : i32
      scf.yield %add3A_97 : i32
    }
    %scan3A_42 = arith.constant 128 : i32
    %eq3A_43 = arith.constant 0 : i32
    %eq3A_44 = arith.cmpi eq, %select_n3A_30, %eq3A_43 : i32
    %convert_element_type3A = arith.extui %eq3A_44 : i1 to i32
    %cond3A = arith.constant 0 : i32
    %cond3A_45 = arith.cmpi ne, %convert_element_type3A, %cond3A : i32
    scf.if %cond3A_45 {
      "tpu.region"() ({
        %run_scoped3A = tpu.sem_alloc : memref<!tpu.dma_semaphore, #tpu.memory_space<semaphore_mem>>
        %dma_start3A_56 = arith.constant 0 : i32
        %dma_start3A_57 = tpu.memref_slice %arg5[%select_n3A, %dma_start3A_56] : memref<8x2048xi32, #tpu.memory_space<hbm>> -> memref<1x2048xi32, #tpu.memory_space<hbm>>
        %dma_start3A_58 = tpu.memref_squeeze %dma_start3A_57 : memref<1x2048xi32, #tpu.memory_space<hbm>> -> memref<2048xi32, #tpu.memory_space<hbm>>
        %dma_start3A_59 = arith.constant 0 : i32
        %dma_start3A_60 = tpu.memref_slice %arg5[%select_n3A, %dma_start3A_59] : memref<8x2048xi32, #tpu.memory_space<hbm>> -> memref<1x2048xi32, #tpu.memory_space<hbm>>
        %dma_start3A_61 = tpu.memref_squeeze %dma_start3A_60 : memref<1x2048xi32, #tpu.memory_space<hbm>> -> memref<2048xi32, #tpu.memory_space<hbm>>
        tpu.enqueue_dma source(%arg8 : memref<2048xi32, #tpu.memory_space<vmem>>) target(%dma_start3A_61 : memref<2048xi32, #tpu.memory_space<hbm>>) target_semaphore(%run_scoped3A : memref<!tpu.dma_semaphore, #tpu.memory_space<semaphore_mem>>)
        %dma_wait3A_62 = arith.constant 0 : i32
        %dma_wait3A_63 = tpu.memref_slice %arg5[%select_n3A, %dma_wait3A_62] : memref<8x2048xi32, #tpu.memory_space<hbm>> -> memref<1x2048xi32, #tpu.memory_space<hbm>>
        %dma_wait3A_64 = tpu.memref_squeeze %dma_wait3A_63 : memref<1x2048xi32, #tpu.memory_space<hbm>> -> memref<2048xi32, #tpu.memory_space<hbm>>
        %dma_wait3A_65 = arith.constant 0 : i32
        %dma_wait3A_66 = tpu.memref_slice %arg5[%select_n3A, %dma_wait3A_65] : memref<8x2048xi32, #tpu.memory_space<hbm>> -> memref<1x2048xi32, #tpu.memory_space<hbm>>
        %dma_wait3A_67 = tpu.memref_squeeze %dma_wait3A_66 : memref<1x2048xi32, #tpu.memory_space<hbm>> -> memref<2048xi32, #tpu.memory_space<hbm>>
        tpu.wait_dma2 semaphore(%run_scoped3A : memref<!tpu.dma_semaphore, #tpu.memory_space<semaphore_mem>>) src(%arg8 : memref<2048xi32, #tpu.memory_space<vmem>>) dst(%dma_wait3A_67 : memref<2048xi32, #tpu.memory_space<hbm>>)
        tpu.yield
      }) : () -> ()
    } else {
    }
    %mul3A_46 = arith.constant 64 : i32
    %mul3A_47 = arith.muli %select_n3A_30, %mul3A_46 : i32
    %dma_start3A = tpu.memref_slice %arg7[%mul3A_47] : memref<256xi32, #tpu.memory_space<vmem>> -> memref<64xi32, #tpu.memory_space<vmem>>
    %dma_start3A_48 = arith.constant 0 : i32
    %dma_start3A_49 = arith.constant 0 : i32
    %dma_start3A_50 = tpu.memref_slice %arg3[%dma_start3A_48, %dma_start3A_49] : memref<2048x768xf32, #tpu.memory_space<hbm>> -> memref<2048x768xf32, #tpu.memory_space<hbm>>
    tpu.enqueue_indirect_dma source(%dma_start3A_50 : memref<2048x768xf32, #tpu.memory_space<hbm>>) target(%arg9 : memref<64x768xf32, #tpu.memory_space<vmem>>) offsets(%dma_start3A : memref<64xi32, #tpu.memory_space<vmem>>) semaphore(%arg10 : memref<!tpu.dma_semaphore, #tpu.memory_space<semaphore_mem>>)
    %dma_wait3A = tpu.memref_slice %arg7[%mul3A_47] : memref<256xi32, #tpu.memory_space<vmem>> -> memref<64xi32, #tpu.memory_space<vmem>>
    %dma_wait3A_51 = arith.constant 0 : i32
    %dma_wait3A_52 = arith.constant 0 : i32
    %dma_wait3A_53 = tpu.memref_slice %arg3[%dma_wait3A_51, %dma_wait3A_52] : memref<2048x768xf32, #tpu.memory_space<hbm>> -> memref<2048x768xf32, #tpu.memory_space<hbm>>
    tpu.wait_indirect_dma semaphore(%arg10 : memref<!tpu.dma_semaphore, #tpu.memory_space<semaphore_mem>>) src(%dma_wait3A_53 : memref<2048x768xf32, #tpu.memory_space<hbm>>) dst(%arg9 : memref<64x768xf32, #tpu.memory_space<vmem>>)
    %mul3A_54 = arith.constant 64 : i32
    %mul3A_55 = arith.muli %add3A, %mul3A_54 : i32
    "tpu.region"() ({
      %run_scoped3A = tpu.sem_alloc : memref<!tpu.dma_semaphore, #tpu.memory_space<semaphore_mem>>
      %dma_start3A_56 = arith.constant 0 : i32
      %dma_start3A_57 = tpu.memref_slice %arg4[%mul3A_55, %dma_start3A_56] : memref<2048x768xf32, #tpu.memory_space<hbm>> -> memref<64x768xf32, #tpu.memory_space<hbm>>
      %dma_start3A_58 = arith.constant 0 : i32
      %dma_start3A_59 = tpu.memref_slice %arg4[%mul3A_55, %dma_start3A_58] : memref<2048x768xf32, #tpu.memory_space<hbm>> -> memref<64x768xf32, #tpu.memory_space<hbm>>
      tpu.enqueue_dma source(%arg9 : memref<64x768xf32, #tpu.memory_space<vmem>>) target(%dma_start3A_59 : memref<64x768xf32, #tpu.memory_space<hbm>>) target_semaphore(%run_scoped3A : memref<!tpu.dma_semaphore, #tpu.memory_space<semaphore_mem>>)
      %dma_wait3A_60 = arith.constant 0 : i32
      %dma_wait3A_61 = tpu.memref_slice %arg4[%mul3A_55, %dma_wait3A_60] : memref<2048x768xf32, #tpu.memory_space<hbm>> -> memref<64x768xf32, #tpu.memory_space<hbm>>
      %dma_wait3A_62 = arith.constant 0 : i32
      %dma_wait3A_63 = tpu.memref_slice %arg4[%mul3A_55, %dma_wait3A_62] : memref<2048x768xf32, #tpu.memory_space<hbm>> -> memref<64x768xf32, #tpu.memory_space<hbm>>
      tpu.wait_dma2 semaphore(%run_scoped3A : memref<!tpu.dma_semaphore, #tpu.memory_space<semaphore_mem>>) src(%arg9 : memref<64x768xf32, #tpu.memory_space<vmem>>) dst(%dma_wait3A_63 : memref<64x768xf32, #tpu.memory_space<hbm>>)
      tpu.yield
    }) : () -> ()
    return
  }
}

module attributes {stable_mosaic.version = 14 : i64} {
  func.func @_mlp_body(%arg0: i32, %arg1: memref<256x768xf32, #tpu.memory_space<vmem>>, %arg2: memref<1x3072x768xf32, #tpu.memory_space<vmem>>, %arg3: memref<1x768x1536xf32, #tpu.memory_space<vmem>>, %arg4: memref<256x768xf32, #tpu.memory_space<vmem>>) attributes {dimension_semantics = [#tpu.dimension_semantics<arbitrary>], iteration_bounds = array<i64: 8>, scalar_prefetch = 0 : i64, scratch_operands = 0 : i64, tpu.core_type = #tpu.core_type<tc>, window_params = [{transform_indices = @transform_0, window_bounds = array<i64: 256, 768>}, {transform_indices = @transform_1, window_bounds = array<i64: 1, 3072, 768>}, {transform_indices = @transform_2, window_bounds = array<i64: 1, 768, 1536>}, {transform_indices = @transform_3, window_bounds = array<i64: 256, 768>}]} {
    %get3A = arith.constant 0 : index
    %get3A_0 = arith.constant 0 : index
    %get3A_1 = vector.load %arg1[%get3A, %get3A_0] : memref<256x768xf32, #tpu.memory_space<vmem>>, vector<256x768xf32>
    %get3A_2 = arith.constant 0 : index
    %get3A_3 = arith.constant 0 : index
    %get3A_4 = arith.constant 0 : index
    %get3A_5 = vector.load %arg2[%get3A_2, %get3A_3, %get3A_4] : memref<1x3072x768xf32, #tpu.memory_space<vmem>>, vector<1x3072x768xf32>
    %get3A_6 = vector.shape_cast %get3A_5 : vector<1x3072x768xf32> to vector<3072x768xf32>
    %abs3A = math.absf %get3A_6 : vector<3072x768xf32>
    %reduce_sum3A = arith.constant dense<0.000000e+00> : vector<768xf32>
    %reduce_sum3A_7 = vector.multi_reduction <add>, %abs3A, %reduce_sum3A [0] : vector<3072x768xf32> to vector<768xf32>
    %reduce_sum3A_8 = vector.shape_cast %reduce_sum3A_7 : vector<768xf32> to vector<1x768xf32>
    %reduce_sum3A_9 = arith.constant dense<0.000000e+00> : vector<1xf32>
    %reduce_sum3A_10 = vector.multi_reduction <add>, %reduce_sum3A_8, %reduce_sum3A_9 [1] : vector<1x768xf32> to vector<1xf32>
    %reduce_sum3A_11 = vector.shape_cast %reduce_sum3A_10 : vector<1xf32> to vector<1x1xf32>
    %reduce_sum3A_12 = vector.extract %reduce_sum3A_11[0, 0] : f32 from vector<1x1xf32>
    %div3A = arith.constant 0x4A100000 : f32
    %div3A_13 = arith.divf %reduce_sum3A_12, %div3A : f32
    %jit3A = arith.constant 9.99999974E-6 : f32
    %max3A = arith.maximumf %jit3A, %div3A_13 : f32
    %div3A_14 = arith.constant 1.000000e+00 : f32
    %div3A_15 = arith.divf %div3A_14, %max3A : f32
    %div3A_16 = arith.constant 1.000000e+00 : f32
    %div3A_17 = arith.divf %div3A_16, %div3A_15 : f32
    %mul3A = vector.broadcast %div3A_15 : f32 to vector<3072x768xf32>
    %mul3A_18 = arith.mulf %get3A_6, %mul3A : vector<3072x768xf32>
    %round3A = math.roundeven %mul3A_18 : vector<3072x768xf32>
    %jit3A_19 = arith.constant -1 : i32
    %jit3A_20 = arith.constant 1 : i32
    %convert_element_type3A = arith.sitofp %jit3A_19 : i32 to f32
    %max3A_21 = vector.broadcast %convert_element_type3A : f32 to vector<3072x768xf32>
    %max3A_22 = arith.maximumf %max3A_21, %round3A : vector<3072x768xf32>
    %convert_element_type3A_23 = arith.sitofp %jit3A_20 : i32 to f32
    %min3A = vector.broadcast %convert_element_type3A_23 : f32 to vector<3072x768xf32>
    %min3A_24 = arith.minimumf %min3A, %max3A_22 : vector<3072x768xf32>
    %convert_element_type3A_25 = arith.truncf %div3A_17 : f32 to bf16
    %convert_element_type3A_26 = arith.extf %convert_element_type3A_25 : bf16 to f32
    %square3A = arith.mulf %get3A_1, %get3A_1 : vector<256x768xf32>
    %reduce_sum3A_27 = arith.constant dense<0.000000e+00> : vector<256xf32>
    %reduce_sum3A_28 = vector.multi_reduction <add>, %square3A, %reduce_sum3A_27 [1] : vector<256x768xf32> to vector<256xf32>
    %broadcast_in_dim3A = vector.shape_cast %reduce_sum3A_28 : vector<256xf32> to vector<256x1xf32>
    %div3A_29 = arith.constant 7.680000e+02 : f32
    %div3A_30 = vector.broadcast %div3A_29 : f32 to vector<256x1xf32>
    %div3A_31 = arith.divf %broadcast_in_dim3A, %div3A_30 : vector<256x1xf32>
    %add3A = arith.constant 9.99999993E-9 : f32
    %add3A_32 = vector.broadcast %add3A : f32 to vector<256x1xf32>
    %add3A_33 = arith.addf %div3A_31, %add3A_32 : vector<256x1xf32>
    %rsqrt3A = math.rsqrt %add3A_33 : vector<256x1xf32>
    %mul3A_34 = vector.broadcast %rsqrt3A : vector<256x1xf32> to vector<256x768xf32>
    %mul3A_35 = arith.mulf %get3A_1, %mul3A_34 : vector<256x768xf32>
    %abs3A_36 = math.absf %mul3A_35 : vector<256x768xf32>
    %reduce_max3A = arith.constant dense<0xFF800000> : vector<256xf32>
    %reduce_max3A_37 = vector.multi_reduction <maximumf>, %abs3A_36, %reduce_max3A [1] : vector<256x768xf32> to vector<256xf32>
    %broadcast_in_dim3A_38 = vector.shape_cast %reduce_max3A_37 : vector<256xf32> to vector<256x1xf32>
    %jit3A_39 = arith.constant 9.99999974E-6 : f32
    %max3A_40 = vector.broadcast %jit3A_39 : f32 to vector<256x1xf32>
    %max3A_41 = arith.maximumf %max3A_40, %broadcast_in_dim3A_38 : vector<256x1xf32>
    %div3A_42 = arith.constant 1.270000e+02 : f32
    %div3A_43 = vector.broadcast %div3A_42 : f32 to vector<256x1xf32>
    %div3A_44 = arith.divf %div3A_43, %max3A_41 : vector<256x1xf32>
    %mul3A_45 = vector.broadcast %div3A_44 : vector<256x1xf32> to vector<256x768xf32>
    %mul3A_46 = arith.mulf %mul3A_35, %mul3A_45 : vector<256x768xf32>
    %round3A_47 = math.roundeven %mul3A_46 : vector<256x768xf32>
    %jit3A_48 = arith.constant -128 : i32
    %jit3A_49 = arith.constant 127 : i32
    %convert_element_type3A_50 = arith.sitofp %jit3A_48 : i32 to f32
    %max3A_51 = vector.broadcast %convert_element_type3A_50 : f32 to vector<256x768xf32>
    %max3A_52 = arith.maximumf %max3A_51, %round3A_47 : vector<256x768xf32>
    %convert_element_type3A_53 = arith.sitofp %jit3A_49 : i32 to f32
    %min3A_54 = vector.broadcast %convert_element_type3A_53 : f32 to vector<256x768xf32>
    %min3A_55 = arith.minimumf %min3A_54, %max3A_52 : vector<256x768xf32>
    %div3A_56 = vector.broadcast %div3A_44 : vector<256x1xf32> to vector<256x768xf32>
    %div3A_57 = arith.divf %min3A_55, %div3A_56 : vector<256x768xf32>
    %convert_element_type3A_58 = arith.truncf %div3A_57 : vector<256x768xf32> to vector<256x768xbf16>
    %convert_element_type3A_59 = arith.truncf %min3A_24 : vector<3072x768xf32> to vector<3072x768xbf16>
    %dot_general3A = arith.constant dense<0.000000e+00> : vector<256x3072xf32>
    %dot_general3A_60 = tpu.matmul %convert_element_type3A_58, %convert_element_type3A_59, %dot_general3A {dimension_numbers = #tpu.dot_dimension_numbers<[1], [1], [0], [0], [0, 0, 1, 0], [], []>, transpose_lhs_hint = false} : vector<256x768xbf16>, vector<3072x768xbf16>, vector<256x3072xf32> -> vector<256x3072xf32>
    %mul3A_61 = vector.broadcast %convert_element_type3A_26 : f32 to vector<256x3072xf32>
    %mul3A_62 = arith.mulf %dot_general3A_60, %mul3A_61 : vector<256x3072xf32>
    %slice3A = vector.extract_strided_slice %mul3A_62 {offsets = [0, 0], sizes = [256, 1536], strides = [1, 1]} : vector<256x3072xf32> to vector<256x1536xf32>
    %slice3A_63 = vector.extract_strided_slice %mul3A_62 {offsets = [0, 1536], sizes = [256, 1536], strides = [1, 1]} : vector<256x3072xf32> to vector<256x1536xf32>
    %logistic3A = arith.negf %slice3A : vector<256x1536xf32>
    %logistic3A_64 = math.exp %logistic3A : vector<256x1536xf32>
    %logistic3A_65 = arith.constant 1.000000e+00 : f32
    %logistic3A_66 = vector.broadcast %logistic3A_65 : f32 to vector<256x1536xf32>
    %logistic3A_67 = arith.addf %logistic3A_66, %logistic3A_64 : vector<256x1536xf32>
    %logistic3A_68 = arith.divf %logistic3A_66, %logistic3A_67 : vector<256x1536xf32>
    %mul3A_69 = arith.mulf %slice3A, %logistic3A_68 : vector<256x1536xf32>
    %mul3A_70 = arith.mulf %mul3A_69, %slice3A_63 : vector<256x1536xf32>
    %get3A_71 = arith.constant 0 : index
    %get3A_72 = arith.constant 0 : index
    %get3A_73 = arith.constant 0 : index
    %get3A_74 = vector.load %arg3[%get3A_71, %get3A_72, %get3A_73] : memref<1x768x1536xf32, #tpu.memory_space<vmem>>, vector<1x768x1536xf32>
    %get3A_75 = vector.shape_cast %get3A_74 : vector<1x768x1536xf32> to vector<768x1536xf32>
    %abs3A_76 = math.absf %get3A_75 : vector<768x1536xf32>
    %reduce_sum3A_77 = arith.constant dense<0.000000e+00> : vector<1536xf32>
    %reduce_sum3A_78 = vector.multi_reduction <add>, %abs3A_76, %reduce_sum3A_77 [0] : vector<768x1536xf32> to vector<1536xf32>
    %reduce_sum3A_79 = vector.shape_cast %reduce_sum3A_78 : vector<1536xf32> to vector<1x1536xf32>
    %reduce_sum3A_80 = arith.constant dense<0.000000e+00> : vector<1xf32>
    %reduce_sum3A_81 = vector.multi_reduction <add>, %reduce_sum3A_79, %reduce_sum3A_80 [1] : vector<1x1536xf32> to vector<1xf32>
    %reduce_sum3A_82 = vector.shape_cast %reduce_sum3A_81 : vector<1xf32> to vector<1x1xf32>
    %reduce_sum3A_83 = vector.extract %reduce_sum3A_82[0, 0] : f32 from vector<1x1xf32>
    %div3A_84 = arith.constant 0x49900000 : f32
    %div3A_85 = arith.divf %reduce_sum3A_83, %div3A_84 : f32
    %jit3A_86 = arith.constant 9.99999974E-6 : f32
    %max3A_87 = arith.maximumf %jit3A_86, %div3A_85 : f32
    %div3A_88 = arith.constant 1.000000e+00 : f32
    %div3A_89 = arith.divf %div3A_88, %max3A_87 : f32
    %div3A_90 = arith.constant 1.000000e+00 : f32
    %div3A_91 = arith.divf %div3A_90, %div3A_89 : f32
    %mul3A_92 = vector.broadcast %div3A_89 : f32 to vector<768x1536xf32>
    %mul3A_93 = arith.mulf %get3A_75, %mul3A_92 : vector<768x1536xf32>
    %round3A_94 = math.roundeven %mul3A_93 : vector<768x1536xf32>
    %jit3A_95 = arith.constant -1 : i32
    %jit3A_96 = arith.constant 1 : i32
    %convert_element_type3A_97 = arith.sitofp %jit3A_95 : i32 to f32
    %max3A_98 = vector.broadcast %convert_element_type3A_97 : f32 to vector<768x1536xf32>
    %max3A_99 = arith.maximumf %max3A_98, %round3A_94 : vector<768x1536xf32>
    %convert_element_type3A_100 = arith.sitofp %jit3A_96 : i32 to f32
    %min3A_101 = vector.broadcast %convert_element_type3A_100 : f32 to vector<768x1536xf32>
    %min3A_102 = arith.minimumf %min3A_101, %max3A_99 : vector<768x1536xf32>
    %convert_element_type3A_103 = arith.truncf %div3A_91 : f32 to bf16
    %convert_element_type3A_104 = arith.extf %convert_element_type3A_103 : bf16 to f32
    %square3A_105 = arith.mulf %mul3A_70, %mul3A_70 : vector<256x1536xf32>
    %reduce_sum3A_106 = arith.constant dense<0.000000e+00> : vector<256xf32>
    %reduce_sum3A_107 = vector.multi_reduction <add>, %square3A_105, %reduce_sum3A_106 [1] : vector<256x1536xf32> to vector<256xf32>
    %broadcast_in_dim3A_108 = vector.shape_cast %reduce_sum3A_107 : vector<256xf32> to vector<256x1xf32>
    %div3A_109 = arith.constant 1.536000e+03 : f32
    %div3A_110 = vector.broadcast %div3A_109 : f32 to vector<256x1xf32>
    %div3A_111 = arith.divf %broadcast_in_dim3A_108, %div3A_110 : vector<256x1xf32>
    %add3A_112 = arith.constant 9.99999993E-9 : f32
    %add3A_113 = vector.broadcast %add3A_112 : f32 to vector<256x1xf32>
    %add3A_114 = arith.addf %div3A_111, %add3A_113 : vector<256x1xf32>
    %rsqrt3A_115 = math.rsqrt %add3A_114 : vector<256x1xf32>
    %mul3A_116 = vector.broadcast %rsqrt3A_115 : vector<256x1xf32> to vector<256x1536xf32>
    %mul3A_117 = arith.mulf %mul3A_70, %mul3A_116 : vector<256x1536xf32>
    %abs3A_118 = math.absf %mul3A_117 : vector<256x1536xf32>
    %reduce_max3A_119 = arith.constant dense<0xFF800000> : vector<256xf32>
    %reduce_max3A_120 = vector.multi_reduction <maximumf>, %abs3A_118, %reduce_max3A_119 [1] : vector<256x1536xf32> to vector<256xf32>
    %broadcast_in_dim3A_121 = vector.shape_cast %reduce_max3A_120 : vector<256xf32> to vector<256x1xf32>
    %jit3A_122 = arith.constant 9.99999974E-6 : f32
    %max3A_123 = vector.broadcast %jit3A_122 : f32 to vector<256x1xf32>
    %max3A_124 = arith.maximumf %max3A_123, %broadcast_in_dim3A_121 : vector<256x1xf32>
    %div3A_125 = arith.constant 1.270000e+02 : f32
    %div3A_126 = vector.broadcast %div3A_125 : f32 to vector<256x1xf32>
    %div3A_127 = arith.divf %div3A_126, %max3A_124 : vector<256x1xf32>
    %mul3A_128 = vector.broadcast %div3A_127 : vector<256x1xf32> to vector<256x1536xf32>
    %mul3A_129 = arith.mulf %mul3A_117, %mul3A_128 : vector<256x1536xf32>
    %round3A_130 = math.roundeven %mul3A_129 : vector<256x1536xf32>
    %jit3A_131 = arith.constant -128 : i32
    %jit3A_132 = arith.constant 127 : i32
    %convert_element_type3A_133 = arith.sitofp %jit3A_131 : i32 to f32
    %max3A_134 = vector.broadcast %convert_element_type3A_133 : f32 to vector<256x1536xf32>
    %max3A_135 = arith.maximumf %max3A_134, %round3A_130 : vector<256x1536xf32>
    %convert_element_type3A_136 = arith.sitofp %jit3A_132 : i32 to f32
    %min3A_137 = vector.broadcast %convert_element_type3A_136 : f32 to vector<256x1536xf32>
    %min3A_138 = arith.minimumf %min3A_137, %max3A_135 : vector<256x1536xf32>
    %div3A_139 = vector.broadcast %div3A_127 : vector<256x1xf32> to vector<256x1536xf32>
    %div3A_140 = arith.divf %min3A_138, %div3A_139 : vector<256x1536xf32>
    %convert_element_type3A_141 = arith.truncf %div3A_140 : vector<256x1536xf32> to vector<256x1536xbf16>
    %convert_element_type3A_142 = arith.truncf %min3A_102 : vector<768x1536xf32> to vector<768x1536xbf16>
    %dot_general3A_143 = arith.constant dense<0.000000e+00> : vector<256x768xf32>
    %dot_general3A_144 = tpu.matmul %convert_element_type3A_141, %convert_element_type3A_142, %dot_general3A_143 {dimension_numbers = #tpu.dot_dimension_numbers<[1], [1], [0], [0], [0, 0, 1, 0], [], []>, transpose_lhs_hint = false} : vector<256x1536xbf16>, vector<768x1536xbf16>, vector<256x768xf32> -> vector<256x768xf32>
    %mul3A_145 = vector.broadcast %convert_element_type3A_104 : f32 to vector<256x768xf32>
    %mul3A_146 = arith.mulf %dot_general3A_144, %mul3A_145 : vector<256x768xf32>
    %swap3A = arith.constant 0 : index
    %swap3A_147 = arith.constant 0 : index
    %swap3A_148 = vector.load %arg4[%swap3A, %swap3A_147] : memref<256x768xf32, #tpu.memory_space<vmem>>, vector<256x768xf32>
    tpu.vector_store %arg4[%swap3A, %swap3A_147], %mul3A_146 {strides = array<i32>} : memref<256x768xf32, #tpu.memory_space<vmem>>, vector<256x768xf32>,
    return
  }
  func.func @transform_0(%arg0: i32) -> (i32, i32) {
    %c0_i32 = arith.constant 0 : i32
    %c0_i32_0 = arith.constant 0 : i32
    return %arg0, %c0_i32 : i32, i32
  }
  func.func @transform_1(%arg0: i32) -> (i32, i32, i32) {
    %c0_i32 = arith.constant 0 : i32
    %c0_i32_0 = arith.constant 0 : i32
    %c0_i32_1 = arith.constant 0 : i32
    return %arg0, %c0_i32, %c0_i32_0 : i32, i32, i32
  }
  func.func @transform_2(%arg0: i32) -> (i32, i32, i32) {
    %c0_i32 = arith.constant 0 : i32
    %c0_i32_0 = arith.constant 0 : i32
    %c0_i32_1 = arith.constant 0 : i32
    return %arg0, %c0_i32, %c0_i32_0 : i32, i32, i32
  }
  func.func @transform_3(%arg0: i32) -> (i32, i32) {
    %c0_i32 = arith.constant 0 : i32
    %c0_i32_0 = arith.constant 0 : i32
    return %arg0, %c0_i32 : i32, i32
  }
}

</mosaic_0001>

<sc_bundles>
// kernel: kernel.5.cloned.1.call-start
scs
__scs_entry_jumppad:
0x0: {  	(pc) =	sbr.rel $0x88, $3  }
0x1: {  	(tag) =	ssettag $0x0;
	lr =	simm.s32 $0x1  }
0x2: {  	[smem:$0x3F9C] =	sst lr;
	_ =	strace $0xD0000000  }
0x3: {  	_ = 	snop  }
0x4: {  	_ = 	snop  }
0x5: {  	_ = 	snop  }
0x6: {  	_ = 	snop  }
0x7: {  	_ = 	snop  }
__scs_overlays_trampoline_lowered:
0x8: {  	[smem:$0x3FAB] =	sst s0  }
0x9: {  	[smem:$0x3FAC] =	sst s1  }
0xa: {  	[smem:$0x3FAD] =	sst s2  }
0xb: {  	[smem:$0x3FAE] =	sst s3  }
0xc: {  	[smem:$0x3FAF] =	sst s4  }
0xd: {  	[smem:$0x3FB0] =	sst s5  }
0xe: {  	[smem:$0x3FB1] =	sst s6  }
0xf: {  	[smem:$0x3FB2] =	sst s7  }
0x10: {  	[smem:$0x3FB3] =	sst s8  }
0x11: {  	[smem:$0x3FB4] =	sst s9;
	s0 =	simm.s32 @!p0 $0x0  }
0x12: {  	s1 =	sld [smem:$0x3F9A];
	s0 =	simm.s32 @p0 $0x1  }
0x13: {  	[smem:$0x3FB5] =	sst s0;
	s0 =	simm.s32 @!p1 $0x0  }
0x14: {  	s2 =	sld [smem:$0x3F99];
	s0 =	simm.s32 @p1 $0x1  }
0x15: {  	[smem:$0x3FB6] =	sst s0;
	s0 =	simm.s32 @!p2 $0x0  }
0x16: {  	s3 =	sld [smem:$0x3FDB];
	s0 =	simm.s32 @p2 $0x1  }
0x17: {  	s4 =	simm.s32 $0x1BF5;
	[smem:$0x3FB8] =	sst s0  }
0x18: {  	s0 =	sld [smem:$0x3F9B];
	_ =	swait.ge [sflag:s4], $0x0  }
0x19: {  	s7 =	sld [smem:$0x3F9C]  }
0x1a: {  	s8 =	sadd.s32 $0xFFFFE003, lr  }
0x1b: {  	s9 =	sadd.s32 $0xFFFFFEF7, lr;
	s5 =	simm.s32 $0xFFFFFFFF;
	p2 =	slt.u32 s8, $0xFFFFF086  }
0x1c: {  	p1 =	slt.u32 s9, $0xF7A;
	s5 =	simm.s32 @!p2 $0x0  }
0x1d: {  	s5 =	simm.s32 @p1 $0x1;
	p0 =	seq.s32 s7, s2  }
0x1e: {  	s7 =	smul.u32 @!p0 $0xF7A, s2;
	p2 =	seq.s32 @!p0 s5, $0x0  }
0x1f: {  	s9 =	smul.u32 $0xF7A, s1;
	s8 =	simm.s32 @!p0 $0x1BF5;
	p2 =	por !p2, p0  }
0x20: {  	[sflag:s8] =	ssyncset.s32 @!p0 $0xFFFFF086;
	s6 =	sadd.s32 @!p0 s3, s7;
	s7 =	simm.s32 @!p0 $0x108  }
0x21: {  	s3 =	sadd.s32 s3, s9;
	s6 =	sadd.s32 @!p0 $0x88, s6;
	s7 =	simm.s32 @p2 $0x1082  }
0x22: {  	[simem:s7], [sflag:s8] =	dma.local @!p0 [hbm:s6], $0xF7A  }
0x23: {  	s9 =	sor.u32 $0xD0000000, s2;
	s6 =	simm.s32 $0x108;
	_ =	swait.ge @!p0 [sflag:s8], $0x0  }
0x24: {  	s3 =	sadd.s32 $0x88, s3;
	s6 =	simm.s32 @!p1 $0x1082;
	[sflag:s4] =	ssyncset.s32 $0xFFFFF086  }
0x25: {  	[simem:s6], [sflag:s4] =	dma.local [hbm:s3], $0xF7A  }
0x26: {  	[smem:$0x3F9C] =	sst s1;
	(tag) =	ssettag s2;
	_ =	strace s9  }
0x27: {  	s1 =	sld [smem:$0x3FAC]  }
0x28: {  	s2 =	sld [smem:$0x3FAD]  }
0x29: {  	s4 =	sld [smem:$0x3FAF]  }
0x2a: {  	p0 =	seq.s32 s5, $0x0;
	s5 =	sld [smem:$0x3FB0]  }
0x2b: {  	s6 =	sld [smem:$0x3FB1]  }
0x2c: {  	s7 =	sld [smem:$0x3FB2]  }
0x2d: {  	s3 =	simm.s32 $0x108;
	s8 =	sld [smem:$0x3FB3]  }
0x2e: {  	s3 =	simm.s32 @!p0 $0x1082;
	s9 =	sld [smem:$0x3FB4]  }
0x2f: {  	lr =	sadd.s32 s0, s3;
	s0 =	sld [smem:$0x3FAB]  }
0x30: {  	s3 =	sld [smem:$0x3FAE]  }
0x31: {  	[smem:$0x3FB7] =	sst s10  }
0x32: {  	s10 =	sld [smem:$0x3FB5];
	_ =	sdelay $0x3  }
0x33: {  	p0 =	seq.s32 s10, $0x1;
	s10 =	sld [smem:$0x3FB7];
	_ =	sdelay $0x3  }
0x34: {  	[smem:$0x3FB7] =	sst s10  }
0x35: {  	s10 =	sld [smem:$0x3FB6];
	_ =	sdelay $0x3  }
0x36: {  	p1 =	seq.s32 s10, $0x1;
	s10 =	sld [smem:$0x3FB7];
	_ =	sdelay $0x3  }
0x37: {  	[smem:$0x3FB7] =	sst s10  }
0x38: {  	s10 =	sld [smem:$0x3FB8]  }
0x39: {  	_ = 	snop;
	(pc) =	sbr.ind lr, $3  }
0x3a: {  	_ = 	snop  }
0x3b: {  	_ = 	snop  }
0x3c: {  	p2 =	seq.s32 s10, $0x1;
	s10 =	sld [smem:$0x3FB7]  }
0x3d: {  	_ =	shalt  }
0x3e: {  	_ =	shalt  }
0x3f: {  	_ =	shalt  }
0x40: {  	_ =	shalt  }
0x41: {  	_ =	shalt  }
0x42: {  	_ =	shalt  }
0x43: {  	_ =	shalt  }
0x44: {  	_ =	shalt  }
0x45: {  	_ =	shalt  }
0x46: {  	_ =	shalt  }
0x47: {  	_ =	shalt  }
0x48: {  	_ =	shalt  }
0x49: {  	_ =	shalt  }
0x4a: {  	_ =	shalt  }
0x4b: {  	_ =	shalt  }
0x4c: {  	_ =	shalt  }
0x4d: {  	_ =	shalt  }
0x4e: {  	_ =	shalt  }
0x4f: {  	_ =	shalt  }
0x50: {  	_ =	shalt  }
0x51: {  	_ =	shalt  }
0x52: {  	_ =	shalt  }
0x53: {  	_ =	shalt  }
0x54: {  	_ =	shalt  }
0x55: {  	_ =	shalt  }
0x56: {  	_ =	shalt  }
0x57: {  	_ =	shalt  }
0x58: {  	_ =	shalt  }
0x59: {  	_ =	shalt  }
0x5a: {  	_ =	shalt  }
0x5b: {  	_ =	shalt  }
0x5c: {  	_ =	shalt  }
0x5d: {  	_ =	shalt  }
0x5e: {  	_ =	shalt  }
0x5f: {  	_ =	shalt  }
0x60: {  	_ =	shalt  }
0x61: {  	_ =	shalt  }
0x62: {  	_ =	shalt  }
0x63: {  	_ =	shalt  }
0x64: {  	_ =	shalt  }
0x65: {  	_ =	shalt  }
0x66: {  	_ =	shalt  }
0x67: {  	_ =	shalt  }
0x68: {  	_ =	shalt  }
0x69: {  	_ =	shalt  }
0x6a: {  	_ =	shalt  }
0x6b: {  	_ =	shalt  }
0x6c: {  	_ =	shalt  }
0x6d: {  	_ =	shalt  }
0x6e: {  	_ =	shalt  }
0x6f: {  	_ =	shalt  }
0x70: {  	_ =	shalt  }
0x71: {  	_ =	shalt  }
0x72: {  	_ =	shalt  }
0x73: {  	_ =	shalt  }
0x74: {  	_ =	shalt  }
0x75: {  	_ =	shalt  }
0x76: {  	_ =	shalt  }
0x77: {  	_ =	shalt  }
0x78: {  	_ =	shalt  }
0x79: {  	_ =	shalt  }
0x7a: {  	_ =	shalt  }
0x7b: {  	_ =	shalt  }
0x7c: {  	_ =	shalt  }
0x7d: {  	_ =	shalt  }
0x7e: {  	_ =	shalt  }
0x7f: {  	_ =	shalt  }
0x80: {  	_ =	shalt  }
0x81: {  	_ =	shalt  }
0x82: {  	_ =	shalt  }
0x83: {  	_ =	shalt  }
0x84: {  	_ =	shalt  }
0x85: {  	_ =	shalt  }
0x86: {  	_ =	shalt  }
0x87: {  	_ =	shalt  }
.Lfunc_end0:
.L_simem_size_0:
called_computation_lowered:
.L_overlay_start_0:
0x88: {  	s2 =	sld [smem:$0x3FD9]  }
0x89: {  	s3 =	sld [smem:$0x3FFE];
	_ =	sdelay $0x1  }
0x8a: {  	s1 =	srdreg.scid  }
0x8b: {  	s0 =	sand.u32 $0x1, s1  }
0x8c: {  	s17 =	sshll.u32 s0, $0xA;
	s2 =	sadd.s32 s3, s2  }
0x8d: {  	s2 =	sadd.s32 s2, s17  }
0x8e: {  	[smem:$0x3FC3] =	sst s2  }
0x8f: {  	_ = 	snop  }
0x90: {  	s2 =	sld [smem:$0x3FC9]  }
0x91: {  	s18 =	sld [smem:$0x3FD0];
	(tm) =	ssettm $0x1  }
0x92: {  	s4 =	sld [smem:$0x3FFB];
	_ =	sdelay $0x3  }
0x93: {  	_ =	strace s4  }
0x94: {  	s4 =	sld [smem:$0x3FFC];
	_ =	sdelay $0x3  }
0x95: {  	_ =	strace s4  }
0x96: {  	s4 =	sld [smem:$0x3FFD];
	_ =	sdelay $0x3  }
0x97: {  	_ =	strace s4  }
0x98: {  	_ =	strace $0x8FFFFFFF  }
0x99: {  	s19 =	sld [smem:$0x3FDB];
	_ =	sdelay $0x1  }
0x9a: {  	s5 =	simm.s32 $_scs_section_size  }
0x9b: {  	s6 =	simm.s32 $_size__tile_overlayer_lowered;
	s7 =	simm.s32 $_tile_overlayer_lowered  }
0x9c: {  	s22 =	simm.s32 $0x1BFF;
	s21 =	sshll.u32 s7, $0x1;
	s4 =	sadd.s32 s5, s19  }
0x9d: {  	s8 =	simm.s32 $0x0;
	s20 =	sshll.u32 s6, $0x1;
	s6 =	sadd.s32 s21, s4  }
0x9e: {  	[timem:s8], [sflag:s22] =	dma.local [hbm:s6], s20  }
0x9f: {  	_ =	swait.ge [sflag:s22], s20  }
0xa0: {  	s5 =	ssub.s32 $0x0, s20;
	[sflag:s22] =	ssyncset.done $0x0  }
0xa1: {  	[sflag:s22] =	ssyncadd.s32 s5;
	_ =	sdelay $0x1  }
0xa2: {  	s23 =	simm.s32 $0x1B8B  }
0xa3: {  	_ =	swait.ge [sflag:s23], $0x1  }
0xa4: {  	[sflag:s23] =	ssyncset.done $0x0  }
0xa5: {  	s25 =	simm.s32 $0x1B8E;
	s24 =	sld [smem:$0x3FFE];
	[sflag:s23] =	ssyncadd.s32 $0xFFFFFFFF  }
0xa6: {  	s26 =	simm.s32 $execute0_lowered;
	[smem:$0x3FD2] =	sst s25  }
0xa7: {  	s6 =	sshll.u32 s26, $0x1;
	_ =	strace $0x80000046;
	[dreg:$0x1] =	wrdreg $0xFFFFFFFF  }
0xa8: {  	s28 =	simm.s32 $_size_execute0_lowered;
	s4 =	sadd.s32 s4, s6;
	[dreg:$0x0] =	wrdreg $0x0  }
0xa9: {  	s6 =	sshll.u32 s28, $0x1;
	[dreg:$0x2] =	wrdreg s4  }
0xaa: {  	[dreg:$0x3] =	wrdreg s6  }
0xab: {  	[dreg:$0x4] =	wrdreg $0xC0  }
0xac: {  	_ =	task [dreg:s8], $0x5FFFF  }
0xad: {  	[dreg:$0x1] =	wrdreg $0xFFFFFFFF  }
0xae: {  	[dreg:$0x0] =	wrdreg $0x60  }
0xaf: {  	[dreg:$0x2] =	wrdreg s24  }
0xb0: {  	[dreg:$0x3] =	wrdreg s2  }
0xb1: {  	[dreg:$0x4] =	wrdreg s18  }
0xb2: {  	[dreg:$0x5] =	wrdreg $0x9  }
0xb3: {  	_ =	task.clear_ibuf [dreg:s8], $0x6FFFF;
	_ =	strace $0x90000046  }
0xb4: {  	s29 =	simm.s32 $0x9;
	_ =	strace $0x80000048  }
0xb5: {  	_ =	swait.ge [sflag:s29], $0x1  }
0xb6: {  	[sflag:s29] =	ssyncadd.s32 $0xFFFFFFFF  }
0xb7: {  	_ =	strace $0x90000048  }
0xb8: {  	_ =	sfence  }
0xb9: {  	s30 =	sld [smem:$0x0];
	_ =	sdelay $0x2  }
0xba: {  	s31 =	sshll.u32 s1, $0xD;
	s1 =	sshrl.u32 s1, $0x2  }
0xbb: {  	s3 =	sand.u32 $0x4000, s31;
	s1 =	sadd.s32 s1, s30  }
0xbc: {  	s0 =	sor.u32 s3, s0;
	s1 =	sshll.u32 s1, $0x11  }
0xbd: {  	s0 =	sor.u32 s1, s0  }
0xbe: {  	s0 =	sadd.s32 $0x8F2B, s0  }
0xbf: {  	[sflag:s0] =	ssyncadd.remote.s32 $0x1  }
0xc0: {  	_ =	sfence.sel $0xFFFF  }
0xc1: {  	[dreg:$0x0] =	wrdreg $0xFFFFFFFF;
	(pc) =	sbr.abs _section_cstart, $3  }
0xc2: {  	[dreg:$0x1] =	wrdreg $0xFFFFFFFF  }
0xc3: {  	_ =	task.clear_ibuf [dreg:s8], $0x2FFFF;
	_ =	strace $0x9FFFFFFF  }
0xc4: {  	(tm) =	ssettm $0x7FFFFFFF  }
0xc5: {  	_ =	shalt  }
tec
execute0_lowered:
.L_overlay_start_1:
0x0: {  	(tag) =	ssettag $0x1  }
0x1: {  	s7 =	rddreg [dreg:$0x0]  }
0x2: {  	s2 =	rddreg [dreg:$0x1]  }
0x3: {  	s0 =	rddreg [dreg:$0x2]  }
0x4: {  	s4 =	simm.s32 $0x0;
	s6 =	stileid.u32;
	s3 =	srdreg.scid  }
0x5: {  	s11 =	simm.s32 $0x2;
	s12 =	simm.s32 $0x1000;
	s23 =	simm.s32 $0x6900  }
0x6: {  	s24 =	simm.s32 $0x7100;
	s28 =	simm.s32 $0x8900;
	s29 =	simm.s32 $0x9100  }
0x7: {  	s30 =	simm.s32 $0x9900;
	s31 =	simm.s32 $0xA100;
	s14 =	simm.s32 $0xC100  }
0x8: {  	s15 =	simm.s32 $0xC900;
	s16 =	simm.s32 $0xD100;
	s17 =	simm.s32 $0x1  }
0x9: {  	s18 =	simm.s32 $0x0;
	[smem:$0x7FF] =	sst s4;
	s1 =	sshrl.u32 s6, $0x1  }
0xa: {  	s3 =	sand.u32 $0x1, s3;
	s6 =	sshll.u32 s6, $0x1;
	s8 =	sadd.s32 $0x200, s2  }
0xb: {  	_ =	strace $0x80000047;
	s5 =	sshll.u32 s1, $0x4;
	s25 =	ssub.s32 $0x2, s3  }
0xc: {  	s3 =	sor.u32 s3, s6;
	v0 =	vmov s1;
	s1 =	simm.s32 $0xB900;
	s5 =	sadd.s32 s5, s7  }
0xd: {  	s26 =	sshrl.u32 s25, $0x1;
	s13 =	sand.u32 $0x3, s3;
	s3 =	smul.u32 $0x1800, s3  }
0xe: {  	s7 =	sadd.s32 $0x100, s2;
	s10 =	ssub.s32 s25, s26;
	s5 =	sadd.s32 $0x200, s5  }
0xf: {  	v1 =	vlaneseq.u32;
	s6 =	sshll.u32 s13, $0x6;
	p0 =	sne.s32 s13, $0x0;
	s13 =	simm.s32 $0x1900  }
0x10: {  	v2 =	vimm.s32 $0x0;
	vm0 =	vmmov $0xffff;
	v4 =	vshrl.u32 v1, $0x3;
	s25 =	simm.s32 $0x7900;
	s26 =	simm.s32 $0x8100;
	s9 =	sadd.s32 s0, s3  }
0x11: {  	v3 =	vand.u32 $0x7, v1;
	v5 =	vor.u32 $0x8, v1;
	v4 =	vmul.u32 $0x8, v4;
	s10 =	smax.u32 s10, $0x1;
	s0 =	simm.s32 $0xA900;
	s3 =	simm.s32 $0xB100  }
.LBB2_1:
0x12: {  	s19 =	rddreg [dreg:$0x0]  }
0x13: {  	[tilespmem:s4], [sflag:$0x2] =	stream.linear.gather [hbm4b:s19+s4], $0x1000, $0x38;
	[tilespmem:$0xD900] =	vst v63  }
0x14: {  	_ =	swait.ge [sflag:s11], $0x1000  }
0x15: {  	[sflag:s11] =	ssyncset.done $0x0  }
0x16: {  	[sflag:s11] =	ssyncadd.s32 $0xFFFFF000  }
0x17: {  	[tilespmem:$0x1000] =	vst v2  }
0x18: {  	[tilespmem:$0x1010] =	vst v2  }
0x19: {  	[tilespmem:$0x1020] =	vst v2  }
0x1a: {  	[tilespmem:$0x1030] =	vst v2  }
0x1b: {  	[tilespmem:$0x1040] =	vst v2  }
0x1c: {  	[tilespmem:$0x1050] =	vst v2  }
0x1d: {  	[tilespmem:$0x1060] =	vst v2  }
0x1e: {  	[tilespmem:$0x1070] =	vst v2  }
0x1f: {  	[tilespmem:$0x1080] =	vst v2  }
0x20: {  	[tilespmem:$0x1090] =	vst v2  }
0x21: {  	v6 =	vor.u32 s4, v1;
	[tilespmem:$0x10A0] =	vst v2  }
0x22: {  	v7 =	vshll.u32 v6, $0x1;
	[tilespmem:$0x10B0] =	vst v2  }
0x23: {  	v8 =	vor.u32 $0x1, v7;
	[tilespmem:$0x10C0] =	vst v2  }
0x24: {  	[tilespmem:$0x10D0] =	vst v2  }
0x25: {  	[tilespmem:$0x10E0] =	vst v2  }
0x26: {  	[tilespmem:$0x10F0] =	vst v2  }
0x27: {  	v7 =	vld.idx.msk [tilespmem:v7+s4+$0x0], $0xffff  }
0x28: {  	v8 =	vld.idx.msk [tilespmem:v8+s4+$0x0], $0xffff;
	_ =	sdelay $0x4  }
0x29: {  	vm1 =	veq.s32 v7, v0;
	vm2 =	veq.s32 v8, v0  }
0x2a: {  	vm1 =	vmor vm1, vm2  }
0x2b: {  	v7 =	vsel vm1, $0x1, v2  }
0x2c: {  	(xrf0) =	vadd.scan.msk.s32 $0xffff, v7;
	_ =	sdelay $0x2  }
0x2d: {  	v7 =	vmov s4  }
0x2e: {  	v7 =	vadd.s32 $0xFFFFFFFF, v7  }
0x2f: {  	v7 =	vbroadcast v7, $0x0  }
0x30: {  	v8, _, _ =	vpop (xrf0)  }
0x31: {  	v9 =	vadd.s32 v8, v7;
	(v2sf) =	vpush v8, $0xF  }
0x32: {  	s22 =	simm.s32 $0x10;
	vm2 =	vlt.s32 v9, $0x100  }
0x33: {  	v7 =	vor.u32 s22, v1;
	vm1 =	vmand vm1, vm2  }
0x34: {  	s21 =	simm.s32 $0x20;
	s20 =	simm.s32 $0x0;
	s19 =	simm.s32 $0x1100;
	v8 =	vshll.u32 v7, $0x1;
	v10 =	vnsel vm1, $0xFFFFFFFF, v9;
	v9 =	vnsel vm1, $0x0, v9  }
.LBB2_2:
0x35: {  	p1 =	sne.s32 s21, $0x7F0;
	v11 =	vor.u32 $0x1, v8;
	[tilespmem:s19+$0x0] =	vst v10;
	_ =	sdelay $0x3  }
0x36: {  	[tilespmem:v9+s12+$0x0] =	vst.idx.msk vm1, v6;
	v6 =	vmov v7  }
0x37: {  	v7 =	vld.idx.msk [tilespmem:v11+s4+$0x0], $0xffff  }
0x38: {  	v8 =	vld.idx.msk [tilespmem:v8+s4+$0x0], $0xffff;
	_ =	sdelay $0x4  }
0x39: {  	s22 =	spop (v2sf)  }
0x3a: {  	vm2 =	veq.s32 v7, v0;
	vm1 =	veq.s32 v8, v0;
	s20 =	sadd.s32 s20, s22  }
0x3b: {  	vm1 =	vmor vm1, vm2;
	v7 =	vmov s20  }
0x3c: {  	v8 =	vsel vm1, $0x1, v2;
	v7 =	vadd.s32 $0xFFFFFFFF, v7  }
0x3d: {  	v7 =	vbroadcast v7, $0x0;
	(xrf0) =	vadd.scan.msk.s32 $0xffff, v8;
	_ =	sdelay $0x5  }
.Ltmp0:
0x3e: {  	v8, _, _ =	vpop (xrf0);
	(pc) =	sbr.rel @p1 .LBB2_2-.Ltmp0, $4  }
0x3f: {  	v9 =	vadd.s32 v8, v7;
	(v2sf) =	vpush v8, $0xF  }
0x40: {  	vm2 =	vlt.s32 v9, $0x100  }
0x41: {  	v7 =	vor.u32 s21, v1;
	vm1 =	vmand vm1, vm2  }
0x42: {  	s19 =	sadd.s32 $0x10, s19;
	s21 =	sadd.s32 $0x10, s21;
	v8 =	vshll.u32 v7, $0x1;
	v10 =	vnsel vm1, $0xFFFFFFFF, v9;
	v9 =	vnsel vm1, $0x0, v9  }
0x43: {  	_ =	sdelay $0x1  }
0x44: {  	v11 =	vor.u32 $0x1, v8;
	_ =	sdelay $0x1  }
0x45: {  	[tilespmem:s19+$0x0] =	vst v10  }
0x46: {  	[tilespmem:v9+s12+$0x0] =	vst.idx.msk vm1, v6  }
0x47: {  	v62 =	vld.idx.msk [tilespmem:v8+s4+$0x0], $0xffff  }
0x48: {  	v6 =	vld.idx.msk [tilespmem:v11+s4+$0x0], $0xffff;
	_ =	sdelay $0x4  }
0x49: {  	vm1 =	veq.s32 v62, v0;
	vm2 =	veq.s32 v6, v0  }
0x4a: {  	vm1 =	vmor vm1, vm2  }
0x4b: {  	v6 =	vsel vm1, $0x1, v2  }
0x4c: {  	(xrf0) =	vadd.scan.msk.s32 $0xffff, v6;
	_ =	sdelay $0x5  }
0x4d: {  	s21 =	spop (v2sf);
	v6, _, _ =	vpop (xrf0)  }
0x4e: {  	s20 =	sadd.s32 s20, s21;
	(v2sf) =	vpush v6, $0xF  }
0x4f: {  	v63 =	vmov s20  }
0x50: {  	v8 =	vadd.s32 $0xFFFFFFFF, v63  }
0x51: {  	v8 =	vbroadcast v8, $0x0;
	_ =	sdelay $0x1  }
0x52: {  	v6 =	vadd.s32 v6, v8  }
0x53: {  	vm2 =	vlt.s32 v6, $0x100  }
0x54: {  	vm1 =	vmand vm1, vm2  }
0x55: {  	v8 =	vnsel vm1, $0x0, v6;
	_ =	sdelay $0x2  }
0x56: {  	s21 =	sadd.s32 $0x10, s19;
	v6 =	vnsel vm1, $0xFFFFFFFF, v6  }
0x57: {  	[tilespmem:s21+$0x0] =	vst v6  }
0x58: {  	s19 =	simm.s32 @!p0 $0x80;
	s20 =	simm.s32 @!p0 $0x400;
	s21 =	simm.s32 @!p0 $0x1100;
	[tilespmem:v8+s12+$0x0] =	vst.idx.msk vm1, v7  }
0x59: {  	[hbm4b:s5+s19] =	stream.strided.scatter @!p0 [tilespmem:s21], [sflag:$0x2], $0x800, s20, s19, $0x38;
	[tilespmem:$0xD900] =	vst v63  }
0x5a: {  	s19 =	simm.s32 @!p0 $0x2;
	s22 =	spop (v2sf)  }
0x5b: {  	_ =	swait.ge @!p0 [sflag:s19], $0x800  }
0x5c: {  	[sflag:s19] =	ssyncset.done @!p0 $0x0  }
0x5d: {  	[sflag:s19] =	ssyncadd.s32 @!p0 $0xFFFFF800  }
0x5e: {  	v6 =	vld [tilespmem:s6+$0x1000];
	_ =	sdelay $0x4  }
0x5f: {  	v7 =	vshrl.u32 v6, $0x3  }
0x60: {  	v7 =	vmul.u32 $0x30, v7  }
0x61: {  	v6 =	vand.u32 $0x7, v6  }
0x62: {  	v6 =	vor.u32 v6, v7  }
0x63: {  	v7 =	vperm.xlane v6, v3;
	_ =	sdelay $0x1  }
0x64: {  	v7 =	vadd.s32 v4, v7;
	_ =	sdelay $0x3  }
0x65: {  	v6 =	vperm.xlane v6, v5  }
0x66: {  	[tilespmem:s13], [sflag:$0x1] =	stream.indirect_vreg.gather [hbm4b:s2+s4], $0x80, v7, vm0, $0xb8;
	[tilespmem:$0xD900] =	vst v63  }
0x67: {  	s20 =	simm.s32 $0x2100;
	v6 =	vadd.s32 v4, v6  }
0x68: {  	[tilespmem:s20], [sflag:$0x1] =	stream.indirect_vreg.gather [hbm4b:s7+s4], $0x80, v7, vm0, $0xb8;
	[tilespmem:$0xD900] =	vst v63  }
0x69: {  	s21 =	simm.s32 $0x2900  }
0x6a: {  	[tilespmem:s21], [sflag:$0x1] =	stream.indirect_vreg.gather [hbm4b:s8+s4], $0x80, v7, vm0, $0xb8;
	[tilespmem:$0xD900] =	vst v63  }
0x6b: {  	s22 =	simm.s32 $0x3100  }
0x6c: {  	[tilespmem:s22], [sflag:$0x1] =	stream.indirect_vreg.gather [hbm4b:s2+s4], $0x80, v6, vm0, $0xb8;
	[tilespmem:$0xD900] =	vst v63  }
0x6d: {  	s20 =	simm.s32 $0x3900  }
0x6e: {  	[tilespmem:s20], [sflag:$0x1] =	stream.indirect_vreg.gather [hbm4b:s7+s4], $0x80, v6, vm0, $0xb8;
	[tilespmem:$0xD900] =	vst v63  }
0x6f: {  	s21 =	simm.s32 $0x4100  }
0x70: {  	[tilespmem:s21], [sflag:$0x1] =	stream.indirect_vreg.gather [hbm4b:s8+s4], $0x80, v6, vm0, $0xb8;
	[tilespmem:$0xD900] =	vst v63  }
0x71: {  	v6 =	vld [tilespmem:s6+$0x1010];
	_ =	sdelay $0x4  }
0x72: {  	v7 =	vshrl.u32 v6, $0x3  }
0x73: {  	v7 =	vmul.u32 $0x30, v7  }
0x74: {  	v6 =	vand.u32 $0x7, v6  }
0x75: {  	v6 =	vor.u32 v6, v7  }
0x76: {  	v7 =	vperm.xlane v6, v3;
	_ =	sdelay $0x1  }
0x77: {  	v7 =	vadd.s32 v4, v7;
	_ =	sdelay $0x3  }
0x78: {  	s22 =	simm.s32 $0x4900;
	v6 =	vperm.xlane v6, v5  }
0x79: {  	[tilespmem:s22], [sflag:$0x1] =	stream.indirect_vreg.gather [hbm4b:s2+s4], $0x80, v7, vm0, $0xb8;
	[tilespmem:$0xD900] =	vst v63  }
0x7a: {  	s20 =	simm.s32 $0x5100;
	v6 =	vadd.s32 v4, v6  }
0x7b: {  	[tilespmem:s20], [sflag:$0x1] =	stream.indirect_vreg.gather [hbm4b:s7+s4], $0x80, v7, vm0, $0xb8;
	[tilespmem:$0xD900] =	vst v63  }
0x7c: {  	s21 =	simm.s32 $0x5900  }
0x7d: {  	[tilespmem:s21], [sflag:$0x1] =	stream.indirect_vreg.gather [hbm4b:s8+s4], $0x80, v7, vm0, $0xb8;
	[tilespmem:$0xD900] =	vst v63  }
0x7e: {  	s22 =	simm.s32 $0x6100  }
0x7f: {  	[tilespmem:s22], [sflag:$0x1] =	stream.indirect_vreg.gather [hbm4b:s2+s4], $0x80, v6, vm0, $0xb8;
	[tilespmem:$0xD900] =	vst v63  }
0x80: {  	_ = 	snop  }
0x81: {  	[tilespmem:s23], [sflag:$0x1] =	stream.indirect_vreg.gather [hbm4b:s7+s4], $0x80, v6, vm0, $0xb8;
	[tilespmem:$0xD900] =	vst v63  }
0x82: {  	_ = 	snop  }
0x83: {  	[tilespmem:s24], [sflag:$0x1] =	stream.indirect_vreg.gather [hbm4b:s8+s4], $0x80, v6, vm0, $0xb8;
	[tilespmem:$0xD900] =	vst v63  }
0x84: {  	v6 =	vld [tilespmem:s6+$0x1020];
	_ =	sdelay $0x4  }
0x85: {  	v7 =	vshrl.u32 v6, $0x3  }
0x86: {  	v7 =	vmul.u32 $0x30, v7  }
0x87: {  	v6 =	vand.u32 $0x7, v6  }
0x88: {  	v6 =	vor.u32 v6, v7  }
0x89: {  	v7 =	vperm.xlane v6, v3;
	_ =	sdelay $0x1  }
0x8a: {  	v7 =	vadd.s32 v4, v7;
	_ =	sdelay $0x3  }
0x8b: {  	v6 =	vperm.xlane v6, v5  }
0x8c: {  	[tilespmem:s25], [sflag:$0x1] =	stream.indirect_vreg.gather [hbm4b:s2+s4], $0x80, v7, vm0, $0xb8;
	[tilespmem:$0xD900] =	vst v63  }
0x8d: {  	v6 =	vadd.s32 v4, v6  }
0x8e: {  	[tilespmem:s26], [sflag:$0x1] =	stream.indirect_vreg.gather [hbm4b:s7+s4], $0x80, v7, vm0, $0xb8;
	[tilespmem:$0xD900] =	vst v63  }
0x8f: {  	_ = 	snop  }
0x90: {  	[tilespmem:s28], [sflag:$0x1] =	stream.indirect_vreg.gather [hbm4b:s8+s4], $0x80, v7, vm0, $0xb8;
	[tilespmem:$0xD900] =	vst v63  }
0x91: {  	_ = 	snop  }
0x92: {  	[tilespmem:s29], [sflag:$0x1] =	stream.indirect_vreg.gather [hbm4b:s2+s4], $0x80, v6, vm0, $0xb8;
	[tilespmem:$0xD900] =	vst v63  }
0x93: {  	_ = 	snop  }
0x94: {  	[tilespmem:s30], [sflag:$0x1] =	stream.indirect_vreg.gather [hbm4b:s7+s4], $0x80, v6, vm0, $0xb8;
	[tilespmem:$0xD900] =	vst v63  }
0x95: {  	_ = 	snop  }
0x96: {  	[tilespmem:s31], [sflag:$0x1] =	stream.indirect_vreg.gather [hbm4b:s8+s4], $0x80, v6, vm0, $0xb8;
	[tilespmem:$0xD900] =	vst v63  }
0x97: {  	v6 =	vld [tilespmem:s6+$0x1030];
	_ =	sdelay $0x4  }
0x98: {  	v7 =	vshrl.u32 v6, $0x3  }
0x99: {  	v7 =	vmul.u32 $0x30, v7  }
0x9a: {  	v6 =	vand.u32 $0x7, v6  }
0x9b: {  	v6 =	vor.u32 v6, v7  }
0x9c: {  	v7 =	vperm.xlane v6, v3;
	_ =	sdelay $0x1  }
0x9d: {  	v7 =	vadd.s32 v4, v7;
	_ =	sdelay $0x3  }
0x9e: {  	v6 =	vperm.xlane v6, v5  }
0x9f: {  	[tilespmem:s0], [sflag:$0x1] =	stream.indirect_vreg.gather [hbm4b:s2+s4], $0x80, v7, vm0, $0xb8;
	[tilespmem:$0xD900] =	vst v63  }
0xa0: {  	v6 =	vadd.s32 v4, v6  }
0xa1: {  	[tilespmem:s3], [sflag:$0x1] =	stream.indirect_vreg.gather [hbm4b:s7+s4], $0x80, v7, vm0, $0xb8;
	[tilespmem:$0xD900] =	vst v63  }
0xa2: {  	_ = 	snop  }
0xa3: {  	[tilespmem:s1], [sflag:$0x1] =	stream.indirect_vreg.gather [hbm4b:s8+s4], $0x80, v7, vm0, $0xb8;
	[tilespmem:$0xD900] =	vst v63  }
0xa4: {  	_ = 	snop  }
0xa5: {  	[tilespmem:s14], [sflag:$0x1] =	stream.indirect_vreg.gather [hbm4b:s2+s4], $0x80, v6, vm0, $0xb8;
	[tilespmem:$0xD900] =	vst v63  }
0xa6: {  	_ = 	snop  }
0xa7: {  	[tilespmem:s15], [sflag:$0x1] =	stream.indirect_vreg.gather [hbm4b:s7+s4], $0x80, v6, vm0, $0xb8;
	[tilespmem:$0xD900] =	vst v63  }
0xa8: {  	_ = 	snop  }
0xa9: {  	[tilespmem:s16], [sflag:$0x1] =	stream.indirect_vreg.gather [hbm4b:s8+s4], $0x80, v6, vm0, $0xb8;
	[tilespmem:$0xD900] =	vst v63  }
0xaa: {  	s18 =	sadd.s32 $0x1, s18;
	_ =	swait.ge [sflag:s17], $0xC000  }
0xab: {  	p1 =	sne.s32 s18, s10;
	[sflag:s17] =	ssyncset.done $0x0  }
.Ltmp1:
0xac: {  	[sflag:s17] =	ssyncadd.s32 $0xFFFF4000;
	(pc) =	sbr.rel @p1 .LBB2_1-.Ltmp1, $4  }
0xad: {  	[hbm4b:s9+s4] =	stream.linear.scatter [tilespmem:s13], [sflag:$0x2], $0xC000, $0x38;
	[tilespmem:$0xD900] =	vst v63  }
0xae: {  	_ =	swait.ge [sflag:s11], $0xC000  }
0xaf: {  	[sflag:s11] =	ssyncset.done $0x0  }
0xb0: {  	[sflag:s11] =	ssyncadd.s32 $0xFFFF4000  }
0xb1: {  	_ =	sfence.sel $0x180000  }
0xb2: {  	[bflag:$0x0] =	sbarrier.arrive $0xFFFF  }
0xb3: {  	_ =	strace $0x90000047  }
0xb4: {  	s0 =	stileid.u32;
	[bflag:$0x2] =	sbarrier.arrive $0xFFFF  }
0xb5: {  	p0 =	sne.s32 s0, $0x0;
	s0 =	rddreg [dreg:$0x3]  }
0xb6: {  	s0 =	sadd.s32 @!p0 $0x100000, s0  }
0xb7: {  	[sflag:s0] =	ssyncadd.tile.s32 @!p0 $0x1;
	_ =	shalt  }
.Lfunc_end2:
_tile_overlayer_lowered:
.L_overlay_start_2:
0xb8: {  	(tag) =	ssettag $0x2  }
0xb9: {  	s0 =	rddreg [dreg:$0x0];
	s2 =	stileid.u32  }
0xba: {  	s1 =	rddreg [dreg:$0x1];
	p0 =	sne.s32 s2, $0x0  }
0xbb: {  	s3 =	rddreg [dreg:$0x2];
	[bflag:$0x3] =	sbarrier.arrive $0xFFFF;
	s2 =	simm.s32 @!p0 $0x1C02  }
0xbc: {  	[timem:s3], [sflag:s2] =	dma.local @!p0 [hbm:s0], s1  }
0xbd: {  	s0 =	simm.s32 @!p0 $0x2  }
0xbe: {  	_ =	swait.ge @!p0 [sflag:s0], s1  }
0xbf: {  	s1 =	ssub.s32 @!p0 $0x0, s1;
	[sflag:s0] =	ssyncset.done @!p0 $0x0  }
0xc0: {  	[sflag:s0] =	ssyncadd.s32 @!p0 s1  }
0xc1: {  	[bflag:$0x3] =	sbarrier.arrive $0xFFFF  }
0xc2: {  	_ =	shalt  }

// kernel: kernel.8.cloned.1.call-start
scs
__scs_entry_jumppad:
0x0: {  	(pc) =	sbr.rel $0x88, $3  }
0x1: {  	(tag) =	ssettag $0x0;
	lr =	simm.s32 $0x1  }
0x2: {  	[smem:$0x3F9C] =	sst lr;
	_ =	strace $0xD0000000  }
0x3: {  	_ = 	snop  }
0x4: {  	_ = 	snop  }
0x5: {  	_ = 	snop  }
0x6: {  	_ = 	snop  }
0x7: {  	_ = 	snop  }
__scs_overlays_trampoline_lowered:
0x8: {  	[smem:$0x3FAB] =	sst s0  }
0x9: {  	[smem:$0x3FAC] =	sst s1  }
0xa: {  	[smem:$0x3FAD] =	sst s2  }
0xb: {  	[smem:$0x3FAE] =	sst s3  }
0xc: {  	[smem:$0x3FAF] =	sst s4  }
0xd: {  	[smem:$0x3FB0] =	sst s5  }
0xe: {  	[smem:$0x3FB1] =	sst s6  }
0xf: {  	[smem:$0x3FB2] =	sst s7  }
0x10: {  	[smem:$0x3FB3] =	sst s8  }
0x11: {  	[smem:$0x3FB4] =	sst s9;
	s0 =	simm.s32 @!p0 $0x0  }
0x12: {  	s1 =	sld [smem:$0x3F9A];
	s0 =	simm.s32 @p0 $0x1  }
0x13: {  	[smem:$0x3FB5] =	sst s0;
	s0 =	simm.s32 @!p1 $0x0  }
0x14: {  	s2 =	sld [smem:$0x3F99];
	s0 =	simm.s32 @p1 $0x1  }
0x15: {  	[smem:$0x3FB6] =	sst s0;
	s0 =	simm.s32 @!p2 $0x0  }
0x16: {  	s3 =	sld [smem:$0x3FDB];
	s0 =	simm.s32 @p2 $0x1  }
0x17: {  	s4 =	simm.s32 $0x1BF5;
	[smem:$0x3FB8] =	sst s0  }
0x18: {  	s0 =	sld [smem:$0x3F9B];
	_ =	swait.ge [sflag:s4], $0x0  }
0x19: {  	s7 =	sld [smem:$0x3F9C]  }
0x1a: {  	s8 =	sadd.s32 $0xFFFFE003, lr  }
0x1b: {  	s9 =	sadd.s32 $0xFFFFFEF7, lr;
	s5 =	simm.s32 $0xFFFFFFFF;
	p2 =	slt.u32 s8, $0xFFFFF086  }
0x1c: {  	p1 =	slt.u32 s9, $0xF7A;
	s5 =	simm.s32 @!p2 $0x0  }
0x1d: {  	s5 =	simm.s32 @p1 $0x1;
	p0 =	seq.s32 s7, s2  }
0x1e: {  	s7 =	smul.u32 @!p0 $0xF7A, s2;
	p2 =	seq.s32 @!p0 s5, $0x0  }
0x1f: {  	s9 =	smul.u32 $0xF7A, s1;
	s8 =	simm.s32 @!p0 $0x1BF5;
	p2 =	por !p2, p0  }
0x20: {  	[sflag:s8] =	ssyncset.s32 @!p0 $0xFFFFF086;
	s6 =	sadd.s32 @!p0 s3, s7;
	s7 =	simm.s32 @!p0 $0x108  }
0x21: {  	s3 =	sadd.s32 s3, s9;
	s6 =	sadd.s32 @!p0 $0x88, s6;
	s7 =	simm.s32 @p2 $0x1082  }
0x22: {  	[simem:s7], [sflag:s8] =	dma.local @!p0 [hbm:s6], $0xF7A  }
0x23: {  	s9 =	sor.u32 $0xD0000000, s2;
	s6 =	simm.s32 $0x108;
	_ =	swait.ge @!p0 [sflag:s8], $0x0  }
0x24: {  	s3 =	sadd.s32 $0x88, s3;
	s6 =	simm.s32 @!p1 $0x1082;
	[sflag:s4] =	ssyncset.s32 $0xFFFFF086  }
0x25: {  	[simem:s6], [sflag:s4] =	dma.local [hbm:s3], $0xF7A  }
0x26: {  	[smem:$0x3F9C] =	sst s1;
	(tag) =	ssettag s2;
	_ =	strace s9  }
0x27: {  	s1 =	sld [smem:$0x3FAC]  }
0x28: {  	s2 =	sld [smem:$0x3FAD]  }
0x29: {  	s4 =	sld [smem:$0x3FAF]  }
0x2a: {  	p0 =	seq.s32 s5, $0x0;
	s5 =	sld [smem:$0x3FB0]  }
0x2b: {  	s6 =	sld [smem:$0x3FB1]  }
0x2c: {  	s7 =	sld [smem:$0x3FB2]  }
0x2d: {  	s3 =	simm.s32 $0x108;
	s8 =	sld [smem:$0x3FB3]  }
0x2e: {  	s3 =	simm.s32 @!p0 $0x1082;
	s9 =	sld [smem:$0x3FB4]  }
0x2f: {  	lr =	sadd.s32 s0, s3;
	s0 =	sld [smem:$0x3FAB]  }
0x30: {  	s3 =	sld [smem:$0x3FAE]  }
0x31: {  	[smem:$0x3FB7] =	sst s10  }
0x32: {  	s10 =	sld [smem:$0x3FB5];
	_ =	sdelay $0x3  }
0x33: {  	p0 =	seq.s32 s10, $0x1;
	s10 =	sld [smem:$0x3FB7];
	_ =	sdelay $0x3  }
0x34: {  	[smem:$0x3FB7] =	sst s10  }
0x35: {  	s10 =	sld [smem:$0x3FB6];
	_ =	sdelay $0x3  }
0x36: {  	p1 =	seq.s32 s10, $0x1;
	s10 =	sld [smem:$0x3FB7];
	_ =	sdelay $0x3  }
0x37: {  	[smem:$0x3FB7] =	sst s10  }
0x38: {  	s10 =	sld [smem:$0x3FB8]  }
0x39: {  	_ = 	snop;
	(pc) =	sbr.ind lr, $3  }
0x3a: {  	_ = 	snop  }
0x3b: {  	_ = 	snop  }
0x3c: {  	p2 =	seq.s32 s10, $0x1;
	s10 =	sld [smem:$0x3FB7]  }
0x3d: {  	_ =	shalt  }
0x3e: {  	_ =	shalt  }
0x3f: {  	_ =	shalt  }
0x40: {  	_ =	shalt  }
0x41: {  	_ =	shalt  }
0x42: {  	_ =	shalt  }
0x43: {  	_ =	shalt  }
0x44: {  	_ =	shalt  }
0x45: {  	_ =	shalt  }
0x46: {  	_ =	shalt  }
0x47: {  	_ =	shalt  }
0x48: {  	_ =	shalt  }
0x49: {  	_ =	shalt  }
0x4a: {  	_ =	shalt  }
0x4b: {  	_ =	shalt  }
0x4c: {  	_ =	shalt  }
0x4d: {  	_ =	shalt  }
0x4e: {  	_ =	shalt  }
0x4f: {  	_ =	shalt  }
0x50: {  	_ =	shalt  }
0x51: {  	_ =	shalt  }
0x52: {  	_ =	shalt  }
0x53: {  	_ =	shalt  }
0x54: {  	_ =	shalt  }
0x55: {  	_ =	shalt  }
0x56: {  	_ =	shalt  }
0x57: {  	_ =	shalt  }
0x58: {  	_ =	shalt  }
0x59: {  	_ =	shalt  }
0x5a: {  	_ =	shalt  }
0x5b: {  	_ =	shalt  }
0x5c: {  	_ =	shalt  }
0x5d: {  	_ =	shalt  }
0x5e: {  	_ =	shalt  }
0x5f: {  	_ =	shalt  }
0x60: {  	_ =	shalt  }
0x61: {  	_ =	shalt  }
0x62: {  	_ =	shalt  }
0x63: {  	_ =	shalt  }
0x64: {  	_ =	shalt  }
0x65: {  	_ =	shalt  }
0x66: {  	_ =	shalt  }
0x67: {  	_ =	shalt  }
0x68: {  	_ =	shalt  }
0x69: {  	_ =	shalt  }
0x6a: {  	_ =	shalt  }
0x6b: {  	_ =	shalt  }
0x6c: {  	_ =	shalt  }
0x6d: {  	_ =	shalt  }
0x6e: {  	_ =	shalt  }
0x6f: {  	_ =	shalt  }
0x70: {  	_ =	shalt  }
0x71: {  	_ =	shalt  }
0x72: {  	_ =	shalt  }
0x73: {  	_ =	shalt  }
0x74: {  	_ =	shalt  }
0x75: {  	_ =	shalt  }
0x76: {  	_ =	shalt  }
0x77: {  	_ =	shalt  }
0x78: {  	_ =	shalt  }
0x79: {  	_ =	shalt  }
0x7a: {  	_ =	shalt  }
0x7b: {  	_ =	shalt  }
0x7c: {  	_ =	shalt  }
0x7d: {  	_ =	shalt  }
0x7e: {  	_ =	shalt  }
0x7f: {  	_ =	shalt  }
0x80: {  	_ =	shalt  }
0x81: {  	_ =	shalt  }
0x82: {  	_ =	shalt  }
0x83: {  	_ =	shalt  }
0x84: {  	_ =	shalt  }
0x85: {  	_ =	shalt  }
0x86: {  	_ =	shalt  }
0x87: {  	_ =	shalt  }
.Lfunc_end0:
.L_simem_size_0:
called_computation.1_lowered:
.L_overlay_start_0:
0x88: {  	s2 =	sld [smem:$0x3FD9]  }
0x89: {  	s3 =	sld [smem:$0x3FFE];
	_ =	sdelay $0x1  }
0x8a: {  	s1 =	srdreg.scid  }
0x8b: {  	s0 =	sand.u32 $0x1, s1  }
0x8c: {  	s17 =	sshll.u32 s0, $0xA;
	s2 =	sadd.s32 s3, s2  }
0x8d: {  	s2 =	sadd.s32 s2, s17  }
0x8e: {  	[smem:$0x3FC3] =	sst s2  }
0x8f: {  	_ = 	snop  }
0x90: {  	s2 =	sld [smem:$0x3FD0];
	(tm) =	ssettm $0x1  }
0x91: {  	s18 =	sld [smem:$0x3FFB];
	_ =	sdelay $0x3  }
0x92: {  	_ =	strace s18  }
0x93: {  	s3 =	sld [smem:$0x3FFC];
	_ =	sdelay $0x3  }
0x94: {  	_ =	strace s3  }
0x95: {  	s3 =	sld [smem:$0x3FFD];
	_ =	sdelay $0x3  }
0x96: {  	_ =	strace s3  }
0x97: {  	_ =	strace $0x8FFFFFFF  }
0x98: {  	s19 =	sld [smem:$0x3FDB];
	_ =	sdelay $0x1  }
0x99: {  	s4 =	simm.s32 $_scs_section_size  }
0x9a: {  	s5 =	simm.s32 $_size__tile_overlayer_lowered;
	s6 =	simm.s32 $_tile_overlayer_lowered  }
0x9b: {  	s22 =	simm.s32 $0x1BFF;
	s21 =	sshll.u32 s6, $0x1;
	s3 =	sadd.s32 s4, s19  }
0x9c: {  	s7 =	simm.s32 $0x0;
	s20 =	sshll.u32 s5, $0x1;
	s5 =	sadd.s32 s21, s3  }
0x9d: {  	[timem:s7], [sflag:s22] =	dma.local [hbm:s5], s20  }
0x9e: {  	_ =	swait.ge [sflag:s22], s20  }
0x9f: {  	s4 =	ssub.s32 $0x0, s20;
	[sflag:s22] =	ssyncset.done $0x0  }
0xa0: {  	[sflag:s22] =	ssyncadd.s32 s4;
	_ =	sdelay $0x1  }
0xa1: {  	s23 =	simm.s32 $0x1B8B  }
0xa2: {  	_ =	swait.ge [sflag:s23], $0x1  }
0xa3: {  	[sflag:s23] =	ssyncset.done $0x0  }
0xa4: {  	s25 =	simm.s32 $0x1B8E;
	s24 =	sld [smem:$0x3FFE];
	[sflag:s23] =	ssyncadd.s32 $0xFFFFFFFF  }
0xa5: {  	s26 =	simm.s32 $execute0_lowered;
	[smem:$0x3FD2] =	sst s25  }
0xa6: {  	s5 =	sshll.u32 s26, $0x1;
	_ =	strace $0x80000049;
	[dreg:$0x1] =	wrdreg $0xFFFFFFFF  }
0xa7: {  	s28 =	simm.s32 $_size_execute0_lowered;
	s3 =	sadd.s32 s3, s5;
	[dreg:$0x0] =	wrdreg $0x0  }
0xa8: {  	s5 =	sshll.u32 s28, $0x1;
	[dreg:$0x2] =	wrdreg s3  }
0xa9: {  	[dreg:$0x3] =	wrdreg s5  }
0xaa: {  	[dreg:$0x4] =	wrdreg $0xC0  }
0xab: {  	_ =	task [dreg:s7], $0x5FFFF  }
0xac: {  	[dreg:$0x1] =	wrdreg $0xFFFFFFFF  }
0xad: {  	[dreg:$0x0] =	wrdreg $0x60  }
0xae: {  	[dreg:$0x2] =	wrdreg s24  }
0xaf: {  	[dreg:$0x3] =	wrdreg s2  }
0xb0: {  	[dreg:$0x4] =	wrdreg $0x9  }
0xb1: {  	_ =	task.clear_ibuf [dreg:s7], $0x5FFFF;
	_ =	strace $0x90000049  }
0xb2: {  	s29 =	simm.s32 $0x9;
	_ =	strace $0x8000004B  }
0xb3: {  	_ =	swait.ge [sflag:s29], $0x1  }
0xb4: {  	[sflag:s29] =	ssyncadd.s32 $0xFFFFFFFF  }
0xb5: {  	_ =	strace $0x9000004B  }
0xb6: {  	_ =	sfence  }
0xb7: {  	s30 =	sld [smem:$0x0];
	_ =	sdelay $0x2  }
0xb8: {  	s31 =	sshll.u32 s1, $0xD;
	s1 =	sshrl.u32 s1, $0x2  }
0xb9: {  	s3 =	sand.u32 $0x4000, s31;
	s1 =	sadd.s32 s1, s30  }
0xba: {  	s0 =	sor.u32 s3, s0;
	s1 =	sshll.u32 s1, $0x11  }
0xbb: {  	s0 =	sor.u32 s1, s0  }
0xbc: {  	s0 =	sadd.s32 $0x8F2B, s0  }
0xbd: {  	[sflag:s0] =	ssyncadd.remote.s32 $0x1  }
0xbe: {  	_ =	sfence.sel $0xFFFF  }
0xbf: {  	[dreg:$0x0] =	wrdreg $0xFFFFFFFF;
	(pc) =	sbr.abs _section_cstart, $3  }
0xc0: {  	[dreg:$0x1] =	wrdreg $0xFFFFFFFF  }
0xc1: {  	_ =	task.clear_ibuf [dreg:s7], $0x2FFFF;
	_ =	strace $0x9FFFFFFF  }
0xc2: {  	(tm) =	ssettm $0x7FFFFFFF  }
0xc3: {  	_ =	shalt  }
tec
execute0_lowered:
.L_overlay_start_1:
0x0: {  	(tag) =	ssettag $0x1  }
0x1: {  	s3 =	srdreg.scid;
	s6 =	stileid.u32  }
0x2: {  	s4 =	sand.u32 $0x1, s3;
	s6 =	sshll.u32 s6, $0x1  }
0x3: {  	s0 =	rddreg [dreg:$0x0];
	s6 =	sor.u32 s4, s6  }
0x4: {  	s1 =	rddreg [dreg:$0x1];
	s2 =	simm.s32 $0x0;
	v14 =	vlaneseq.u32;
	s15 =	sshll.u32 s6, $0x6  }
0x5: {  	s11 =	simm.s32 $0x2;
	[smem:$0x7FF] =	sst s2;
	v2 =	vor.u32 $0x10, v14;
	v0 =	vor.u32 s15, v14  }
0x6: {  	s12 =	simm.s32 $0x4000;
	s13 =	simm.s32 $0x4080;
	v3 =	vor.u32 $0x20, v14;
	_ =	strace $0x8000004A;
	[tilespmem:$0x1FF60] =	vst v0;
	v0 =	vor.u32 s15, v2  }
0x7: {  	s14 =	simm.s32 $0x4300;
	s20 =	simm.s32 $0x1;
	s18 =	simm.s32 $0x17B00;
	v4 =	vor.u32 $0x30, v14;
	v1 =	vmul.u32 $0x2, v14;
	[tilespmem:$0x1FF70] =	vst v0;
	v0 =	vor.u32 s15, v3  }
0x8: {  	s19 =	simm.s32 $0x18300;
	s21 =	simm.s32 $0x18B00;
	s22 =	simm.s32 $0x19300;
	[tilespmem:$0x1FF80] =	vst v0;
	v0 =	vor.u32 s15, v4  }
0x9: {  	s23 =	simm.s32 $0x19B00;
	s24 =	simm.s32 $0x1A300;
	s25 =	simm.s32 $0x1AB00;
	[tilespmem:$0x1FF90] =	vst v0;
	v0 =	vor.u32 $0x1, v1  }
0xa: {  	s28 =	simm.s32 $0x1BB00;
	s29 =	simm.s32 $0x4200;
	s30 =	simm.s32 $0x4280;
	[tilespmem:$0x1FFA0] =	vst v0;
	v0 =	vor.u32 $0x20, v1  }
0xb: {  	s31 =	simm.s32 $0x0;
	s3 =	sadd.s32 $0x1400, s0;
	s5 =	ssub.s32 $0x2, s4;
	[tilespmem:$0x1FFB0] =	vst v0;
	v0 =	vor.u32 $0x21, v1  }
0xc: {  	s8 =	sadd.s32 $0x1600, s0;
	s4 =	sadd.s32 $0xC00, s0;
	s7 =	sshrl.u32 s5, $0x1;
	[tilespmem:$0x1FFC0] =	vst v0;
	v0 =	vor.u32 $0x40, v1  }
0xd: {  	vm0 =	vmmov $0xffff;
	s26 =	sshll.u32 s6, $0x4;
	s9 =	smul.u32 $0x1800, s6;
	s10 =	ssub.s32 s5, s7;
	[tilespmem:$0x1FFD0] =	vst v0;
	v0 =	vor.u32 $0x41, v1  }
0xe: {  	v13 =	vshrl.u32 v14, $0x3;
	v12 =	vand.u32 $0x7, v14;
	s5 =	sadd.s32 s0, s26;
	s7 =	sadd.s32 $0x1500, s0;
	s26 =	simm.s32 $0x1B300;
	[tilespmem:$0x1FFE0] =	vst v0;
	v0 =	vor.u32 $0x60, v1  }
0xf: {  	v13 =	vmul.u32 $0x8, v13;
	v11 =	vor.u32 $0x61, v1;
	v14 =	vor.u32 $0x8, v14;
	s6 =	sadd.s32 $0xA00, s5;
	s9 =	sadd.s32 s1, s9;
	s10 =	smax.u32 s10, $0x1;
	[tilespmem:$0x1FFF0] =	vst v0  }
.LBB2_1:
0x10: {  	[tilespmem:s2], [sflag:$0x2] =	stream.linear.gather [hbm4b:s4+s2], $0x4000, $0x38;
	[tilespmem:$0x1C300] =	vst v63  }
0x11: {  	_ =	swait.ge [sflag:s11], $0x4000  }
0x12: {  	[sflag:s11] =	ssyncset.done $0x0  }
0x13: {  	[sflag:s11] =	ssyncadd.s32 $0xFFFFC000  }
0x14: {  	[tilespmem:s12], [sflag:$0x2] =	stream.linear.gather [hbm4b:s5+s2], $0x80, $0x38;
	[tilespmem:$0x1C300] =	vst v63  }
0x15: {  	_ =	swait.ge [sflag:s11], $0x80  }
0x16: {  	[sflag:s11] =	ssyncset.done $0x0  }
0x17: {  	[sflag:s11] =	ssyncadd.s32 $0xFFFFFF80  }
0x18: {  	[tilespmem:s13], [sflag:$0x2] =	stream.linear.gather [hbm4b:s6+s2], $0x80, $0x38;
	[tilespmem:$0x1C300] =	vst v63  }
0x19: {  	_ =	swait.ge [sflag:s11], $0x80  }
0x1a: {  	v2 =	vld [tilespmem:$0x1FFA0];
	_ =	sdelay $0x4  }
0x1b: {  	[sflag:s11] =	ssyncset.done $0x0  }
0x1c: {  	v0 =	vld [tilespmem:$0x1FF60];
	[sflag:s11] =	ssyncadd.s32 $0xFFFFFF80  }
0x1d: {  	v15 =	vld.idx.msk [tilespmem:v1+s12+$0x0], $0xffff  }
0x1e: {  	v16 =	vld.idx.msk [tilespmem:v2+s12+$0x0], $0xffff;
	_ =	sdelay $0x3  }
0x1f: {  	v17 =	vshll.u32 v15, $0xB  }
0x20: {  	v17 =	vor.u32 v0, v17;
	v18 =	vshll.u32 v16, $0xB  }
0x21: {  	v18 =	vor.u32 v0, v18;
	_ =	sdelay $0x3  }
0x22: {  	v17 =	vld.idx.msk [tilespmem:v17+s2+$0x0], $0xffff  }
0x23: {  	v18 =	vld.idx.msk [tilespmem:v18+s2+$0x0], $0xffff  }
0x24: {  	v19 =	vld.idx.msk [tilespmem:v1+s13+$0x0], $0xffff  }
0x25: {  	v20 =	vld.idx.msk [tilespmem:v2+s13+$0x0], $0xffff  }
0x26: {  	v2 =	vld [tilespmem:$0x1FFB0]  }
0x27: {  	v3 =	vld [tilespmem:$0x1FFC0];
	vm1 =	vgt.s32 v17, $0x0  }
0x28: {  	v15 =	vshll.u32 v15, $0x8;
	v21 =	vnsel vm1, $0x0, v17;
	vm1 =	vgt.s32 v18, $0x0  }
0x29: {  	v16 =	vshll.u32 v16, $0x8;
	v15 =	vadd.s32 v15, v21;
	v21 =	vnsel vm1, $0x0, v18  }
0x2a: {  	[tilespmem:$0x4100] =	vst v15;
	vm1 =	vgt.s32 v17, $0xFFFFFFFF;
	v15 =	vadd.s32 v16, v21  }
0x2b: {  	[tilespmem:$0x4180] =	vst v15;
	v15 =	vnsel vm1, $0x0, v19;
	vm1 =	vgt.s32 v18, $0xFFFFFFFF  }
0x2c: {  	[tilespmem:$0x4200] =	vst v15;
	v15 =	vnsel vm1, $0x0, v20  }
0x2d: {  	v0 =	vld [tilespmem:$0x1FF70];
	[tilespmem:$0x4280] =	vst v15  }
0x2e: {  	v15 =	vld.idx.msk [tilespmem:v2+s12+$0x0], $0xffff  }
0x2f: {  	v16 =	vld.idx.msk [tilespmem:v3+s12+$0x0], $0xffff;
	_ =	sdelay $0x3  }
0x30: {  	v17 =	vshll.u32 v15, $0xB  }
0x31: {  	v18 =	vshll.u32 v16, $0xB;
	v17 =	vor.u32 v0, v17  }
0x32: {  	v18 =	vor.u32 v0, v18;
	_ =	sdelay $0x3  }
0x33: {  	v17 =	vld.idx.msk [tilespmem:v17+s2+$0x0], $0xffff  }
0x34: {  	v18 =	vld.idx.msk [tilespmem:v18+s2+$0x0], $0xffff  }
0x35: {  	v19 =	vld.idx.msk [tilespmem:v2+s13+$0x0], $0xffff  }
0x36: {  	v20 =	vld.idx.msk [tilespmem:v3+s13+$0x0], $0xffff  }
0x37: {  	v2 =	vld [tilespmem:$0x1FFD0]  }
0x38: {  	v3 =	vld [tilespmem:$0x1FFE0];
	vm1 =	vgt.s32 v17, $0x0  }
0x39: {  	v15 =	vshll.u32 v15, $0x8;
	v21 =	vnsel vm1, $0x0, v17;
	vm1 =	vgt.s32 v18, $0x0  }
0x3a: {  	v16 =	vshll.u32 v16, $0x8;
	v15 =	vadd.s32 v15, v21;
	v21 =	vnsel vm1, $0x0, v18  }
0x3b: {  	vm1 =	vgt.s32 v17, $0xFFFFFFFF;
	[tilespmem:$0x4110] =	vst v15;
	v15 =	vadd.s32 v16, v21  }
0x3c: {  	[tilespmem:$0x4190] =	vst v15;
	v15 =	vnsel vm1, $0x0, v19;
	vm1 =	vgt.s32 v18, $0xFFFFFFFF  }
0x3d: {  	[tilespmem:$0x4210] =	vst v15;
	v15 =	vnsel vm1, $0x0, v20  }
0x3e: {  	v0 =	vld [tilespmem:$0x1FF80];
	[tilespmem:$0x4290] =	vst v15  }
0x3f: {  	v15 =	vld.idx.msk [tilespmem:v2+s12+$0x0], $0xffff  }
0x40: {  	v16 =	vld.idx.msk [tilespmem:v3+s12+$0x0], $0xffff;
	_ =	sdelay $0x3  }
0x41: {  	v17 =	vshll.u32 v15, $0xB  }
0x42: {  	v18 =	vshll.u32 v16, $0xB;
	v17 =	vor.u32 v0, v17  }
0x43: {  	v18 =	vor.u32 v0, v18;
	_ =	sdelay $0x3  }
0x44: {  	v17 =	vld.idx.msk [tilespmem:v17+s2+$0x0], $0xffff  }
0x45: {  	v18 =	vld.idx.msk [tilespmem:v18+s2+$0x0], $0xffff;
	_ =	sdelay $0x1  }
0x46: {  	v19 =	vld.idx.msk [tilespmem:v2+s13+$0x0], $0xffff  }
0x47: {  	v2 =	vld [tilespmem:$0x1FFF0]  }
0x48: {  	v20 =	vld.idx.msk [tilespmem:v3+s13+$0x0], $0xffff;
	vm1 =	vgt.s32 v17, $0x0  }
0x49: {  	v15 =	vshll.u32 v15, $0x8;
	v21 =	vnsel vm1, $0x0, v17;
	vm1 =	vgt.s32 v18, $0x0  }
0x4a: {  	v16 =	vshll.u32 v16, $0x8;
	v15 =	vadd.s32 v15, v21;
	v21 =	vnsel vm1, $0x0, v18  }
0x4b: {  	vm1 =	vgt.s32 v17, $0xFFFFFFFF;
	[tilespmem:$0x4120] =	vst v15;
	v15 =	vadd.s32 v16, v21  }
0x4c: {  	[tilespmem:$0x41A0] =	vst v15;
	v15 =	vnsel vm1, $0x0, v19;
	vm1 =	vgt.s32 v18, $0xFFFFFFFF  }
0x4d: {  	[tilespmem:$0x4220] =	vst v15;
	v15 =	vnsel vm1, $0x0, v20  }
0x4e: {  	v0 =	vld [tilespmem:$0x1FF90];
	[tilespmem:$0x42A0] =	vst v15  }
0x4f: {  	v15 =	vld.idx.msk [tilespmem:v2+s12+$0x0], $0xffff  }
0x50: {  	v16 =	vld.idx.msk [tilespmem:v11+s12+$0x0], $0xffff;
	_ =	sdelay $0x3  }
0x51: {  	v17 =	vshll.u32 v15, $0xB  }
0x52: {  	v18 =	vshll.u32 v16, $0xB;
	v17 =	vor.u32 v0, v17  }
0x53: {  	v19 =	vld [tilespmem:$0x4100];
	v18 =	vor.u32 v0, v18;
	_ =	sdelay $0x3  }
0x54: {  	v17 =	vld.idx.msk [tilespmem:v17+s2+$0x0], $0xffff  }
0x55: {  	v20 =	vshrl.u32 v19, $0x3;
	v18 =	vld.idx.msk [tilespmem:v18+s2+$0x0], $0xffff  }
0x56: {  	v20 =	vmul.u32 $0x30, v20  }
0x57: {  	v19 =	vand.u32 $0x7, v19  }
0x58: {  	v21 =	vld.idx.msk [tilespmem:v2+s13+$0x0], $0xffff;
	v19 =	vor.u32 v19, v20  }
0x59: {  	v20 =	vld.idx.msk [tilespmem:v11+s13+$0x0], $0xffff;
	v15 =	vshll.u32 v15, $0x8;
	v23 =	vperm.xlane v19, v12;
	vm1 =	vgt.s32 v17, $0x0  }
0x5a: {  	v16 =	vshll.u32 v16, $0x8;
	v22 =	vnsel vm1, $0x0, v17;
	vm1 =	vgt.s32 v18, $0x0  }
0x5b: {  	v23 =	vadd.s32 v13, v23;
	v15 =	vadd.s32 v15, v22;
	v22 =	vnsel vm1, $0x0, v18  }
0x5c: {  	vm1 =	vgt.s32 v17, $0xFFFFFFFF;
	[tilespmem:$0x4130] =	vst v15;
	v15 =	vadd.s32 v16, v22  }
0x5d: {  	[tilespmem:$0x41B0] =	vst v15;
	v15 =	vnsel vm1, $0x0, v21;
	vm1 =	vgt.s32 v18, $0xFFFFFFFF  }
0x5e: {  	[tilespmem:$0x4230] =	vst v15;
	v15 =	vnsel vm1, $0x0, v20  }
0x5f: {  	[tilespmem:$0x42B0] =	vst v15;
	v15 =	vperm.xlane v19, v14  }
0x60: {  	[tilespmem:s14], [sflag:$0x1] =	stream.indirect_vreg.gather [hbm4b:s3+s2], $0x80, v23, vm0, $0xb8;
	[tilespmem:$0x1C300] =	vst v63  }
0x61: {  	s0 =	simm.s32 $0x4B00;
	v15 =	vadd.s32 v13, v15  }
0x62: {  	[tilespmem:s0], [sflag:$0x1] =	stream.indirect_vreg.gather [hbm4b:s7+s2], $0x80, v23, vm0, $0xb8;
	[tilespmem:$0x1C300] =	vst v63  }
0x63: {  	s16 =	simm.s32 $0x5300  }
0x64: {  	[tilespmem:s16], [sflag:$0x1] =	stream.indirect_vreg.gather [hbm4b:s8+s2], $0x80, v23, vm0, $0xb8;
	[tilespmem:$0x1C300] =	vst v63  }
0x65: {  	s17 =	simm.s32 $0x5B00  }
0x66: {  	[tilespmem:s17], [sflag:$0x1] =	stream.indirect_vreg.gather [hbm4b:s3+s2], $0x80, v15, vm0, $0xb8;
	[tilespmem:$0x1C300] =	vst v63  }
0x67: {  	s1 =	simm.s32 $0x6300  }
0x68: {  	[tilespmem:s1], [sflag:$0x1] =	stream.indirect_vreg.gather [hbm4b:s7+s2], $0x80, v15, vm0, $0xb8;
	[tilespmem:$0x1C300] =	vst v63  }
0x69: {  	s15 =	simm.s32 $0x6B00  }
0x6a: {  	[tilespmem:s15], [sflag:$0x1] =	stream.indirect_vreg.gather [hbm4b:s8+s2], $0x80, v15, vm0, $0xb8;
	[tilespmem:$0x1C300] =	vst v63  }
0x6b: {  	v15 =	vld [tilespmem:$0x4110];
	_ =	sdelay $0x4  }
0x6c: {  	v16 =	vshrl.u32 v15, $0x3  }
0x6d: {  	v16 =	vmul.u32 $0x30, v16  }
0x6e: {  	v15 =	vand.u32 $0x7, v15  }
0x6f: {  	v15 =	vor.u32 v15, v16  }
0x70: {  	v16 =	vperm.xlane v15, v12;
	_ =	sdelay $0x1  }
0x71: {  	v16 =	vadd.s32 v13, v16;
	_ =	sdelay $0x3  }
0x72: {  	s16 =	simm.s32 $0x7300;
	v15 =	vperm.xlane v15, v14  }
0x73: {  	[tilespmem:s16], [sflag:$0x1] =	stream.indirect_vreg.gather [hbm4b:s3+s2], $0x80, v16, vm0, $0xb8;
	[tilespmem:$0x1C300] =	vst v63  }
0x74: {  	s17 =	simm.s32 $0x7B00;
	v15 =	vadd.s32 v13, v15  }
0x75: {  	[tilespmem:s17], [sflag:$0x1] =	stream.indirect_vreg.gather [hbm4b:s7+s2], $0x80, v16, vm0, $0xb8;
	[tilespmem:$0x1C300] =	vst v63  }
0x76: {  	s1 =	simm.s32 $0x8300  }
0x77: {  	[tilespmem:s1], [sflag:$0x1] =	stream.indirect_vreg.gather [hbm4b:s8+s2], $0x80, v16, vm0, $0xb8;
	[tilespmem:$0x1C300] =	vst v63  }
0x78: {  	s15 =	simm.s32 $0x8B00  }
0x79: {  	[tilespmem:s15], [sflag:$0x1] =	stream.indirect_vreg.gather [hbm4b:s3+s2], $0x80, v15, vm0, $0xb8;
	[tilespmem:$0x1C300] =	vst v63  }
0x7a: {  	s16 =	simm.s32 $0x9300  }
0x7b: {  	[tilespmem:s16], [sflag:$0x1] =	stream.indirect_vreg.gather [hbm4b:s7+s2], $0x80, v15, vm0, $0xb8;
	[tilespmem:$0x1C300] =	vst v63  }
0x7c: {  	s17 =	simm.s32 $0x9B00  }
0x7d: {  	[tilespmem:s17], [sflag:$0x1] =	stream.indirect_vreg.gather [hbm4b:s8+s2], $0x80, v15, vm0, $0xb8;
	[tilespmem:$0x1C300] =	vst v63  }
0x7e: {  	v15 =	vld [tilespmem:$0x4120];
	_ =	sdelay $0x4  }
0x7f: {  	v16 =	vshrl.u32 v15, $0x3  }
0x80: {  	v16 =	vmul.u32 $0x30, v16  }
0x81: {  	v15 =	vand.u32 $0x7, v15  }
0x82: {  	v15 =	vor.u32 v15, v16  }
0x83: {  	v16 =	vperm.xlane v15, v12;
	_ =	sdelay $0x1  }
0x84: {  	v16 =	vadd.s32 v13, v16;
	_ =	sdelay $0x3  }
0x85: {  	s1 =	simm.s32 $0xA300;
	v15 =	vperm.xlane v15, v14  }
0x86: {  	[tilespmem:s1], [sflag:$0x1] =	stream.indirect_vreg.gather [hbm4b:s3+s2], $0x80, v16, vm0, $0xb8;
	[tilespmem:$0x1C300] =	vst v63  }
0x87: {  	s15 =	simm.s32 $0xAB00;
	v15 =	vadd.s32 v13, v15  }
0x88: {  	[tilespmem:s15], [sflag:$0x1] =	stream.indirect_vreg.gather [hbm4b:s7+s2], $0x80, v16, vm0, $0xb8;
	[tilespmem:$0x1C300] =	vst v63  }
0x89: {  	s16 =	simm.s32 $0xB300  }
0x8a: {  	[tilespmem:s16], [sflag:$0x1] =	stream.indirect_vreg.gather [hbm4b:s8+s2], $0x80, v16, vm0, $0xb8;
	[tilespmem:$0x1C300] =	vst v63  }
0x8b: {  	s17 =	simm.s32 $0xBB00  }
0x8c: {  	[tilespmem:s17], [sflag:$0x1] =	stream.indirect_vreg.gather [hbm4b:s3+s2], $0x80, v15, vm0, $0xb8;
	[tilespmem:$0x1C300] =	vst v63  }
0x8d: {  	s1 =	simm.s32 $0xC300  }
0x8e: {  	[tilespmem:s1], [sflag:$0x1] =	stream.indirect_vreg.gather [hbm4b:s7+s2], $0x80, v15, vm0, $0xb8;
	[tilespmem:$0x1C300] =	vst v63  }
0x8f: {  	s15 =	simm.s32 $0xCB00  }
0x90: {  	[tilespmem:s15], [sflag:$0x1] =	stream.indirect_vreg.gather [hbm4b:s8+s2], $0x80, v15, vm0, $0xb8;
	[tilespmem:$0x1C300] =	vst v63  }
0x91: {  	v15 =	vld [tilespmem:$0x4130];
	_ =	sdelay $0x4  }
0x92: {  	v16 =	vshrl.u32 v15, $0x3  }
0x93: {  	v16 =	vmul.u32 $0x30, v16  }
0x94: {  	v15 =	vand.u32 $0x7, v15  }
0x95: {  	v15 =	vor.u32 v15, v16  }
0x96: {  	v16 =	vperm.xlane v15, v12;
	_ =	sdelay $0x1  }
0x97: {  	v16 =	vadd.s32 v13, v16;
	_ =	sdelay $0x3  }
0x98: {  	s16 =	simm.s32 $0xD300;
	v15 =	vperm.xlane v15, v14  }
0x99: {  	[tilespmem:s16], [sflag:$0x1] =	stream.indirect_vreg.gather [hbm4b:s3+s2], $0x80, v16, vm0, $0xb8;
	[tilespmem:$0x1C300] =	vst v63  }
0x9a: {  	s17 =	simm.s32 $0xDB00;
	v15 =	vadd.s32 v13, v15  }
0x9b: {  	[tilespmem:s17], [sflag:$0x1] =	stream.indirect_vreg.gather [hbm4b:s7+s2], $0x80, v16, vm0, $0xb8;
	[tilespmem:$0x1C300] =	vst v63  }
0x9c: {  	s1 =	simm.s32 $0xE300  }
0x9d: {  	[tilespmem:s1], [sflag:$0x1] =	stream.indirect_vreg.gather [hbm4b:s8+s2], $0x80, v16, vm0, $0xb8;
	[tilespmem:$0x1C300] =	vst v63  }
0x9e: {  	s15 =	simm.s32 $0xEB00  }
0x9f: {  	[tilespmem:s15], [sflag:$0x1] =	stream.indirect_vreg.gather [hbm4b:s3+s2], $0x80, v15, vm0, $0xb8;
	[tilespmem:$0x1C300] =	vst v63  }
0xa0: {  	s16 =	simm.s32 $0xF300  }
0xa1: {  	[tilespmem:s16], [sflag:$0x1] =	stream.indirect_vreg.gather [hbm4b:s7+s2], $0x80, v15, vm0, $0xb8;
	[tilespmem:$0x1C300] =	vst v63  }
0xa2: {  	s17 =	simm.s32 $0xFB00  }
0xa3: {  	[tilespmem:s17], [sflag:$0x1] =	stream.indirect_vreg.gather [hbm4b:s8+s2], $0x80, v15, vm0, $0xb8;
	[tilespmem:$0x1C300] =	vst v63  }
0xa4: {  	_ =	swait.ge [sflag:s20], $0xC000  }
0xa5: {  	[sflag:s20] =	ssyncset.done $0x0  }
0xa6: {  	[sflag:s20] =	ssyncadd.s32 $0xFFFF4000  }
0xa7: {  	v15 =	vld [tilespmem:$0x4180];
	_ =	sdelay $0x4  }
0xa8: {  	v16 =	vshrl.u32 v15, $0x3  }
0xa9: {  	v16 =	vmul.u32 $0x30, v16  }
0xaa: {  	v15 =	vand.u32 $0x7, v15  }
0xab: {  	v15 =	vor.u32 v15, v16  }
0xac: {  	v16 =	vperm.xlane v15, v12;
	_ =	sdelay $0x1  }
0xad: {  	v16 =	vadd.s32 v13, v16;
	_ =	sdelay $0x3  }
0xae: {  	s1 =	simm.s32 $0x10300;
	v15 =	vperm.xlane v15, v14  }
0xaf: {  	[tilespmem:s1], [sflag:$0x1] =	stream.indirect_vreg.gather [hbm4b:s3+s2], $0x80, v16, vm0, $0xb8;
	[tilespmem:$0x1C300] =	vst v63  }
0xb0: {  	s15 =	simm.s32 $0x10B00;
	v15 =	vadd.s32 v13, v15  }
0xb1: {  	[tilespmem:s15], [sflag:$0x1] =	stream.indirect_vreg.gather [hbm4b:s7+s2], $0x80, v16, vm0, $0xb8;
	[tilespmem:$0x1C300] =	vst v63  }
0xb2: {  	s16 =	simm.s32 $0x11300  }
0xb3: {  	[tilespmem:s16], [sflag:$0x1] =	stream.indirect_vreg.gather [hbm4b:s8+s2], $0x80, v16, vm0, $0xb8;
	[tilespmem:$0x1C300] =	vst v63  }
0xb4: {  	s17 =	simm.s32 $0x11B00  }
0xb5: {  	[tilespmem:s17], [sflag:$0x1] =	stream.indirect_vreg.gather [hbm4b:s3+s2], $0x80, v15, vm0, $0xb8;
	[tilespmem:$0x1C300] =	vst v63  }
0xb6: {  	s1 =	simm.s32 $0x12300  }
0xb7: {  	[tilespmem:s1], [sflag:$0x1] =	stream.indirect_vreg.gather [hbm4b:s7+s2], $0x80, v15, vm0, $0xb8;
	[tilespmem:$0x1C300] =	vst v63  }
0xb8: {  	s15 =	simm.s32 $0x12B00  }
0xb9: {  	[tilespmem:s15], [sflag:$0x1] =	stream.indirect_vreg.gather [hbm4b:s8+s2], $0x80, v15, vm0, $0xb8;
	[tilespmem:$0x1C300] =	vst v63  }
0xba: {  	v15 =	vld [tilespmem:$0x4190];
	_ =	sdelay $0x4  }
0xbb: {  	v16 =	vshrl.u32 v15, $0x3  }
0xbc: {  	v16 =	vmul.u32 $0x30, v16  }
0xbd: {  	v15 =	vand.u32 $0x7, v15  }
0xbe: {  	v15 =	vor.u32 v15, v16  }
0xbf: {  	v16 =	vperm.xlane v15, v12;
	_ =	sdelay $0x1  }
0xc0: {  	v16 =	vadd.s32 v13, v16;
	_ =	sdelay $0x3  }
0xc1: {  	s16 =	simm.s32 $0x13300;
	v15 =	vperm.xlane v15, v14  }
0xc2: {  	[tilespmem:s16], [sflag:$0x1] =	stream.indirect_vreg.gather [hbm4b:s3+s2], $0x80, v16, vm0, $0xb8;
	[tilespmem:$0x1C300] =	vst v63  }
0xc3: {  	s17 =	simm.s32 $0x13B00;
	v15 =	vadd.s32 v13, v15  }
0xc4: {  	[tilespmem:s17], [sflag:$0x1] =	stream.indirect_vreg.gather [hbm4b:s7+s2], $0x80, v16, vm0, $0xb8;
	[tilespmem:$0x1C300] =	vst v63  }
0xc5: {  	s1 =	simm.s32 $0x14300  }
0xc6: {  	[tilespmem:s1], [sflag:$0x1] =	stream.indirect_vreg.gather [hbm4b:s8+s2], $0x80, v16, vm0, $0xb8;
	[tilespmem:$0x1C300] =	vst v63  }
0xc7: {  	s15 =	simm.s32 $0x14B00  }
0xc8: {  	[tilespmem:s15], [sflag:$0x1] =	stream.indirect_vreg.gather [hbm4b:s3+s2], $0x80, v15, vm0, $0xb8;
	[tilespmem:$0x1C300] =	vst v63  }
0xc9: {  	s16 =	simm.s32 $0x15300  }
0xca: {  	[tilespmem:s16], [sflag:$0x1] =	stream.indirect_vreg.gather [hbm4b:s7+s2], $0x80, v15, vm0, $0xb8;
	[tilespmem:$0x1C300] =	vst v63  }
0xcb: {  	s17 =	simm.s32 $0x15B00  }
0xcc: {  	[tilespmem:s17], [sflag:$0x1] =	stream.indirect_vreg.gather [hbm4b:s8+s2], $0x80, v15, vm0, $0xb8;
	[tilespmem:$0x1C300] =	vst v63  }
0xcd: {  	v15 =	vld [tilespmem:$0x41A0];
	_ =	sdelay $0x4  }
0xce: {  	v16 =	vshrl.u32 v15, $0x3  }
0xcf: {  	v16 =	vmul.u32 $0x30, v16  }
0xd0: {  	v15 =	vand.u32 $0x7, v15  }
0xd1: {  	v15 =	vor.u32 v15, v16  }
0xd2: {  	v16 =	vperm.xlane v15, v12;
	_ =	sdelay $0x1  }
0xd3: {  	v16 =	vadd.s32 v13, v16;
	_ =	sdelay $0x3  }
0xd4: {  	s1 =	simm.s32 $0x16300;
	v15 =	vperm.xlane v15, v14  }
0xd5: {  	[tilespmem:s1], [sflag:$0x1] =	stream.indirect_vreg.gather [hbm4b:s3+s2], $0x80, v16, vm0, $0xb8;
	[tilespmem:$0x1C300] =	vst v63  }
0xd6: {  	s15 =	simm.s32 $0x16B00;
	v15 =	vadd.s32 v13, v15  }
0xd7: {  	[tilespmem:s15], [sflag:$0x1] =	stream.indirect_vreg.gather [hbm4b:s7+s2], $0x80, v16, vm0, $0xb8;
	[tilespmem:$0x1C300] =	vst v63  }
0xd8: {  	s16 =	simm.s32 $0x17300  }
0xd9: {  	[tilespmem:s16], [sflag:$0x1] =	stream.indirect_vreg.gather [hbm4b:s8+s2], $0x80, v16, vm0, $0xb8;
	[tilespmem:$0x1C300] =	vst v63  }
0xda: {  	_ = 	snop  }
0xdb: {  	[tilespmem:s18], [sflag:$0x1] =	stream.indirect_vreg.gather [hbm4b:s3+s2], $0x80, v15, vm0, $0xb8;
	[tilespmem:$0x1C300] =	vst v63  }
0xdc: {  	_ = 	snop  }
0xdd: {  	[tilespmem:s19], [sflag:$0x1] =	stream.indirect_vreg.gather [hbm4b:s7+s2], $0x80, v15, vm0, $0xb8;
	[tilespmem:$0x1C300] =	vst v63  }
0xde: {  	_ = 	snop  }
0xdf: {  	[tilespmem:s21], [sflag:$0x1] =	stream.indirect_vreg.gather [hbm4b:s8+s2], $0x80, v15, vm0, $0xb8;
	[tilespmem:$0x1C300] =	vst v63  }
0xe0: {  	v15 =	vld [tilespmem:$0x41B0];
	_ =	sdelay $0x4  }
0xe1: {  	v16 =	vshrl.u32 v15, $0x3  }
0xe2: {  	v16 =	vmul.u32 $0x30, v16  }
0xe3: {  	v15 =	vand.u32 $0x7, v15  }
0xe4: {  	v15 =	vor.u32 v15, v16  }
0xe5: {  	v16 =	vperm.xlane v15, v12;
	_ =	sdelay $0x1  }
0xe6: {  	v16 =	vadd.s32 v13, v16;
	_ =	sdelay $0x3  }
0xe7: {  	v15 =	vperm.xlane v15, v14  }
0xe8: {  	[tilespmem:s22], [sflag:$0x1] =	stream.indirect_vreg.gather [hbm4b:s3+s2], $0x80, v16, vm0, $0xb8;
	[tilespmem:$0x1C300] =	vst v63  }
0xe9: {  	v15 =	vadd.s32 v13, v15  }
0xea: {  	[tilespmem:s23], [sflag:$0x1] =	stream.indirect_vreg.gather [hbm4b:s7+s2], $0x80, v16, vm0, $0xb8;
	[tilespmem:$0x1C300] =	vst v63  }
0xeb: {  	_ = 	snop  }
0xec: {  	[tilespmem:s24], [sflag:$0x1] =	stream.indirect_vreg.gather [hbm4b:s8+s2], $0x80, v16, vm0, $0xb8;
	[tilespmem:$0x1C300] =	vst v63  }
0xed: {  	_ = 	snop  }
0xee: {  	[tilespmem:s25], [sflag:$0x1] =	stream.indirect_vreg.gather [hbm4b:s3+s2], $0x80, v15, vm0, $0xb8;
	[tilespmem:$0x1C300] =	vst v63  }
0xef: {  	_ = 	snop  }
0xf0: {  	[tilespmem:s26], [sflag:$0x1] =	stream.indirect_vreg.gather [hbm4b:s7+s2], $0x80, v15, vm0, $0xb8;
	[tilespmem:$0x1C300] =	vst v63  }
0xf1: {  	s17 =	simm.s32 $0x0  }
0xf2: {  	[tilespmem:s28], [sflag:$0x1] =	stream.indirect_vreg.gather [hbm4b:s8+s2], $0x80, v15, vm0, $0xb8;
	[tilespmem:$0x1C300] =	vst v63  }
0xf3: {  	s0 =	smul.u32 $0x1800, s17;
	_ =	swait.ge [sflag:s20], $0xC000  }
0xf4: {  	s1 =	sand.u32 $0x380, s2;
	[sflag:s20] =	ssyncset.done $0x0  }
0xf5: {  	s0 =	sor.u32 s1, s0;
	[sflag:s20] =	ssyncadd.s32 $0xFFFF4000  }
0xf6: {  	v16 =	vld [tilespmem:s0+$0x4310]  }
0xf7: {  	v15 =	vld [tilespmem:s0+$0x10310]  }
0xf8: {  	v18 =	vld [tilespmem:s0+$0x4320]  }
0xf9: {  	v17 =	vld [tilespmem:s0+$0x10320]  }
0xfa: {  	v20 =	vld [tilespmem:s0+$0x4330]  }
0xfb: {  	v19 =	vld [tilespmem:s0+$0x10330]  }
0xfc: {  	v22 =	vld [tilespmem:s0+$0x4340]  }
0xfd: {  	v21 =	vld [tilespmem:s0+$0x10340]  }
0xfe: {  	v24 =	vld [tilespmem:s0+$0x4350]  }
0xff: {  	v23 =	vld [tilespmem:s0+$0x10350]  }
0x100: {  	v25 =	vld [tilespmem:s0+$0x4360]  }
0x101: {  	v26 =	vld [tilespmem:s0+$0x4370]  }
0x102: {  	v27 =	vld [tilespmem:s0+$0x4700]  }
0x103: {  	v28 =	vld [tilespmem:s0+$0x4710]  }
0x104: {  	v29 =	vld [tilespmem:s0+$0x4720]  }
0x105: {  	v30 =	vld [tilespmem:s0+$0x4730]  }
0x106: {  	v31 =	vld [tilespmem:s0+$0x4740]  }
0x107: {  	v32 =	vld [tilespmem:s0+$0x4750]  }
0x108: {  	v33 =	vld [tilespmem:s0+$0x4760]  }
0x109: {  	v34 =	vld [tilespmem:s0+$0x4770]  }
0x10a: {  	v35 =	vld [tilespmem:s0+$0x4B00]  }
0x10b: {  	v36 =	vld [tilespmem:s0+$0x4B10]  }
0x10c: {  	v37 =	vld [tilespmem:s0+$0x4B20]  }
0x10d: {  	v38 =	vld [tilespmem:s0+$0x4B30]  }
0x10e: {  	v39 =	vld [tilespmem:s0+$0x4B40]  }
0x10f: {  	v40 =	vld [tilespmem:s0+$0x4B50]  }
0x110: {  	v41 =	vld [tilespmem:s0+$0x4B60]  }
0x111: {  	v42 =	vld [tilespmem:s0+$0x4B70]  }
0x112: {  	v44 =	vld [tilespmem:s0+$0x4F00]  }
0x113: {  	v46 =	vld [tilespmem:s0+$0x4F10]  }
0x114: {  	v47 =	vld [tilespmem:s0+$0x4F20]  }
0x115: {  	v48 =	vld [tilespmem:s0+$0x4F30]  }
0x116: {  	v49 =	vld [tilespmem:s0+$0x4F40]  }
0x117: {  	v50 =	vld [tilespmem:s0+$0x4F50]  }
0x118: {  	v51 =	vld [tilespmem:s0+$0x4F60]  }
0x119: {  	v52 =	vld [tilespmem:s0+$0x4F70]  }
0x11a: {  	v53 =	vld [tilespmem:s0+$0x5300]  }
0x11b: {  	v54 =	vld [tilespmem:s0+$0x5310]  }
0x11c: {  	v55 =	vld [tilespmem:s0+$0x5320]  }
0x11d: {  	v56 =	vld [tilespmem:s0+$0x5330]  }
0x11e: {  	v57 =	vld [tilespmem:s0+$0x5340]  }
0x11f: {  	v58 =	vld [tilespmem:s0+$0x5350]  }
0x120: {  	v59 =	vld [tilespmem:s0+$0x5360]  }
0x121: {  	v62 =	vmov s2;
	v60 =	vld [tilespmem:s0+$0x5700]  }
0x122: {  	s1 =	simm.s32 $0x1;
	s15 =	simm.s32 $0x0;
	v61 =	vld [tilespmem:s0+$0x5710]  }
.LBB2_2:
0x123: {  	p0 =	sne.s32 s1, $0x3F;
	v63 =	vld [tilespmem:s0+$0x11710]  }
0x124: {  	v0 =	vld [tilespmem:s0+$0x11730]  }
0x125: {  	v2 =	vld [tilespmem:s0+$0x5720]  }
0x126: {  	v45 =	vld.idx.msk [tilespmem:v62+s29+$0x0], $0xffff  }
0x127: {  	v43 =	vld.idx.msk [tilespmem:v62+s30+$0x0], $0xffff  }
0x128: {  	v62 =	vld [tilespmem:s0+$0x5730]  }
0x129: {  	v3 =	vld [tilespmem:s0+$0x11720]  }
0x12a: {  	v4 =	vld [tilespmem:s0+$0x11700]  }
0x12b: {  	v5 =	vld [tilespmem:s0+$0x5370]  }
0x12c: {  	v61 =	vmul.f32 v61, v45;
	v2 =	vmul.f32 v2, v45;
	v6 =	vld [tilespmem:s0+$0x11370]  }
0x12d: {  	v0 =	vmul.f32 v0, v43;
	v7 =	vld [tilespmem:s0+$0x11360];
	v62 =	vmul.f32 v62, v45  }
0x12e: {  	v63 =	vmul.f32 v63, v43;
	v8 =	vld [tilespmem:s0+$0x11350];
	v3 =	vmul.f32 v3, v43  }
0x12f: {  	v60 =	vmul.f32 v60, v45;
	v9 =	vld [tilespmem:s0+$0x11340];
	v4 =	vmul.f32 v4, v43;
	v0 =	vadd.f32 v0, v62  }
0x130: {  	v61 =	vadd.f32 v63, v61;
	v62 =	vld [tilespmem:s0+$0x11330];
	v5 =	vmul.f32 v5, v45;
	v2 =	vadd.f32 v3, v2  }
0x131: {  	v59 =	vmul.f32 v59, v45;
	v3 =	vld [tilespmem:s0+$0x11320];
	v6 =	vmul.f32 v6, v43;
	v4 =	vadd.f32 v4, v60;
	[tilespmem:s0+$0x5730] =	vst v0  }
0x132: {  	v58 =	vmul.f32 v58, v45;
	v0 =	vld [tilespmem:s0+$0x11310];
	v7 =	vmul.f32 v7, v43;
	[tilespmem:s0+$0x5720] =	vst v2  }
0x133: {  	v57 =	vmul.f32 v57, v45;
	v2 =	vld [tilespmem:s0+$0x11300];
	v8 =	vmul.f32 v8, v43;
	v5 =	vadd.f32 v6, v5;
	[tilespmem:s0+$0x5710] =	vst v61  }
0x134: {  	v56 =	vmul.f32 v56, v45;
	v6 =	vld [tilespmem:s0+$0x10F70];
	v9 =	vmul.f32 v9, v43;
	v7 =	vadd.f32 v7, v59;
	[tilespmem:s0+$0x5700] =	vst v4  }
0x135: {  	v55 =	vmul.f32 v55, v45;
	v4 =	vld [tilespmem:s0+$0x10F60];
	v59 =	vmul.f32 v62, v43;
	v8 =	vadd.f32 v8, v58;
	[tilespmem:s0+$0x5370] =	vst v5  }
0x136: {  	v54 =	vmul.f32 v54, v45;
	v5 =	vld [tilespmem:s0+$0x10F50];
	v3 =	vmul.f32 v3, v43;
	v9 =	vadd.f32 v9, v57;
	[tilespmem:s0+$0x5360] =	vst v7  }
0x137: {  	v53 =	vmul.f32 v53, v45;
	v7 =	vld [tilespmem:s0+$0x10F40];
	v0 =	vmul.f32 v0, v43;
	v56 =	vadd.f32 v59, v56;
	[tilespmem:s0+$0x5350] =	vst v8  }
0x138: {  	v52 =	vmul.f32 v52, v45;
	v8 =	vld [tilespmem:s0+$0x10F30];
	v2 =	vmul.f32 v2, v43;
	v3 =	vadd.f32 v3, v55;
	[tilespmem:s0+$0x5340] =	vst v9  }
0x139: {  	v51 =	vmul.f32 v51, v45;
	v9 =	vld [tilespmem:s0+$0x10F20];
	v6 =	vmul.f32 v6, v43;
	v0 =	vadd.f32 v0, v54;
	[tilespmem:s0+$0x5330] =	vst v56  }
0x13a: {  	v50 =	vmul.f32 v50, v45;
	v54 =	vld [tilespmem:s0+$0x10F10];
	v4 =	vmul.f32 v4, v43;
	v2 =	vadd.f32 v2, v53;
	[tilespmem:s0+$0x5320] =	vst v3  }
0x13b: {  	v49 =	vmul.f32 v49, v45;
	v3 =	vld [tilespmem:s0+$0x10F00];
	v5 =	vmul.f32 v5, v43;
	v6 =	vadd.f32 v6, v52;
	[tilespmem:s0+$0x5310] =	vst v0  }
0x13c: {  	v48 =	vmul.f32 v48, v45;
	v0 =	vld [tilespmem:s0+$0x10B70];
	v7 =	vmul.f32 v7, v43;
	v4 =	vadd.f32 v4, v51;
	[tilespmem:s0+$0x5300] =	vst v2  }
0x13d: {  	v47 =	vmul.f32 v47, v45;
	v2 =	vld [tilespmem:s0+$0x10B60];
	v8 =	vmul.f32 v8, v43;
	v5 =	vadd.f32 v5, v50;
	[tilespmem:s0+$0x4F70] =	vst v6  }
0x13e: {  	v46 =	vmul.f32 v46, v45;
	v6 =	vld [tilespmem:s0+$0x10B50];
	v9 =	vmul.f32 v9, v43;
	v7 =	vadd.f32 v7, v49;
	[tilespmem:s0+$0x4F60] =	vst v4  }
0x13f: {  	v44 =	vmul.f32 v44, v45;
	v4 =	vld [tilespmem:s0+$0x10B40];
	v49 =	vmul.f32 v54, v43;
	v8 =	vadd.f32 v8, v48;
	[tilespmem:s0+$0x4F50] =	vst v5  }
0x140: {  	v42 =	vmul.f32 v42, v45;
	v5 =	vld [tilespmem:s0+$0x10B30];
	v3 =	vmul.f32 v3, v43;
	v9 =	vadd.f32 v9, v47;
	[tilespmem:s0+$0x4F40] =	vst v7  }
0x141: {  	v41 =	vmul.f32 v41, v45;
	v7 =	vld [tilespmem:s0+$0x10B20];
	v0 =	vmul.f32 v0, v43;
	v46 =	vadd.f32 v49, v46;
	[tilespmem:s0+$0x4F30] =	vst v8  }
0x142: {  	v40 =	vmul.f32 v40, v45;
	v8 =	vld [tilespmem:s0+$0x10B10];
	v2 =	vmul.f32 v2, v43;
	v3 =	vadd.f32 v3, v44;
	[tilespmem:s0+$0x4F20] =	vst v9  }
0x143: {  	v39 =	vmul.f32 v39, v45;
	v9 =	vld [tilespmem:s0+$0x10B00];
	v6 =	vmul.f32 v6, v43;
	v0 =	vadd.f32 v0, v42;
	[tilespmem:s0+$0x4F10] =	vst v46  }
0x144: {  	v38 =	vmul.f32 v38, v45;
	v42 =	vld [tilespmem:s0+$0x10770];
	v4 =	vmul.f32 v4, v43;
	v2 =	vadd.f32 v2, v41;
	[tilespmem:s0+$0x4F00] =	vst v3  }
0x145: {  	v37 =	vmul.f32 v37, v45;
	v3 =	vld [tilespmem:s0+$0x10760];
	v5 =	vmul.f32 v5, v43;
	v6 =	vadd.f32 v6, v40;
	[tilespmem:s0+$0x4B70] =	vst v0  }
0x146: {  	v36 =	vmul.f32 v36, v45;
	v0 =	vld [tilespmem:s0+$0x10750];
	v7 =	vmul.f32 v7, v43;
	v4 =	vadd.f32 v4, v39;
	[tilespmem:s0+$0x4B60] =	vst v2  }
0x147: {  	v35 =	vmul.f32 v35, v45;
	v2 =	vld [tilespmem:s0+$0x10740];
	v8 =	vmul.f32 v8, v43;
	v5 =	vadd.f32 v5, v38;
	[tilespmem:s0+$0x4B50] =	vst v6  }
0x148: {  	v34 =	vmul.f32 v34, v45;
	v6 =	vld [tilespmem:s0+$0x10730];
	v9 =	vmul.f32 v9, v43;
	v7 =	vadd.f32 v7, v37;
	[tilespmem:s0+$0x4B40] =	vst v4  }
0x149: {  	v33 =	vmul.f32 v33, v45;
	v4 =	vld [tilespmem:s0+$0x10720];
	v37 =	vmul.f32 v42, v43;
	v8 =	vadd.f32 v8, v36;
	[tilespmem:s0+$0x4B30] =	vst v5  }
0x14a: {  	v32 =	vmul.f32 v32, v45;
	v5 =	vld [tilespmem:s0+$0x10710];
	v3 =	vmul.f32 v3, v43;
	v9 =	vadd.f32 v9, v35;
	[tilespmem:s0+$0x4B20] =	vst v7  }
0x14b: {  	v31 =	vmul.f32 v31, v45;
	v7 =	vld [tilespmem:s0+$0x10700];
	v0 =	vmul.f32 v0, v43;
	v34 =	vadd.f32 v37, v34;
	[tilespmem:s0+$0x4B10] =	vst v8  }
0x14c: {  	v30 =	vmul.f32 v30, v45;
	v8 =	vld [tilespmem:s0+$0x10370];
	v2 =	vmul.f32 v2, v43;
	v3 =	vadd.f32 v3, v33;
	[tilespmem:s0+$0x4B00] =	vst v9  }
0x14d: {  	v29 =	vmul.f32 v29, v45;
	v9 =	vld [tilespmem:s0+$0x10360];
	v6 =	vmul.f32 v6, v43;
	v0 =	vadd.f32 v0, v32;
	[tilespmem:s0+$0x4770] =	vst v34  }
0x14e: {  	v28 =	vmul.f32 v28, v45;
	v4 =	vmul.f32 v4, v43;
	v2 =	vadd.f32 v2, v31;
	[tilespmem:s0+$0x4760] =	vst v3;
	v3 =	vld [tilespmem:s0+$0x11740]  }
0x14f: {  	v27 =	vmul.f32 v27, v45;
	v5 =	vmul.f32 v5, v43;
	v6 =	vadd.f32 v6, v30;
	[tilespmem:s0+$0x4750] =	vst v0;
	v0 =	vld [tilespmem:s0+$0x11750]  }
0x150: {  	v26 =	vmul.f32 v26, v45;
	v7 =	vmul.f32 v7, v43;
	v4 =	vadd.f32 v4, v29;
	[tilespmem:s0+$0x4740] =	vst v2;
	v2 =	vld [tilespmem:s0+$0x11760]  }
0x151: {  	v25 =	vmul.f32 v25, v45;
	v8 =	vmul.f32 v8, v43;
	v5 =	vadd.f32 v5, v28;
	[tilespmem:s0+$0x4730] =	vst v6;
	v6 =	vld [tilespmem:s0+$0x11770]  }
0x152: {  	v24 =	vmul.f32 v24, v45;
	v9 =	vmul.f32 v9, v43;
	v7 =	vadd.f32 v7, v27;
	[tilespmem:s0+$0x4720] =	vst v4;
	v4 =	vld [tilespmem:s0+$0x5740]  }
0x153: {  	v22 =	vmul.f32 v22, v45;
	v23 =	vmul.f32 v23, v43;
	v8 =	vadd.f32 v8, v26;
	[tilespmem:s0+$0x4710] =	vst v5;
	v5 =	vld [tilespmem:s0+$0x5750]  }
0x154: {  	v20 =	vmul.f32 v20, v45;
	v21 =	vmul.f32 v21, v43;
	v9 =	vadd.f32 v9, v25;
	[tilespmem:s0+$0x4700] =	vst v7;
	v7 =	vld [tilespmem:s0+$0x5760]  }
0x155: {  	v18 =	vmul.f32 v18, v45;
	v19 =	vmul.f32 v19, v43;
	v23 =	vadd.f32 v23, v24;
	[tilespmem:s0+$0x4370] =	vst v8;
	v8 =	vld [tilespmem:s0+$0x5770]  }
0x156: {  	v16 =	vmul.f32 v16, v45;
	v17 =	vmul.f32 v17, v43;
	v21 =	vadd.f32 v21, v22;
	v24 =	vld [tilespmem:s0+$0x4300];
	[tilespmem:s0+$0x4360] =	vst v9  }
0x157: {  	v15 =	vmul.f32 v15, v43;
	v19 =	vadd.f32 v19, v20;
	v9 =	vld [tilespmem:s0+$0x10300];
	[tilespmem:s0+$0x4350] =	vst v23;
	v4 =	vmul.f32 v4, v45  }
0x158: {  	s16 =	sshrl.u32 s1, $0x3;
	v17 =	vadd.f32 v17, v18;
	v3 =	vmul.f32 v3, v43;
	[tilespmem:s0+$0x4340] =	vst v21;
	v5 =	vmul.f32 v5, v45  }
0x159: {  	s15 =	sadd.s32 $0x80, s15;
	s16 =	smul.u32 $0x1800, s16;
	v15 =	vadd.f32 v15, v16;
	v0 =	vmul.f32 v0, v43;
	[tilespmem:s0+$0x4330] =	vst v19;
	v7 =	vmul.f32 v7, v45  }
0x15a: {  	s17 =	sand.u32 $0x380, s15;
	v2 =	vmul.f32 v2, v43;
	v3 =	vadd.f32 v3, v4;
	[tilespmem:s0+$0x4320] =	vst v17;
	v4 =	vmul.f32 v8, v45  }
0x15b: {  	s16 =	sor.u32 s17, s16;
	v0 =	vadd.f32 v0, v5;
	v5 =	vmul.f32 v6, v43;
	v8 =	vmul.f32 v24, v45;
	[tilespmem:s0+$0x4310] =	vst v15  }
0x15c: {  	v2 =	vadd.f32 v2, v7;
	v16 =	vld [tilespmem:s16+$0x4310];
	v6 =	vmul.f32 v9, v43;
	[tilespmem:s0+$0x5740] =	vst v3  }
0x15d: {  	v15 =	vld [tilespmem:s16+$0x10310];
	[tilespmem:s0+$0x5750] =	vst v0;
	v0 =	vadd.f32 v5, v4  }
0x15e: {  	v18 =	vld [tilespmem:s16+$0x4320];
	v3 =	vadd.f32 v6, v8;
	[tilespmem:s0+$0x5760] =	vst v2  }
0x15f: {  	v17 =	vld [tilespmem:s16+$0x10320];
	[tilespmem:s0+$0x5770] =	vst v0  }
0x160: {  	v20 =	vld [tilespmem:s16+$0x4330];
	[tilespmem:s0+$0x4300] =	vst v3;
	s0 =	smov.u32 s16  }
0x161: {  	v19 =	vld [tilespmem:s0+$0x10330]  }
0x162: {  	v22 =	vld [tilespmem:s0+$0x4340]  }
0x163: {  	v21 =	vld [tilespmem:s0+$0x10340]  }
0x164: {  	v24 =	vld [tilespmem:s0+$0x4350]  }
0x165: {  	v23 =	vld [tilespmem:s0+$0x10350]  }
0x166: {  	v25 =	vld [tilespmem:s0+$0x4360]  }
0x167: {  	v26 =	vld [tilespmem:s0+$0x4370]  }
0x168: {  	v27 =	vld [tilespmem:s0+$0x4700]  }
0x169: {  	v28 =	vld [tilespmem:s0+$0x4710]  }
0x16a: {  	v29 =	vld [tilespmem:s0+$0x4720]  }
0x16b: {  	v30 =	vld [tilespmem:s0+$0x4730]  }
0x16c: {  	v31 =	vld [tilespmem:s0+$0x4740]  }
0x16d: {  	v32 =	vld [tilespmem:s0+$0x4750]  }
0x16e: {  	v33 =	vld [tilespmem:s0+$0x4760]  }
0x16f: {  	v34 =	vld [tilespmem:s0+$0x4770]  }
0x170: {  	v35 =	vld [tilespmem:s0+$0x4B00]  }
0x171: {  	v36 =	vld [tilespmem:s0+$0x4B10]  }
0x172: {  	v37 =	vld [tilespmem:s0+$0x4B20]  }
0x173: {  	v38 =	vld [tilespmem:s0+$0x4B30]  }
0x174: {  	v39 =	vld [tilespmem:s0+$0x4B40]  }
0x175: {  	v40 =	vld [tilespmem:s0+$0x4B50]  }
0x176: {  	v41 =	vld [tilespmem:s0+$0x4B60]  }
0x177: {  	v42 =	vld [tilespmem:s0+$0x4B70]  }
0x178: {  	v44 =	vld [tilespmem:s0+$0x4F00]  }
0x179: {  	v46 =	vld [tilespmem:s0+$0x4F10]  }
0x17a: {  	v47 =	vld [tilespmem:s0+$0x4F20]  }
0x17b: {  	v48 =	vld [tilespmem:s0+$0x4F30]  }
0x17c: {  	v49 =	vld [tilespmem:s0+$0x4F40]  }
0x17d: {  	v50 =	vld [tilespmem:s0+$0x4F50]  }
0x17e: {  	v51 =	vld [tilespmem:s0+$0x4F60]  }
0x17f: {  	v52 =	vld [tilespmem:s0+$0x4F70]  }
0x180: {  	v53 =	vld [tilespmem:s0+$0x5300]  }
0x181: {  	v54 =	vld [tilespmem:s0+$0x5310]  }
0x182: {  	v55 =	vld [tilespmem:s0+$0x5320]  }
0x183: {  	v56 =	vld [tilespmem:s0+$0x5330]  }
.Ltmp0:
0x184: {  	v57 =	vld [tilespmem:s0+$0x5340];
	(pc) =	sbr.rel @p0 .LBB2_2-.Ltmp0, $4  }
0x185: {  	v58 =	vld [tilespmem:s0+$0x5350]  }
0x186: {  	v59 =	vld [tilespmem:s0+$0x5360]  }
0x187: {  	v62 =	vmov s1;
	v60 =	vld [tilespmem:s0+$0x5700]  }
0x188: {  	s1 =	sadd.s32 $0x1, s1;
	v61 =	vld [tilespmem:s0+$0x5710]  }
0x189: {  	_ = 	snop  }
0x18a: {  	v0 =	vld [tilespmem:s0+$0x11710]  }
0x18b: {  	v2 =	vld [tilespmem:s0+$0x11730]  }
0x18c: {  	v3 =	vld [tilespmem:s0+$0x5720]  }
0x18d: {  	v43 =	vld.idx.msk [tilespmem:v62+s29+$0x0], $0xffff  }
0x18e: {  	v45 =	vld.idx.msk [tilespmem:v62+s30+$0x0], $0xffff  }
0x18f: {  	v4 =	vld [tilespmem:s0+$0x5730]  }
0x190: {  	v5 =	vld [tilespmem:s0+$0x11720]  }
0x191: {  	v6 =	vld [tilespmem:s0+$0x11700]  }
0x192: {  	v9 =	vld [tilespmem:s0+$0x11360]  }
0x193: {  	v63 =	vld [tilespmem:s0+$0x11340]  }
0x194: {  	v10 =	vld [tilespmem:s0+$0x11320];
	v4 =	vmul.f32 v4, v43;
	v2 =	vmul.f32 v2, v45  }
0x195: {  	v3 =	vmul.f32 v3, v43;
	v5 =	vmul.f32 v5, v45  }
0x196: {  	v0 =	vmul.f32 v0, v45;
	v60 =	vmul.f32 v60, v43  }
0x197: {  	v8 =	vld [tilespmem:s0+$0x11370];
	v6 =	vmul.f32 v6, v45;
	v9 =	vmul.f32 v9, v45  }
0x198: {  	v7 =	vld [tilespmem:s0+$0x5370];
	v63 =	vmul.f32 v63, v45;
	v56 =	vmul.f32 v56, v43;
	v2 =	vadd.f32 v2, v4  }
0x199: {  	v62 =	vld [tilespmem:s0+$0x11350];
	v55 =	vmul.f32 v55, v43;
	v10 =	vmul.f32 v10, v45;
	v3 =	vadd.f32 v5, v3  }
0x19a: {  	v20 =	vmul.f32 v20, v43;
	v19 =	vmul.f32 v19, v45;
	v4 =	vld [tilespmem:s0+$0x11330];
	v6 =	vadd.f32 v6, v60;
	[tilespmem:s0+$0x5730] =	vst v2  }
0x19b: {  	v5 =	vmul.f32 v61, v43;
	v60 =	vmul.f32 v58, v43;
	v58 =	vld [tilespmem:s0+$0x10F30];
	v10 =	vadd.f32 v10, v55;
	[tilespmem:s0+$0x5720] =	vst v3  }
0x19c: {  	v61 =	vmul.f32 v8, v45;
	v8 =	vmul.f32 v59, v43;
	v19 =	vadd.f32 v19, v20;
	v2 =	vld [tilespmem:s0+$0x11310];
	[tilespmem:s0+$0x5700] =	vst v6  }
0x19d: {  	v54 =	vmul.f32 v54, v43;
	v0 =	vadd.f32 v0, v5;
	v3 =	vld [tilespmem:s0+$0x11300];
	v5 =	vmul.f32 v7, v43;
	[tilespmem:s0+$0x5320] =	vst v10  }
0x19e: {  	v53 =	vmul.f32 v53, v43;
	v6 =	vld [tilespmem:s0+$0x10F60];
	v8 =	vadd.f32 v9, v8;
	v9 =	vmul.f32 v57, v43;
	[tilespmem:s0+$0x4330] =	vst v19  }
0x19f: {  	v52 =	vmul.f32 v52, v43;
	v10 =	vld [tilespmem:s0+$0x10F00];
	[tilespmem:s0+$0x5710] =	vst v0;
	v5 =	vadd.f32 v61, v5;
	v61 =	vmul.f32 v62, v45  }
0x1a0: {  	v51 =	vmul.f32 v51, v43;
	v0 =	vld [tilespmem:s0+$0x10F70];
	[tilespmem:s0+$0x5360] =	vst v8;
	v9 =	vadd.f32 v63, v9;
	v4 =	vmul.f32 v4, v45  }
0x1a1: {  	v50 =	vmul.f32 v50, v43;
	v59 =	vld [tilespmem:s0+$0x10F10];
	[tilespmem:s0+$0x5370] =	vst v5;
	v7 =	vadd.f32 v61, v60;
	v2 =	vmul.f32 v2, v45  }
0x1a2: {  	v49 =	vmul.f32 v49, v43;
	v62 =	vld [tilespmem:s0+$0x10F50];
	[tilespmem:s0+$0x5340] =	vst v9;
	v4 =	vadd.f32 v4, v56;
	v3 =	vmul.f32 v3, v45  }
0x1a3: {  	v48 =	vmul.f32 v48, v43;
	v9 =	vld [tilespmem:s0+$0x10F20];
	v6 =	vmul.f32 v6, v45;
	[tilespmem:s0+$0x5350] =	vst v7;
	v2 =	vadd.f32 v2, v54  }
0x1a4: {  	v44 =	vmul.f32 v44, v43;
	v8 =	vld [tilespmem:s0+$0x10F40];
	v10 =	vmul.f32 v10, v45;
	[tilespmem:s0+$0x5330] =	vst v4;
	v3 =	vadd.f32 v3, v53  }
0x1a5: {  	v47 =	vmul.f32 v47, v43;
	v57 =	vld [tilespmem:s0+$0x10300];
	v0 =	vmul.f32 v0, v45;
	v6 =	vadd.f32 v6, v51;
	[tilespmem:s0+$0x5310] =	vst v2  }
0x1a6: {  	v46 =	vmul.f32 v46, v43;
	v60 =	vld [tilespmem:s0+$0x10B40];
	v7 =	vmul.f32 v58, v45;
	v10 =	vadd.f32 v10, v44;
	[tilespmem:s0+$0x5300] =	vst v3  }
0x1a7: {  	v42 =	vmul.f32 v42, v43;
	v5 =	vmul.f32 v62, v45;
	v2 =	vld [tilespmem:s0+$0x10B70];
	v0 =	vadd.f32 v0, v52;
	[tilespmem:s0+$0x4F60] =	vst v6  }
0x1a8: {  	v41 =	vmul.f32 v41, v43;
	v62 =	vld [tilespmem:s0+$0x10B10];
	v7 =	vadd.f32 v7, v48;
	v9 =	vmul.f32 v9, v45;
	[tilespmem:s0+$0x4F00] =	vst v10  }
0x1a9: {  	v40 =	vmul.f32 v40, v43;
	v8 =	vmul.f32 v8, v45;
	v5 =	vadd.f32 v5, v50;
	[tilespmem:s0+$0x4F70] =	vst v0;
	v0 =	vld [tilespmem:s0+$0x10B50]  }
0x1aa: {  	v39 =	vmul.f32 v39, v43;
	v4 =	vmul.f32 v59, v45;
	v3 =	vld [tilespmem:s0+$0x10B60];
	[tilespmem:s0+$0x4F30] =	vst v7;
	v9 =	vadd.f32 v9, v47  }
0x1ab: {  	v16 =	vmul.f32 v16, v43;
	v15 =	vmul.f32 v15, v45;
	v8 =	vadd.f32 v8, v49;
	v10 =	vld [tilespmem:s0+$0x10760];
	[tilespmem:s0+$0x4F50] =	vst v5  }
0x1ac: {  	v38 =	vmul.f32 v38, v43;
	v4 =	vadd.f32 v4, v46;
	[tilespmem:s0+$0x4F20] =	vst v9;
	v9 =	vld [tilespmem:s0+$0x10B00];
	v2 =	vmul.f32 v2, v45  }
0x1ad: {  	v37 =	vmul.f32 v37, v43;
	v6 =	vmul.f32 v60, v45;
	v60 =	vadd.f32 v15, v16;
	[tilespmem:s0+$0x4F40] =	vst v8;
	v8 =	vld [tilespmem:s0+$0x10B20]  }
0x1ae: {  	v36 =	vmul.f32 v36, v43;
	v61 =	vld [tilespmem:s0+$0x10B30];
	[tilespmem:s0+$0x4F10] =	vst v4;
	v2 =	vadd.f32 v2, v42;
	v0 =	vmul.f32 v0, v45  }
0x1af: {  	v35 =	vmul.f32 v35, v43;
	v63 =	vld [tilespmem:s0+$0x10770];
	v6 =	vadd.f32 v6, v39;
	[tilespmem:s0+$0x4310] =	vst v60;
	v7 =	vmul.f32 v62, v45  }
0x1b0: {  	v34 =	vmul.f32 v34, v43;
	v3 =	vmul.f32 v3, v45;
	[tilespmem:s0+$0x4B70] =	vst v2;
	v2 =	vld [tilespmem:s0+$0x10750];
	v0 =	vadd.f32 v0, v40  }
0x1b1: {  	v44 =	vld [tilespmem:s0+$0x10710];
	v46 =	vmul.f32 v33, v43;
	[tilespmem:s0+$0x4B40] =	vst v6;
	v7 =	vadd.f32 v7, v36;
	v9 =	vmul.f32 v9, v45  }
0x1b2: {  	v10 =	vmul.f32 v10, v45;
	v3 =	vadd.f32 v3, v41;
	v8 =	vmul.f32 v8, v45;
	[tilespmem:s0+$0x4B50] =	vst v0;
	v0 =	vld [tilespmem:s0+$0x10730]  }
0x1b3: {  	v25 =	vmul.f32 v25, v43;
	v5 =	vmul.f32 v61, v45;
	v42 =	vld [tilespmem:s0+$0x10720];
	[tilespmem:s0+$0x4B10] =	vst v7;
	v9 =	vadd.f32 v9, v35  }
0x1b4: {  	v4 =	vmul.f32 v63, v45;
	v7 =	vadd.f32 v10, v46;
	v10 =	vld [tilespmem:s0+$0x10360];
	[tilespmem:s0+$0x4B60] =	vst v3;
	v8 =	vadd.f32 v8, v37  }
0x1b5: {  	v5 =	vadd.f32 v5, v38;
	v3 =	vld [tilespmem:s0+$0x10740];
	[tilespmem:s0+$0x4B00] =	vst v9;
	v9 =	vmul.f32 v32, v43;
	v2 =	vmul.f32 v2, v45  }
0x1b6: {  	v48 =	vmul.f32 v31, v43;
	v50 =	vmul.f32 v29, v43;
	v4 =	vadd.f32 v4, v34;
	[tilespmem:s0+$0x4B20] =	vst v8;
	v8 =	vld [tilespmem:s0+$0x10700]  }
0x1b7: {  	v47 =	vld [tilespmem:s0+$0x10370];
	[tilespmem:s0+$0x4B30] =	vst v5;
	v2 =	vadd.f32 v2, v9;
	v9 =	vmul.f32 v30, v43;
	v0 =	vmul.f32 v0, v45  }
0x1b8: {  	v56 =	vld [tilespmem:s0+$0x5770];
	v52 =	vmul.f32 v26, v43;
	[tilespmem:s0+$0x4770] =	vst v4;
	v6 =	vmul.f32 v42, v45  }
0x1b9: {  	v53 =	vld [tilespmem:s0+$0x5740];
	v5 =	vmul.f32 v44, v45;
	[tilespmem:s0+$0x4760] =	vst v7;
	v10 =	vmul.f32 v10, v45;
	v0 =	vadd.f32 v0, v9  }
0x1ba: {  	v54 =	vld [tilespmem:s0+$0x5750];
	v3 =	vmul.f32 v3, v45;
	v4 =	vadd.f32 v6, v50;
	[tilespmem:s0+$0x4750] =	vst v2;
	v9 =	vmul.f32 v28, v43  }
0x1bb: {  	v10 =	vadd.f32 v10, v25;
	v51 =	vmul.f32 v8, v45;
	v2 =	vld [tilespmem:s0+$0x11750];
	[tilespmem:s0+$0x4730] =	vst v0;
	v0 =	vmul.f32 v27, v43  }
0x1bc: {  	v49 =	vld [tilespmem:s0+$0x11740];
	v3 =	vadd.f32 v3, v48;
	[tilespmem:s0+$0x4720] =	vst v4;
	v5 =	vadd.f32 v5, v9;
	v9 =	vmul.f32 v47, v45  }
0x1bd: {  	v8 =	vld [tilespmem:s0+$0x11770];
	[tilespmem:s0+$0x4360] =	vst v10;
	v0 =	vadd.f32 v51, v0  }
0x1be: {  	v23 =	vmul.f32 v23, v45;
	[tilespmem:s0+$0x4740] =	vst v3;
	v3 =	vld [tilespmem:s0+$0x11760];
	v4 =	vadd.f32 v9, v52;
	v9 =	vmul.f32 v24, v43  }
0x1bf: {  	v21 =	vmul.f32 v21, v45;
	v55 =	vmul.f32 v22, v43;
	[tilespmem:s0+$0x4700] =	vst v0;
	v0 =	vld [tilespmem:s0+$0x5760]  }
0x1c0: {  	v58 =	vld [tilespmem:s0+$0x4300];
	[tilespmem:s0+$0x4710] =	vst v5;
	v5 =	vmul.f32 v54, v43;
	v2 =	vmul.f32 v2, v45;
	v9 =	vadd.f32 v23, v9  }
0x1c1: {  	v17 =	vmul.f32 v17, v45;
	v10 =	vmul.f32 v18, v43;
	[tilespmem:s0+$0x4370] =	vst v4;
	v4 =	vadd.f32 v21, v55  }
0x1c2: {  	v59 =	vmul.f32 v49, v45;
	v6 =	vmul.f32 v53, v43;
	v2 =	vadd.f32 v2, v5;
	[tilespmem:s0+$0x4350] =	vst v9  }
0x1c3: {  	v61 =	vmul.f32 v56, v43;
	v62 =	vmul.f32 v8, v45;
	v9 =	vadd.f32 v17, v10;
	[tilespmem:s0+$0x4340] =	vst v4  }
0x1c4: {  	v3 =	vmul.f32 v3, v45;
	v4 =	vadd.f32 v59, v6;
	[tilespmem:s0+$0x5750] =	vst v2;
	v0 =	vmul.f32 v0, v43  }
0x1c5: {  	v63 =	vmul.f32 v58, v43;
	v8 =	vmul.f32 v57, v45;
	v2 =	vadd.f32 v62, v61;
	[tilespmem:s0+$0x4320] =	vst v9  }
0x1c6: {  	[tilespmem:s0+$0x5740] =	vst v4;
	v0 =	vadd.f32 v3, v0  }
0x1c7: {  	s31 =	sadd.s32 $0x1, s31;
	[tilespmem:s0+$0x5770] =	vst v2;
	v3 =	vadd.f32 v8, v63  }
0x1c8: {  	p0 =	sne.s32 s31, s10;
	[tilespmem:s0+$0x5760] =	vst v0  }
.Ltmp1:
0x1c9: {  	[tilespmem:s0+$0x4300] =	vst v3;
	(pc) =	sbr.rel @p0 .LBB2_1-.Ltmp1, $4  }
0x1ca: {  	[hbm4b:s9+s2] =	stream.linear.scatter [tilespmem:s14], [sflag:$0x2], $0xC000, $0x38;
	[tilespmem:$0x1C300] =	vst v63  }
0x1cb: {  	_ =	swait.ge [sflag:s11], $0xC000  }
0x1cc: {  	[sflag:s11] =	ssyncset.done $0x0  }
0x1cd: {  	[sflag:s11] =	ssyncadd.s32 $0xFFFF4000  }
0x1ce: {  	_ =	sfence.sel $0x180000  }
0x1cf: {  	[bflag:$0x0] =	sbarrier.arrive $0xFFFF  }
0x1d0: {  	_ =	strace $0x9000004A  }
0x1d1: {  	s0 =	stileid.u32;
	[bflag:$0x2] =	sbarrier.arrive $0xFFFF  }
0x1d2: {  	p0 =	sne.s32 s0, $0x0;
	s0 =	rddreg [dreg:$0x2]  }
0x1d3: {  	s0 =	sadd.s32 @!p0 $0x100000, s0  }
0x1d4: {  	[sflag:s0] =	ssyncadd.tile.s32 @!p0 $0x1;
	_ =	shalt  }
.Lfunc_end2:
_tile_overlayer_lowered:
.L_overlay_start_2:
0x1d5: {  	(tag) =	ssettag $0x2  }
0x1d6: {  	s0 =	rddreg [dreg:$0x0];
	s2 =	stileid.u32  }
0x1d7: {  	s1 =	rddreg [dreg:$0x1];
	p0 =	sne.s32 s2, $0x0  }
0x1d8: {  	s3 =	rddreg [dreg:$0x2];
	[bflag:$0x3] =	sbarrier.arrive $0xFFFF;
	s2 =	simm.s32 @!p0 $0x1C02  }
0x1d9: {  	[timem:s3], [sflag:s2] =	dma.local @!p0 [hbm:s0], s1  }
0x1da: {  	s0 =	simm.s32 @!p0 $0x2  }
0x1db: {  	_ =	swait.ge @!p0 [sflag:s0], s1  }
0x1dc: {  	s1 =	ssub.s32 @!p0 $0x0, s1;
	[sflag:s0] =	ssyncset.done @!p0 $0x0  }
0x1dd: {  	[sflag:s0] =	ssyncadd.s32 @!p0 s1  }
0x1de: {  	[bflag:$0x3] =	sbarrier.arrive $0xFFFF  }
0x1df: {  	_ =	shalt  }

</sc_bundles>
